<compile_context>
chip_gen: v7x
topology: tpu7x:2x2x1
jax: 0.10.2.dev20260603
libtpu: 0.0.44.dev20260713+nightly
codegen_flags: <defaults>
</compile_context>

<pallas_src>
import functools

import jax
import jax.numpy as jnp
from jax import lax
from jax.experimental import pallas as pl
from jax.experimental.pallas import tpu as pltpu
from jax.experimental.pallas import tpu_sc as plsc

_N_NODES = 10000
_N_EDGES = 320000
_D = 128

_NC, _NS = 2, 16
_NW = _NC * _NS
_CH = 128
_EPAD = 327680
_NHALF = 2
_HALF_E = _EPAD // _NHALF
_CPT = _HALF_E // (_NW * _CH)
_EPT = _CPT * _CH
_NACC = _N_NODES + 16
_RPT = 624
_L = 16


_EB = 10240


_DW = _D + 16


def _payload_body(eat_ref, w1te_ref, out_ref):
    aT = eat_ref[...]
    y = jax.lax.dot_general(
        aT, w1te_ref[...], (((0,), (0,)), ((), ())),
        preferred_element_type=jnp.float32,
        precision=jax.lax.Precision.DEFAULT)
    h = jnp.maximum(y[:, :_D], 0.0)
    w = 1.0 / (1.0 + jnp.exp(-y[:, _D:_D + 1]))
    out_ref[...] = h * w


def _payload(ea_t, w1te, half):
    grid = (_HALF_E // _EB,)
    blk_off = half * (_HALF_E // _EB)
    return pl.pallas_call(
        _payload_body,
        grid=grid,
        in_specs=[
            pl.BlockSpec((5, _EB), lambda i: (0, i + blk_off)),
            pl.BlockSpec((5, _DW), lambda i: (0, 0)),
        ],
        out_specs=pl.BlockSpec((_EB, _D), lambda i: (i, 0)),
        out_shape=jax.ShapeDtypeStruct((_HALF_E, _D), jnp.float32),
    )(ea_t, w1te)




def _sigmoid16(v):
    return 1.0 / (1.0 + jnp.exp(-v))


def _sc_body(g_hbm, idx_hbm, ea2_hbm, outa_hbm, outs_hbm,
             rows0, rows1, idx0, idx1, ea0, ea1, s_v, acc_sh, sem0, sem1):
    c = lax.axis_index("c")
    s = lax.axis_index("s")
    wid = s * _NC + c
    r0 = s * _RPT
    rr = _NS * _RPT
    zv = jnp.zeros((_L,), jnp.float32)

    def zbody(i, carry):
        for k in range(_D // _L):
            rows0[i, pl.ds(k * _L, _L)] = zv
            rows1[i, pl.ds(k * _L, _L)] = zv
        return carry

    lax.fori_loop(0, _CH, zbody, 0)
    pltpu.async_copy(rows0, acc_sh.at[pl.ds(r0, _CH)], sem0)
    pltpu.async_copy(rows1, acc_sh.at[pl.ds(r0 + _CH, _CH)], sem1)
    pltpu.async_copy(rows0, acc_sh.at[pl.ds(r0 + 2 * _CH, _CH)], sem0)
    pltpu.async_copy(rows1, acc_sh.at[pl.ds(r0 + 3 * _CH, _CH)], sem1)
    pltpu.async_copy(rows0.at[pl.ds(0, _RPT - 4 * _CH)],
                     acc_sh.at[pl.ds(r0 + 4 * _CH, _RPT - 4 * _CH)], sem0)

    @pl.when(s == _NS - 1)
    def _():
        pltpu.async_copy(rows1.at[pl.ds(0, _NACC - rr)],
                         acc_sh.at[pl.ds(rr, _NACC - rr)], sem1)

    def sbody(i, carry):
        for k in range(8):
            s_v[pl.ds(i * 8 * _L + k * _L, _L)] = zv
        return carry

    lax.fori_loop(0, _NACC // (8 * _L), sbody, 0)
    for k in range(2):
        s_v[pl.ds((_NACC // (8 * _L)) * 8 * _L + k * _L, _L)] = zv

    pltpu.make_async_copy(rows0, acc_sh.at[pl.ds(r0, _CH)], sem0).wait()
    pltpu.make_async_copy(rows0, acc_sh.at[pl.ds(r0, _CH)], sem0).wait()
    pltpu.make_async_copy(rows0.at[pl.ds(0, _RPT - 4 * _CH)],
                          acc_sh.at[pl.ds(r0, _RPT - 4 * _CH)], sem0).wait()
    pltpu.make_async_copy(rows1, acc_sh.at[pl.ds(r0, _CH)], sem1).wait()
    pltpu.make_async_copy(rows1, acc_sh.at[pl.ds(r0, _CH)], sem1).wait()

    @pl.when(s == _NS - 1)
    def _():
        pltpu.make_async_copy(rows1.at[pl.ds(0, _NACC - rr)],
                              acc_sh.at[pl.ds(rr, _NACC - rr)], sem1).wait()

    ebase = wid * _EPT
    bufs = (rows0, rows1)
    idxs = (idx0, idx1)
    eas = (ea0, ea1)
    sems = (sem0, sem1)

    def start(off, slot):
        pltpu.async_copy(g_hbm.at[pl.ds(off, _CH)], bufs[slot], sems[slot])
        pltpu.async_copy(idx_hbm.at[pl.ds(off, _CH)], idxs[slot], sems[slot])
        pltpu.async_copy(ea2_hbm.at[pl.ds(off, _CH)], eas[slot], sems[slot])

    start(ebase, 0)

    def outer(gi, carry):
        for b in range(2):
            j = gi * 2 + b

            @pl.when(j + 1 < _CPT)
            def _():
                start(ebase + (j + 1) * _CH, 1 - b)

            pltpu.make_async_copy(
                g_hbm.at[pl.ds(0, _CH)], bufs[b], sems[b]).wait()
            pltpu.make_async_copy(
                idx_hbm.at[pl.ds(0, _CH)], idxs[b], sems[b]).wait()
            pltpu.make_async_copy(
                ea2_hbm.at[pl.ds(0, _CH)], eas[b], sems[b]).wait()
            pltpu.sync_copy(bufs[b], acc_sh.at[idxs[b]], add=True)
            for k in range(_CH // _L):
                idx16 = idxs[b][pl.ds(k * _L, _L)]
                wv = _sigmoid16(eas[b][pl.ds(k * _L, _L)])
                plsc.addupdate_scatter(s_v, [idx16], wv)
        return carry

    lax.fori_loop(0, _CPT // 2, outer, 0)

    plsc.subcore_barrier()
    pltpu.sync_copy(acc_sh.at[pl.ds(r0, _RPT)],
                    outa_hbm.at[c, pl.ds(r0, _RPT)])

    @pl.when(s == _NS - 1)
    def _():
        pltpu.sync_copy(acc_sh.at[pl.ds(rr, _N_NODES - rr)],
                        outa_hbm.at[c, pl.ds(rr, _N_NODES - rr)])

    pltpu.sync_copy(s_v, outs_hbm.at[wid])


def _sc_scatter(payload, idx1d, ea2_1d):
    mesh = plsc.VectorSubcoreMesh(core_axis_name="c", subcore_axis_name="s")
    fn = functools.partial(
        pl.kernel,
        mesh=mesh,
        compiler_params=pltpu.CompilerParams(needs_layout_passes=False),
        out_type=[
            jax.ShapeDtypeStruct((_NC, _N_NODES, _D), jnp.float32),
            jax.ShapeDtypeStruct((_NW, _NACC), jnp.float32),
        ],
        scratch_types=[
            pltpu.VMEM((_CH, _D), jnp.float32),
            pltpu.VMEM((_CH, _D), jnp.float32),
            pltpu.VMEM((_CH,), jnp.int32),
            pltpu.VMEM((_CH,), jnp.int32),
            pltpu.VMEM((_CH,), jnp.float32),
            pltpu.VMEM((_CH,), jnp.float32),
            pltpu.VMEM((_NACC,), jnp.float32),
            pltpu.VMEM_SHARED((_NACC, _D), jnp.float32),
            pltpu.SemaphoreType.DMA,
            pltpu.SemaphoreType.DMA,
        ],
    )(_sc_body)
    return fn(payload, idx1d, ea2_1d)



_NB = 1000


def _final_body(x_ref, acca_ref, accb_ref, sa_ref, sb_ref,
                w2_ref, b2_ref, out_ref):
    a = (acca_ref[0] + acca_ref[1]) + (accb_ref[0] + accb_ref[1])
    y = jax.lax.dot_general(
        a, w2_ref[...], (((1,), (1,)), ((), ())),
        preferred_element_type=jnp.float32,
        precision=jax.lax.Precision.HIGHEST)
    sw = (jnp.sum(sa_ref[...], axis=1, keepdims=True)
          + jnp.sum(sb_ref[...], axis=1, keepdims=True))
    out_ref[...] = x_ref[...] + y + sw * b2_ref[...]


def _final(x, acc_a, acc_b, sa_t, sb_t, W2, b2):
    grid = (_N_NODES // _NB,)
    return pl.pallas_call(
        _final_body,
        grid=grid,
        in_specs=[
            pl.BlockSpec((_NB, _D), lambda i: (i, 0)),
            pl.BlockSpec((_NC, _NB, _D), lambda i: (0, i, 0)),
            pl.BlockSpec((_NC, _NB, _D), lambda i: (0, i, 0)),
            pl.BlockSpec((_NB, _NW), lambda i: (i, 0)),
            pl.BlockSpec((_NB, _NW), lambda i: (i, 0)),
            pl.BlockSpec((_D, _D), lambda i: (0, 0)),
            pl.BlockSpec((1, _D), lambda i: (0, 0)),
        ],
        out_specs=pl.BlockSpec((_NB, _D), lambda i: (i, 0)),
        out_shape=jax.ShapeDtypeStruct((_N_NODES, _D), jnp.float32),
    )(x, acc_a, acc_b, sa_t, sb_t, W2, b2[None, :])


def kernel(x, edge_index, edge_attr, W1, b1, W2, b2):
    npad = _EPAD - _N_EDGES
    dst = edge_index[1].astype(jnp.int32)
    pad_idx = _N_NODES + (jnp.arange(npad, dtype=jnp.int32) % 16)
    idx1d = jnp.concatenate([dst, pad_idx])
    ea_t = jnp.pad(edge_attr.T, ((0, 1), (0, npad)), constant_values=1.0)
    ea2_1d = ea_t[2]
    e2 = jnp.zeros((4, _DW - _D), jnp.float32).at[2, 0].set(1.0)
    top = jnp.concatenate([W1.T, e2], axis=1)
    bot = jnp.concatenate(
        [b1[None, :], jnp.zeros((1, _DW - _D), jnp.float32)], axis=1)
    w1te = jnp.concatenate([top, bot], axis=0)

    pay_a = _payload(ea_t, w1te, 0)
    pay_b = _payload(ea_t, w1te, 1)
    acc_a, s_a = _sc_scatter(pay_a, idx1d[:_HALF_E], ea2_1d[:_HALF_E])
    acc_b, s_b = _sc_scatter(pay_b, idx1d[_HALF_E:], ea2_1d[_HALF_E:])
    return _final(x, acc_a, acc_b, s_a.T, s_b.T, W2, b2)

# --- scband reference (transcript-rebuilt; emitter-appended) ---
"""Pipeline reference for scband-edge-feature-injector-21045339750818 (READ-ONLY COPY).

The authoritative reference and input builder live on the scoring server;
editing this copy changes nothing except your own understanding.
"""

import jax, jax.numpy as jnp
import numpy as np

N_NODES = 10000
N_EDGES = 320000
NODE_DIM = 128
EDGE_DIM = 4


def setup_inputs(seed: int = 0) -> dict:
    key = jax.random.key(seed)
    k_x, k_ei, k_ea, k_w1, k_b1, k_w2, k_b2 = jax.random.split(key, 7)
    x = jax.random.normal(k_x, (N_NODES, NODE_DIM), dtype=jnp.float32)
    edge_index = jax.random.randint(k_ei, (2, N_EDGES), 0, N_NODES, dtype=jnp.int64)
    edge_attr = jax.random.normal(k_ea, (N_EDGES, EDGE_DIM), dtype=jnp.float32)
    # edge_mlp params: Linear(edge_dim -> node_dim), ReLU, Linear(node_dim -> node_dim)
    lim1 = 1.0 / np.sqrt(EDGE_DIM)
    W1 = jax.random.uniform(k_w1, (NODE_DIM, EDGE_DIM), minval=-lim1, maxval=lim1, dtype=jnp.float32)
    b1 = jax.random.uniform(k_b1, (NODE_DIM,), minval=-lim1, maxval=lim1, dtype=jnp.float32)
    lim2 = 1.0 / np.sqrt(NODE_DIM)
    W2 = jax.random.uniform(k_w2, (NODE_DIM, NODE_DIM), minval=-lim2, maxval=lim2, dtype=jnp.float32)
    b2 = jax.random.uniform(k_b2, (NODE_DIM,), minval=-lim2, maxval=lim2, dtype=jnp.float32)
    return {"x": x, "edge_index": edge_index, "edge_attr": edge_attr,
            "W1": W1, "b1": b1, "W2": W2, "b2": b2}


def reference(x, edge_index, edge_attr, W1, b1, W2, b2):
    src = edge_index[0]
    dst = edge_index[1]
    h = jnp.dot(edge_attr, W1.T) + b1
    h = jax.nn.relu(h)
    edge_msg = jnp.dot(h, W2.T) + b2
    wind_weight = jax.nn.sigmoid(edge_attr[:, 2:3])
    edge_msg = edge_msg * wind_weight
    out = jnp.zeros_like(x).at[dst].add(edge_msg)
    return x + out

if __name__ == "__main__":
    import jax
    _d = setup_inputs()
    print(jax.jit(kernel)(*tuple(_d.values())))

</pallas_src>

<mosaic_0001>
#map = affine_map<(d0, d1) -> (0, 0)>
#map1 = affine_map<(d0, d1) -> (0)>
#map2 = affine_map<(d0, d1) -> (0, 0, 0)>
module attributes {stable_mosaic.version = 14 : i64} {
  func.func @_sc_body(%arg0: i32, %arg1: i32, %arg2: memref<163840x128xf32, #tpu.memory_space<hbm>>, %arg3: memref<163840xi32, #tpu.memory_space<hbm>>, %arg4: memref<163840xf32, #tpu.memory_space<hbm>>, %arg5: memref<2x10000x128xf32, #tpu.memory_space<hbm>>, %arg6: memref<32x10016xf32, #tpu.memory_space<hbm>>, %arg7: memref<128x128xf32, #tpu.memory_space<vmem>>, %arg8: memref<128x128xf32, #tpu.memory_space<vmem>>, %arg9: memref<128xi32, #tpu.memory_space<vmem>>, %arg10: memref<128xi32, #tpu.memory_space<vmem>>, %arg11: memref<128xf32, #tpu.memory_space<vmem>>, %arg12: memref<128xf32, #tpu.memory_space<vmem>>, %arg13: memref<10016xf32, #tpu.memory_space<vmem>>, %arg14: memref<10016x128xf32, #tpu.memory_space<vmem_shared>>, %arg15: memref<!tpu.dma_semaphore, #tpu.memory_space<semaphore_mem>>, %arg16: memref<!tpu.dma_semaphore, #tpu.memory_space<semaphore_mem>>) attributes {dimension_semantics = [#tpu.dimension_semantics<core_parallel>, #tpu.dimension_semantics<subcore_parallel>], iteration_bounds = array<i64: 2, 16>, scalar_prefetch = 0 : i64, scratch_operands = 10 : i64, tpu.core_type = #tpu.core_type<sc_vector_subcore>, window_params = [{transform_indices = #map}, {transform_indices = #map1}, {transform_indices = #map1}, {transform_indices = #map2}, {transform_indices = #map}]} {
    %mul3A = arith.constant 2 : i32
    %mul3A_0 = arith.muli %arg1, %mul3A : i32
    %add3A = arith.addi %mul3A_0, %arg0 : i32
    %mul3A_1 = arith.constant 624 : i32
    %mul3A_2 = arith.muli %arg1, %mul3A_1 : i32
    %broadcast_in_dim3A = arith.constant 0.000000e+00 : f32
    %broadcast_in_dim3A_3 = vector.broadcast %broadcast_in_dim3A : f32 to vector<16xf32>
    %scan3A = arith.constant 0 : i32
    %scan3A_4 = arith.constant 0 : i32
    %scan3A_5 = arith.constant 128 : i32
    %scan3A_6 = arith.addi %scan3A_4, %scan3A_5 : i32
    %scan3A_7 = arith.constant 1 : i32
    scf.for %scan3A_104 = %scan3A_4 to %scan3A_6 step %scan3A_7  : i32 {
      %swap3A_105 = arith.index_cast %scan3A_104 : i32 to index
      %swap3A_106 = arith.constant 0 : index
      %swap3A_107 = tpu.vector_load %arg7[%swap3A_105, %swap3A_106] {strides = array<i32>} : memref<128x128xf32, #tpu.memory_space<vmem>>, vector<16xf32>,
      tpu.vector_store %arg7[%swap3A_105, %swap3A_106], %broadcast_in_dim3A_3 {strides = array<i32>} : memref<128x128xf32, #tpu.memory_space<vmem>>, vector<16xf32>,
      %swap3A_108 = arith.index_cast %scan3A_104 : i32 to index
      %swap3A_109 = arith.constant 0 : index
      %swap3A_110 = tpu.vector_load %arg8[%swap3A_108, %swap3A_109] {strides = array<i32>} : memref<128x128xf32, #tpu.memory_space<vmem>>, vector<16xf32>,
      tpu.vector_store %arg8[%swap3A_108, %swap3A_109], %broadcast_in_dim3A_3 {strides = array<i32>} : memref<128x128xf32, #tpu.memory_space<vmem>>, vector<16xf32>,
      %swap3A_111 = arith.index_cast %scan3A_104 : i32 to index
      %swap3A_112 = arith.constant 16 : index
      %swap3A_113 = tpu.vector_load %arg7[%swap3A_111, %swap3A_112] {strides = array<i32>} : memref<128x128xf32, #tpu.memory_space<vmem>>, vector<16xf32>,
      tpu.vector_store %arg7[%swap3A_111, %swap3A_112], %broadcast_in_dim3A_3 {strides = array<i32>} : memref<128x128xf32, #tpu.memory_space<vmem>>, vector<16xf32>,
      %swap3A_114 = arith.index_cast %scan3A_104 : i32 to index
      %swap3A_115 = arith.constant 16 : index
      %swap3A_116 = tpu.vector_load %arg8[%swap3A_114, %swap3A_115] {strides = array<i32>} : memref<128x128xf32, #tpu.memory_space<vmem>>, vector<16xf32>,
      tpu.vector_store %arg8[%swap3A_114, %swap3A_115], %broadcast_in_dim3A_3 {strides = array<i32>} : memref<128x128xf32, #tpu.memory_space<vmem>>, vector<16xf32>,
      %swap3A_117 = arith.index_cast %scan3A_104 : i32 to index
      %swap3A_118 = arith.constant 32 : index
      %swap3A_119 = tpu.vector_load %arg7[%swap3A_117, %swap3A_118] {strides = array<i32>} : memref<128x128xf32, #tpu.memory_space<vmem>>, vector<16xf32>,
      tpu.vector_store %arg7[%swap3A_117, %swap3A_118], %broadcast_in_dim3A_3 {strides = array<i32>} : memref<128x128xf32, #tpu.memory_space<vmem>>, vector<16xf32>,
      %swap3A_120 = arith.index_cast %scan3A_104 : i32 to index
      %swap3A_121 = arith.constant 32 : index
      %swap3A_122 = tpu.vector_load %arg8[%swap3A_120, %swap3A_121] {strides = array<i32>} : memref<128x128xf32, #tpu.memory_space<vmem>>, vector<16xf32>,
      tpu.vector_store %arg8[%swap3A_120, %swap3A_121], %broadcast_in_dim3A_3 {strides = array<i32>} : memref<128x128xf32, #tpu.memory_space<vmem>>, vector<16xf32>,
      %swap3A_123 = arith.index_cast %scan3A_104 : i32 to index
      %swap3A_124 = arith.constant 48 : index
      %swap3A_125 = tpu.vector_load %arg7[%swap3A_123, %swap3A_124] {strides = array<i32>} : memref<128x128xf32, #tpu.memory_space<vmem>>, vector<16xf32>,
      tpu.vector_store %arg7[%swap3A_123, %swap3A_124], %broadcast_in_dim3A_3 {strides = array<i32>} : memref<128x128xf32, #tpu.memory_space<vmem>>, vector<16xf32>,
      %swap3A_126 = arith.index_cast %scan3A_104 : i32 to index
      %swap3A_127 = arith.constant 48 : index
      %swap3A_128 = tpu.vector_load %arg8[%swap3A_126, %swap3A_127] {strides = array<i32>} : memref<128x128xf32, #tpu.memory_space<vmem>>, vector<16xf32>,
      tpu.vector_store %arg8[%swap3A_126, %swap3A_127], %broadcast_in_dim3A_3 {strides = array<i32>} : memref<128x128xf32, #tpu.memory_space<vmem>>, vector<16xf32>,
      %swap3A_129 = arith.index_cast %scan3A_104 : i32 to index
      %swap3A_130 = arith.constant 64 : index
      %swap3A_131 = tpu.vector_load %arg7[%swap3A_129, %swap3A_130] {strides = array<i32>} : memref<128x128xf32, #tpu.memory_space<vmem>>, vector<16xf32>,
      tpu.vector_store %arg7[%swap3A_129, %swap3A_130], %broadcast_in_dim3A_3 {strides = array<i32>} : memref<128x128xf32, #tpu.memory_space<vmem>>, vector<16xf32>,
      %swap3A_132 = arith.index_cast %scan3A_104 : i32 to index
      %swap3A_133 = arith.constant 64 : index
      %swap3A_134 = tpu.vector_load %arg8[%swap3A_132, %swap3A_133] {strides = array<i32>} : memref<128x128xf32, #tpu.memory_space<vmem>>, vector<16xf32>,
      tpu.vector_store %arg8[%swap3A_132, %swap3A_133], %broadcast_in_dim3A_3 {strides = array<i32>} : memref<128x128xf32, #tpu.memory_space<vmem>>, vector<16xf32>,
      %swap3A_135 = arith.index_cast %scan3A_104 : i32 to index
      %swap3A_136 = arith.constant 80 : index
      %swap3A_137 = tpu.vector_load %arg7[%swap3A_135, %swap3A_136] {strides = array<i32>} : memref<128x128xf32, #tpu.memory_space<vmem>>, vector<16xf32>,
      tpu.vector_store %arg7[%swap3A_135, %swap3A_136], %broadcast_in_dim3A_3 {strides = array<i32>} : memref<128x128xf32, #tpu.memory_space<vmem>>, vector<16xf32>,
      %swap3A_138 = arith.index_cast %scan3A_104 : i32 to index
      %swap3A_139 = arith.constant 80 : index
      %swap3A_140 = tpu.vector_load %arg8[%swap3A_138, %swap3A_139] {strides = array<i32>} : memref<128x128xf32, #tpu.memory_space<vmem>>, vector<16xf32>,
      tpu.vector_store %arg8[%swap3A_138, %swap3A_139], %broadcast_in_dim3A_3 {strides = array<i32>} : memref<128x128xf32, #tpu.memory_space<vmem>>, vector<16xf32>,
      %swap3A_141 = arith.index_cast %scan3A_104 : i32 to index
      %swap3A_142 = arith.constant 96 : index
      %swap3A_143 = tpu.vector_load %arg7[%swap3A_141, %swap3A_142] {strides = array<i32>} : memref<128x128xf32, #tpu.memory_space<vmem>>, vector<16xf32>,
      tpu.vector_store %arg7[%swap3A_141, %swap3A_142], %broadcast_in_dim3A_3 {strides = array<i32>} : memref<128x128xf32, #tpu.memory_space<vmem>>, vector<16xf32>,
      %swap3A_144 = arith.index_cast %scan3A_104 : i32 to index
      %swap3A_145 = arith.constant 96 : index
      %swap3A_146 = tpu.vector_load %arg8[%swap3A_144, %swap3A_145] {strides = array<i32>} : memref<128x128xf32, #tpu.memory_space<vmem>>, vector<16xf32>,
      tpu.vector_store %arg8[%swap3A_144, %swap3A_145], %broadcast_in_dim3A_3 {strides = array<i32>} : memref<128x128xf32, #tpu.memory_space<vmem>>, vector<16xf32>,
      %swap3A_147 = arith.index_cast %scan3A_104 : i32 to index
      %swap3A_148 = arith.constant 112 : index
      %swap3A_149 = tpu.vector_load %arg7[%swap3A_147, %swap3A_148] {strides = array<i32>} : memref<128x128xf32, #tpu.memory_space<vmem>>, vector<16xf32>,
      tpu.vector_store %arg7[%swap3A_147, %swap3A_148], %broadcast_in_dim3A_3 {strides = array<i32>} : memref<128x128xf32, #tpu.memory_space<vmem>>, vector<16xf32>,
      %swap3A_150 = arith.index_cast %scan3A_104 : i32 to index
      %swap3A_151 = arith.constant 112 : index
      %swap3A_152 = tpu.vector_load %arg8[%swap3A_150, %swap3A_151] {strides = array<i32>} : memref<128x128xf32, #tpu.memory_space<vmem>>, vector<16xf32>,
      tpu.vector_store %arg8[%swap3A_150, %swap3A_151], %broadcast_in_dim3A_3 {strides = array<i32>} : memref<128x128xf32, #tpu.memory_space<vmem>>, vector<16xf32>,
    }
    %scan3A_8 = arith.constant 128 : i32
    %dma_start3A = arith.constant 0 : i32
    %dma_start3A_9 = tpu.memref_slice %arg14[%mul3A_2, %dma_start3A] : memref<10016x128xf32, #tpu.memory_space<vmem_shared>> -> memref<128x128xf32, #tpu.memory_space<vmem_shared>>
    %dma_start3A_10 = arith.constant 0 : i32
    %dma_start3A_11 = tpu.memref_slice %arg14[%mul3A_2, %dma_start3A_10] : memref<10016x128xf32, #tpu.memory_space<vmem_shared>> -> memref<128x128xf32, #tpu.memory_space<vmem_shared>>
    tpu.enqueue_dma source(%arg7 : memref<128x128xf32, #tpu.memory_space<vmem>>) target(%dma_start3A_11 : memref<128x128xf32, #tpu.memory_space<vmem_shared>>) target_semaphore(%arg15 : memref<!tpu.dma_semaphore, #tpu.memory_space<semaphore_mem>>)
    %add3A_12 = arith.constant 128 : i32
    %add3A_13 = arith.addi %mul3A_2, %add3A_12 : i32
    %dma_start3A_14 = arith.constant 0 : i32
    %dma_start3A_15 = tpu.memref_slice %arg14[%add3A_13, %dma_start3A_14] : memref<10016x128xf32, #tpu.memory_space<vmem_shared>> -> memref<128x128xf32, #tpu.memory_space<vmem_shared>>
    %dma_start3A_16 = arith.constant 0 : i32
    %dma_start3A_17 = tpu.memref_slice %arg14[%add3A_13, %dma_start3A_16] : memref<10016x128xf32, #tpu.memory_space<vmem_shared>> -> memref<128x128xf32, #tpu.memory_space<vmem_shared>>
    tpu.enqueue_dma source(%arg8 : memref<128x128xf32, #tpu.memory_space<vmem>>) target(%dma_start3A_17 : memref<128x128xf32, #tpu.memory_space<vmem_shared>>) target_semaphore(%arg16 : memref<!tpu.dma_semaphore, #tpu.memory_space<semaphore_mem>>)
    %add3A_18 = arith.constant 256 : i32
    %add3A_19 = arith.addi %mul3A_2, %add3A_18 : i32
    %dma_start3A_20 = arith.constant 0 : i32
    %dma_start3A_21 = tpu.memref_slice %arg14[%add3A_19, %dma_start3A_20] : memref<10016x128xf32, #tpu.memory_space<vmem_shared>> -> memref<128x128xf32, #tpu.memory_space<vmem_shared>>
    %dma_start3A_22 = arith.constant 0 : i32
    %dma_start3A_23 = tpu.memref_slice %arg14[%add3A_19, %dma_start3A_22] : memref<10016x128xf32, #tpu.memory_space<vmem_shared>> -> memref<128x128xf32, #tpu.memory_space<vmem_shared>>
    tpu.enqueue_dma source(%arg7 : memref<128x128xf32, #tpu.memory_space<vmem>>) target(%dma_start3A_23 : memref<128x128xf32, #tpu.memory_space<vmem_shared>>) target_semaphore(%arg15 : memref<!tpu.dma_semaphore, #tpu.memory_space<semaphore_mem>>)
    %add3A_24 = arith.constant 384 : i32
    %add3A_25 = arith.addi %mul3A_2, %add3A_24 : i32
    %dma_start3A_26 = arith.constant 0 : i32
    %dma_start3A_27 = tpu.memref_slice %arg14[%add3A_25, %dma_start3A_26] : memref<10016x128xf32, #tpu.memory_space<vmem_shared>> -> memref<128x128xf32, #tpu.memory_space<vmem_shared>>
    %dma_start3A_28 = arith.constant 0 : i32
    %dma_start3A_29 = tpu.memref_slice %arg14[%add3A_25, %dma_start3A_28] : memref<10016x128xf32, #tpu.memory_space<vmem_shared>> -> memref<128x128xf32, #tpu.memory_space<vmem_shared>>
    tpu.enqueue_dma source(%arg8 : memref<128x128xf32, #tpu.memory_space<vmem>>) target(%dma_start3A_29 : memref<128x128xf32, #tpu.memory_space<vmem_shared>>) target_semaphore(%arg16 : memref<!tpu.dma_semaphore, #tpu.memory_space<semaphore_mem>>)
    %add3A_30 = arith.constant 512 : i32
    %add3A_31 = arith.addi %mul3A_2, %add3A_30 : i32
    %dma_start3A_32 = arith.constant 0 : i32
    %dma_start3A_33 = arith.constant 0 : i32
    %dma_start3A_34 = tpu.memref_slice %arg7[%dma_start3A_32, %dma_start3A_33] : memref<128x128xf32, #tpu.memory_space<vmem>> -> memref<112x128xf32, #tpu.memory_space<vmem>>
    %dma_start3A_35 = arith.constant 0 : i32
    %dma_start3A_36 = tpu.memref_slice %arg14[%add3A_31, %dma_start3A_35] : memref<10016x128xf32, #tpu.memory_space<vmem_shared>> -> memref<112x128xf32, #tpu.memory_space<vmem_shared>>
    %dma_start3A_37 = arith.constant 0 : i32
    %dma_start3A_38 = tpu.memref_slice %arg14[%add3A_31, %dma_start3A_37] : memref<10016x128xf32, #tpu.memory_space<vmem_shared>> -> memref<112x128xf32, #tpu.memory_space<vmem_shared>>
    %dma_start3A_39 = arith.constant 0 : i32
    %dma_start3A_40 = arith.constant 0 : i32
    %dma_start3A_41 = tpu.memref_slice %arg7[%dma_start3A_39, %dma_start3A_40] : memref<128x128xf32, #tpu.memory_space<vmem>> -> memref<112x128xf32, #tpu.memory_space<vmem>>
    tpu.enqueue_dma source(%dma_start3A_41 : memref<112x128xf32, #tpu.memory_space<vmem>>) target(%dma_start3A_38 : memref<112x128xf32, #tpu.memory_space<vmem_shared>>) target_semaphore(%arg15 : memref<!tpu.dma_semaphore, #tpu.memory_space<semaphore_mem>>)
    %eq3A = arith.constant 15 : i32
    %eq3A_42 = arith.cmpi eq, %arg1, %eq3A : i32
    %convert_element_type3A = arith.extui %eq3A_42 : i1 to i32
    %cond3A = arith.constant 0 : i32
    %cond3A_43 = arith.cmpi ne, %convert_element_type3A, %cond3A : i32
    scf.if %cond3A_43 {
      %dma_start3A_104 = arith.constant 0 : i32
      %dma_start3A_105 = arith.constant 0 : i32
      %dma_start3A_106 = tpu.memref_slice %arg8[%dma_start3A_104, %dma_start3A_105] : memref<128x128xf32, #tpu.memory_space<vmem>> -> memref<32x128xf32, #tpu.memory_space<vmem>>
      %dma_start3A_107 = arith.constant 9984 : i32
      %dma_start3A_108 = arith.constant 0 : i32
      %dma_start3A_109 = tpu.memref_slice %arg14[%dma_start3A_107, %dma_start3A_108] : memref<10016x128xf32, #tpu.memory_space<vmem_shared>> -> memref<32x128xf32, #tpu.memory_space<vmem_shared>>
      %dma_start3A_110 = arith.constant 9984 : i32
      %dma_start3A_111 = arith.constant 0 : i32
      %dma_start3A_112 = tpu.memref_slice %arg14[%dma_start3A_110, %dma_start3A_111] : memref<10016x128xf32, #tpu.memory_space<vmem_shared>> -> memref<32x128xf32, #tpu.memory_space<vmem_shared>>
      %dma_start3A_113 = arith.constant 0 : i32
      %dma_start3A_114 = arith.constant 0 : i32
      %dma_start3A_115 = tpu.memref_slice %arg8[%dma_start3A_113, %dma_start3A_114] : memref<128x128xf32, #tpu.memory_space<vmem>> -> memref<32x128xf32, #tpu.memory_space<vmem>>
      tpu.enqueue_dma source(%dma_start3A_115 : memref<32x128xf32, #tpu.memory_space<vmem>>) target(%dma_start3A_112 : memref<32x128xf32, #tpu.memory_space<vmem_shared>>) target_semaphore(%arg16 : memref<!tpu.dma_semaphore, #tpu.memory_space<semaphore_mem>>)
    } else {
    }
    %scan3A_44 = arith.constant 0 : i32
    %scan3A_45 = arith.constant 0 : i32
    %scan3A_46 = arith.constant 78 : i32
    %scan3A_47 = arith.addi %scan3A_45, %scan3A_46 : i32
    %scan3A_48 = arith.constant 1 : i32
    scf.for %scan3A_104 = %scan3A_45 to %scan3A_47 step %scan3A_48  : i32 {
      %mul3A_105 = arith.constant 8 : i32
      %mul3A_106 = arith.muli %scan3A_104, %mul3A_105 : i32
      %mul3A_107 = arith.constant 16 : i32
      %mul3A_108 = arith.muli %mul3A_106, %mul3A_107 : i32
      %add3A_109 = arith.constant 0 : i32
      %add3A_110 = arith.addi %mul3A_108, %add3A_109 : i32
      %swap3A_111 = arith.index_cast %add3A_110 : i32 to index
      %swap3A_112 = tpu.vector_load %arg13[%swap3A_111] {strides = array<i32>} : memref<10016xf32, #tpu.memory_space<vmem>>, vector<16xf32>,
      tpu.vector_store %arg13[%swap3A_111], %broadcast_in_dim3A_3 {strides = array<i32>} : memref<10016xf32, #tpu.memory_space<vmem>>, vector<16xf32>,
      %mul3A_113 = arith.constant 8 : i32
      %mul3A_114 = arith.muli %scan3A_104, %mul3A_113 : i32
      %mul3A_115 = arith.constant 16 : i32
      %mul3A_116 = arith.muli %mul3A_114, %mul3A_115 : i32
      %add3A_117 = arith.constant 16 : i32
      %add3A_118 = arith.addi %mul3A_116, %add3A_117 : i32
      %swap3A_119 = arith.index_cast %add3A_118 : i32 to index
      %swap3A_120 = tpu.vector_load %arg13[%swap3A_119] {strides = array<i32>} : memref<10016xf32, #tpu.memory_space<vmem>>, vector<16xf32>,
      tpu.vector_store %arg13[%swap3A_119], %broadcast_in_dim3A_3 {strides = array<i32>} : memref<10016xf32, #tpu.memory_space<vmem>>, vector<16xf32>,
      %mul3A_121 = arith.constant 8 : i32
      %mul3A_122 = arith.muli %scan3A_104, %mul3A_121 : i32
      %mul3A_123 = arith.constant 16 : i32
      %mul3A_124 = arith.muli %mul3A_122, %mul3A_123 : i32
      %add3A_125 = arith.constant 32 : i32
      %add3A_126 = arith.addi %mul3A_124, %add3A_125 : i32
      %swap3A_127 = arith.index_cast %add3A_126 : i32 to index
      %swap3A_128 = tpu.vector_load %arg13[%swap3A_127] {strides = array<i32>} : memref<10016xf32, #tpu.memory_space<vmem>>, vector<16xf32>,
      tpu.vector_store %arg13[%swap3A_127], %broadcast_in_dim3A_3 {strides = array<i32>} : memref<10016xf32, #tpu.memory_space<vmem>>, vector<16xf32>,
      %mul3A_129 = arith.constant 8 : i32
      %mul3A_130 = arith.muli %scan3A_104, %mul3A_129 : i32
      %mul3A_131 = arith.constant 16 : i32
      %mul3A_132 = arith.muli %mul3A_130, %mul3A_131 : i32
      %add3A_133 = arith.constant 48 : i32
      %add3A_134 = arith.addi %mul3A_132, %add3A_133 : i32
      %swap3A_135 = arith.index_cast %add3A_134 : i32 to index
      %swap3A_136 = tpu.vector_load %arg13[%swap3A_135] {strides = array<i32>} : memref<10016xf32, #tpu.memory_space<vmem>>, vector<16xf32>,
      tpu.vector_store %arg13[%swap3A_135], %broadcast_in_dim3A_3 {strides = array<i32>} : memref<10016xf32, #tpu.memory_space<vmem>>, vector<16xf32>,
      %mul3A_137 = arith.constant 8 : i32
      %mul3A_138 = arith.muli %scan3A_104, %mul3A_137 : i32
      %mul3A_139 = arith.constant 16 : i32
      %mul3A_140 = arith.muli %mul3A_138, %mul3A_139 : i32
      %add3A_141 = arith.constant 64 : i32
      %add3A_142 = arith.addi %mul3A_140, %add3A_141 : i32
      %swap3A_143 = arith.index_cast %add3A_142 : i32 to index
      %swap3A_144 = tpu.vector_load %arg13[%swap3A_143] {strides = array<i32>} : memref<10016xf32, #tpu.memory_space<vmem>>, vector<16xf32>,
      tpu.vector_store %arg13[%swap3A_143], %broadcast_in_dim3A_3 {strides = array<i32>} : memref<10016xf32, #tpu.memory_space<vmem>>, vector<16xf32>,
      %mul3A_145 = arith.constant 8 : i32
      %mul3A_146 = arith.muli %scan3A_104, %mul3A_145 : i32
      %mul3A_147 = arith.constant 16 : i32
      %mul3A_148 = arith.muli %mul3A_146, %mul3A_147 : i32
      %add3A_149 = arith.constant 80 : i32
      %add3A_150 = arith.addi %mul3A_148, %add3A_149 : i32
      %swap3A_151 = arith.index_cast %add3A_150 : i32 to index
      %swap3A_152 = tpu.vector_load %arg13[%swap3A_151] {strides = array<i32>} : memref<10016xf32, #tpu.memory_space<vmem>>, vector<16xf32>,
      tpu.vector_store %arg13[%swap3A_151], %broadcast_in_dim3A_3 {strides = array<i32>} : memref<10016xf32, #tpu.memory_space<vmem>>, vector<16xf32>,
      %mul3A_153 = arith.constant 8 : i32
      %mul3A_154 = arith.muli %scan3A_104, %mul3A_153 : i32
      %mul3A_155 = arith.constant 16 : i32
      %mul3A_156 = arith.muli %mul3A_154, %mul3A_155 : i32
      %add3A_157 = arith.constant 96 : i32
      %add3A_158 = arith.addi %mul3A_156, %add3A_157 : i32
      %swap3A_159 = arith.index_cast %add3A_158 : i32 to index
      %swap3A_160 = tpu.vector_load %arg13[%swap3A_159] {strides = array<i32>} : memref<10016xf32, #tpu.memory_space<vmem>>, vector<16xf32>,
      tpu.vector_store %arg13[%swap3A_159], %broadcast_in_dim3A_3 {strides = array<i32>} : memref<10016xf32, #tpu.memory_space<vmem>>, vector<16xf32>,
      %mul3A_161 = arith.constant 8 : i32
      %mul3A_162 = arith.muli %scan3A_104, %mul3A_161 : i32
      %mul3A_163 = arith.constant 16 : i32
      %mul3A_164 = arith.muli %mul3A_162, %mul3A_163 : i32
      %add3A_165 = arith.constant 112 : i32
      %add3A_166 = arith.addi %mul3A_164, %add3A_165 : i32
      %swap3A_167 = arith.index_cast %add3A_166 : i32 to index
      %swap3A_168 = tpu.vector_load %arg13[%swap3A_167] {strides = array<i32>} : memref<10016xf32, #tpu.memory_space<vmem>>, vector<16xf32>,
      tpu.vector_store %arg13[%swap3A_167], %broadcast_in_dim3A_3 {strides = array<i32>} : memref<10016xf32, #tpu.memory_space<vmem>>, vector<16xf32>,
    }
    %scan3A_49 = arith.constant 78 : i32
    %swap3A = arith.constant 9984 : index
    %swap3A_50 = tpu.vector_load %arg13[%swap3A] {strides = array<i32>} : memref<10016xf32, #tpu.memory_space<vmem>>, vector<16xf32>,
    tpu.vector_store %arg13[%swap3A], %broadcast_in_dim3A_3 {strides = array<i32>} : memref<10016xf32, #tpu.memory_space<vmem>>, vector<16xf32>,
    %swap3A_51 = arith.constant 10000 : index
    %swap3A_52 = tpu.vector_load %arg13[%swap3A_51] {strides = array<i32>} : memref<10016xf32, #tpu.memory_space<vmem>>, vector<16xf32>,
    tpu.vector_store %arg13[%swap3A_51], %broadcast_in_dim3A_3 {strides = array<i32>} : memref<10016xf32, #tpu.memory_space<vmem>>, vector<16xf32>,
    %dma_wait3A = arith.constant 0 : i32
    %dma_wait3A_53 = tpu.memref_slice %arg14[%mul3A_2, %dma_wait3A] : memref<10016x128xf32, #tpu.memory_space<vmem_shared>> -> memref<128x128xf32, #tpu.memory_space<vmem_shared>>
    %dma_wait3A_54 = arith.constant 0 : i32
    %dma_wait3A_55 = tpu.memref_slice %arg14[%mul3A_2, %dma_wait3A_54] : memref<10016x128xf32, #tpu.memory_space<vmem_shared>> -> memref<128x128xf32, #tpu.memory_space<vmem_shared>>
    tpu.wait_dma2 semaphore(%arg15 : memref<!tpu.dma_semaphore, #tpu.memory_space<semaphore_mem>>) src(%arg7 : memref<128x128xf32, #tpu.memory_space<vmem>>) dst(%dma_wait3A_55 : memref<128x128xf32, #tpu.memory_space<vmem_shared>>)
    %dma_wait3A_56 = arith.constant 0 : i32
    %dma_wait3A_57 = tpu.memref_slice %arg14[%mul3A_2, %dma_wait3A_56] : memref<10016x128xf32, #tpu.memory_space<vmem_shared>> -> memref<128x128xf32, #tpu.memory_space<vmem_shared>>
    %dma_wait3A_58 = arith.constant 0 : i32
    %dma_wait3A_59 = tpu.memref_slice %arg14[%mul3A_2, %dma_wait3A_58] : memref<10016x128xf32, #tpu.memory_space<vmem_shared>> -> memref<128x128xf32, #tpu.memory_space<vmem_shared>>
    tpu.wait_dma2 semaphore(%arg15 : memref<!tpu.dma_semaphore, #tpu.memory_space<semaphore_mem>>) src(%arg7 : memref<128x128xf32, #tpu.memory_space<vmem>>) dst(%dma_wait3A_59 : memref<128x128xf32, #tpu.memory_space<vmem_shared>>)
    %dma_wait3A_60 = arith.constant 0 : i32
    %dma_wait3A_61 = arith.constant 0 : i32
    %dma_wait3A_62 = tpu.memref_slice %arg7[%dma_wait3A_60, %dma_wait3A_61] : memref<128x128xf32, #tpu.memory_space<vmem>> -> memref<112x128xf32, #tpu.memory_space<vmem>>
    %dma_wait3A_63 = arith.constant 0 : i32
    %dma_wait3A_64 = tpu.memref_slice %arg14[%mul3A_2, %dma_wait3A_63] : memref<10016x128xf32, #tpu.memory_space<vmem_shared>> -> memref<112x128xf32, #tpu.memory_space<vmem_shared>>
    %dma_wait3A_65 = arith.constant 0 : i32
    %dma_wait3A_66 = tpu.memref_slice %arg14[%mul3A_2, %dma_wait3A_65] : memref<10016x128xf32, #tpu.memory_space<vmem_shared>> -> memref<112x128xf32, #tpu.memory_space<vmem_shared>>
    %dma_wait3A_67 = arith.constant 0 : i32
    %dma_wait3A_68 = arith.constant 0 : i32
    %dma_wait3A_69 = tpu.memref_slice %arg7[%dma_wait3A_67, %dma_wait3A_68] : memref<128x128xf32, #tpu.memory_space<vmem>> -> memref<112x128xf32, #tpu.memory_space<vmem>>
    tpu.wait_dma2 semaphore(%arg15 : memref<!tpu.dma_semaphore, #tpu.memory_space<semaphore_mem>>) src(%dma_wait3A_69 : memref<112x128xf32, #tpu.memory_space<vmem>>) dst(%dma_wait3A_66 : memref<112x128xf32, #tpu.memory_space<vmem_shared>>)
    %dma_wait3A_70 = arith.constant 0 : i32
    %dma_wait3A_71 = tpu.memref_slice %arg14[%mul3A_2, %dma_wait3A_70] : memref<10016x128xf32, #tpu.memory_space<vmem_shared>> -> memref<128x128xf32, #tpu.memory_space<vmem_shared>>
    %dma_wait3A_72 = arith.constant 0 : i32
    %dma_wait3A_73 = tpu.memref_slice %arg14[%mul3A_2, %dma_wait3A_72] : memref<10016x128xf32, #tpu.memory_space<vmem_shared>> -> memref<128x128xf32, #tpu.memory_space<vmem_shared>>
    tpu.wait_dma2 semaphore(%arg16 : memref<!tpu.dma_semaphore, #tpu.memory_space<semaphore_mem>>) src(%arg8 : memref<128x128xf32, #tpu.memory_space<vmem>>) dst(%dma_wait3A_73 : memref<128x128xf32, #tpu.memory_space<vmem_shared>>)
    %dma_wait3A_74 = arith.constant 0 : i32
    %dma_wait3A_75 = tpu.memref_slice %arg14[%mul3A_2, %dma_wait3A_74] : memref<10016x128xf32, #tpu.memory_space<vmem_shared>> -> memref<128x128xf32, #tpu.memory_space<vmem_shared>>
    %dma_wait3A_76 = arith.constant 0 : i32
    %dma_wait3A_77 = tpu.memref_slice %arg14[%mul3A_2, %dma_wait3A_76] : memref<10016x128xf32, #tpu.memory_space<vmem_shared>> -> memref<128x128xf32, #tpu.memory_space<vmem_shared>>
    tpu.wait_dma2 semaphore(%arg16 : memref<!tpu.dma_semaphore, #tpu.memory_space<semaphore_mem>>) src(%arg8 : memref<128x128xf32, #tpu.memory_space<vmem>>) dst(%dma_wait3A_77 : memref<128x128xf32, #tpu.memory_space<vmem_shared>>)
    %eq3A_78 = arith.constant 15 : i32
    %eq3A_79 = arith.cmpi eq, %arg1, %eq3A_78 : i32
    %convert_element_type3A_80 = arith.extui %eq3A_79 : i1 to i32
    %cond3A_81 = arith.constant 0 : i32
    %cond3A_82 = arith.cmpi ne, %convert_element_type3A_80, %cond3A_81 : i32
    scf.if %cond3A_82 {
      %dma_wait3A_104 = arith.constant 0 : i32
      %dma_wait3A_105 = arith.constant 0 : i32
      %dma_wait3A_106 = tpu.memref_slice %arg8[%dma_wait3A_104, %dma_wait3A_105] : memref<128x128xf32, #tpu.memory_space<vmem>> -> memref<32x128xf32, #tpu.memory_space<vmem>>
      %dma_wait3A_107 = arith.constant 9984 : i32
      %dma_wait3A_108 = arith.constant 0 : i32
      %dma_wait3A_109 = tpu.memref_slice %arg14[%dma_wait3A_107, %dma_wait3A_108] : memref<10016x128xf32, #tpu.memory_space<vmem_shared>> -> memref<32x128xf32, #tpu.memory_space<vmem_shared>>
      %dma_wait3A_110 = arith.constant 9984 : i32
      %dma_wait3A_111 = arith.constant 0 : i32
      %dma_wait3A_112 = tpu.memref_slice %arg14[%dma_wait3A_110, %dma_wait3A_111] : memref<10016x128xf32, #tpu.memory_space<vmem_shared>> -> memref<32x128xf32, #tpu.memory_space<vmem_shared>>
      %dma_wait3A_113 = arith.constant 0 : i32
      %dma_wait3A_114 = arith.constant 0 : i32
      %dma_wait3A_115 = tpu.memref_slice %arg8[%dma_wait3A_113, %dma_wait3A_114] : memref<128x128xf32, #tpu.memory_space<vmem>> -> memref<32x128xf32, #tpu.memory_space<vmem>>
      tpu.wait_dma2 semaphore(%arg16 : memref<!tpu.dma_semaphore, #tpu.memory_space<semaphore_mem>>) src(%dma_wait3A_115 : memref<32x128xf32, #tpu.memory_space<vmem>>) dst(%dma_wait3A_112 : memref<32x128xf32, #tpu.memory_space<vmem_shared>>)
    } else {
    }
    %mul3A_83 = arith.constant 5120 : i32
    %mul3A_84 = arith.muli %add3A, %mul3A_83 : i32
    %dma_start3A_85 = arith.constant 0 : i32
    %dma_start3A_86 = tpu.memref_slice %arg2[%mul3A_84, %dma_start3A_85] : memref<163840x128xf32, #tpu.memory_space<hbm>> -> memref<128x128xf32, #tpu.memory_space<hbm>>
    %dma_start3A_87 = arith.constant 0 : i32
    %dma_start3A_88 = tpu.memref_slice %arg2[%mul3A_84, %dma_start3A_87] : memref<163840x128xf32, #tpu.memory_space<hbm>> -> memref<128x128xf32, #tpu.memory_space<hbm>>
    tpu.enqueue_dma source(%dma_start3A_88 : memref<128x128xf32, #tpu.memory_space<hbm>>) target(%arg7 : memref<128x128xf32, #tpu.memory_space<vmem>>) target_semaphore(%arg15 : memref<!tpu.dma_semaphore, #tpu.memory_space<semaphore_mem>>)
    %dma_start3A_89 = tpu.memref_slice %arg3[%mul3A_84] : memref<163840xi32, #tpu.memory_space<hbm>> -> memref<128xi32, #tpu.memory_space<hbm>>
    %dma_start3A_90 = tpu.memref_slice %arg3[%mul3A_84] : memref<163840xi32, #tpu.memory_space<hbm>> -> memref<128xi32, #tpu.memory_space<hbm>>
    tpu.enqueue_dma source(%dma_start3A_90 : memref<128xi32, #tpu.memory_space<hbm>>) target(%arg9 : memref<128xi32, #tpu.memory_space<vmem>>) target_semaphore(%arg15 : memref<!tpu.dma_semaphore, #tpu.memory_space<semaphore_mem>>)
    %dma_start3A_91 = tpu.memref_slice %arg4[%mul3A_84] : memref<163840xf32, #tpu.memory_space<hbm>> -> memref<128xf32, #tpu.memory_space<hbm>>
    %dma_start3A_92 = tpu.memref_slice %arg4[%mul3A_84] : memref<163840xf32, #tpu.memory_space<hbm>> -> memref<128xf32, #tpu.memory_space<hbm>>
    tpu.enqueue_dma source(%dma_start3A_92 : memref<128xf32, #tpu.memory_space<hbm>>) target(%arg11 : memref<128xf32, #tpu.memory_space<vmem>>) target_semaphore(%arg15 : memref<!tpu.dma_semaphore, #tpu.memory_space<semaphore_mem>>)
    %scan3A_93 = arith.constant 0 : i32
    %scan3A_94 = arith.constant 0 : i32
    %scan3A_95 = arith.constant 20 : i32
    %scan3A_96 = arith.addi %scan3A_94, %scan3A_95 : i32
    %scan3A_97 = arith.constant 1 : i32
    scf.for %scan3A_104 = %scan3A_94 to %scan3A_96 step %scan3A_97  : i32 {
      %mul3A_105 = arith.constant 2 : i32
      %mul3A_106 = arith.muli %scan3A_104, %mul3A_105 : i32
      %add3A_107 = arith.constant 0 : i32
      %add3A_108 = arith.addi %mul3A_106, %add3A_107 : i32
      %add3A_109 = arith.constant 1 : i32
      %add3A_110 = arith.addi %add3A_108, %add3A_109 : i32
      %lt3A = arith.constant 40 : i32
      %lt3A_111 = arith.cmpi slt, %add3A_110, %lt3A : i32
      %convert_element_type3A_112 = arith.extui %lt3A_111 : i1 to i32
      %cond3A_113 = arith.constant 0 : i32
      %cond3A_114 = arith.cmpi ne, %convert_element_type3A_112, %cond3A_113 : i32
      scf.if %cond3A_114 {
        %add3A_374 = arith.constant 1 : i32
        %add3A_375 = arith.addi %add3A_108, %add3A_374 : i32
        %mul3A_376 = arith.constant 128 : i32
        %mul3A_377 = arith.muli %add3A_375, %mul3A_376 : i32
        %add3A_378 = arith.addi %mul3A_84, %mul3A_377 : i32
        %dma_start3A_379 = arith.constant 0 : i32
        %dma_start3A_380 = tpu.memref_slice %arg2[%add3A_378, %dma_start3A_379] : memref<163840x128xf32, #tpu.memory_space<hbm>> -> memref<128x128xf32, #tpu.memory_space<hbm>>
        %dma_start3A_381 = arith.constant 0 : i32
        %dma_start3A_382 = tpu.memref_slice %arg2[%add3A_378, %dma_start3A_381] : memref<163840x128xf32, #tpu.memory_space<hbm>> -> memref<128x128xf32, #tpu.memory_space<hbm>>
        tpu.enqueue_dma source(%dma_start3A_382 : memref<128x128xf32, #tpu.memory_space<hbm>>) target(%arg8 : memref<128x128xf32, #tpu.memory_space<vmem>>) target_semaphore(%arg16 : memref<!tpu.dma_semaphore, #tpu.memory_space<semaphore_mem>>)
        %dma_start3A_383 = tpu.memref_slice %arg3[%add3A_378] : memref<163840xi32, #tpu.memory_space<hbm>> -> memref<128xi32, #tpu.memory_space<hbm>>
        %dma_start3A_384 = tpu.memref_slice %arg3[%add3A_378] : memref<163840xi32, #tpu.memory_space<hbm>> -> memref<128xi32, #tpu.memory_space<hbm>>
        tpu.enqueue_dma source(%dma_start3A_384 : memref<128xi32, #tpu.memory_space<hbm>>) target(%arg10 : memref<128xi32, #tpu.memory_space<vmem>>) target_semaphore(%arg16 : memref<!tpu.dma_semaphore, #tpu.memory_space<semaphore_mem>>)
        %dma_start3A_385 = tpu.memref_slice %arg4[%add3A_378] : memref<163840xf32, #tpu.memory_space<hbm>> -> memref<128xf32, #tpu.memory_space<hbm>>
        %dma_start3A_386 = tpu.memref_slice %arg4[%add3A_378] : memref<163840xf32, #tpu.memory_space<hbm>> -> memref<128xf32, #tpu.memory_space<hbm>>
        tpu.enqueue_dma source(%dma_start3A_386 : memref<128xf32, #tpu.memory_space<hbm>>) target(%arg12 : memref<128xf32, #tpu.memory_space<vmem>>) target_semaphore(%arg16 : memref<!tpu.dma_semaphore, #tpu.memory_space<semaphore_mem>>)
      } else {
      }
      %dma_wait3A_115 = arith.constant 0 : i32
      %dma_wait3A_116 = arith.constant 0 : i32
      %dma_wait3A_117 = tpu.memref_slice %arg2[%dma_wait3A_115, %dma_wait3A_116] : memref<163840x128xf32, #tpu.memory_space<hbm>> -> memref<128x128xf32, #tpu.memory_space<hbm>>
      %dma_wait3A_118 = arith.constant 0 : i32
      %dma_wait3A_119 = arith.constant 0 : i32
      %dma_wait3A_120 = tpu.memref_slice %arg2[%dma_wait3A_118, %dma_wait3A_119] : memref<163840x128xf32, #tpu.memory_space<hbm>> -> memref<128x128xf32, #tpu.memory_space<hbm>>
      tpu.wait_dma2 semaphore(%arg15 : memref<!tpu.dma_semaphore, #tpu.memory_space<semaphore_mem>>) src(%dma_wait3A_120 : memref<128x128xf32, #tpu.memory_space<hbm>>) dst(%arg7 : memref<128x128xf32, #tpu.memory_space<vmem>>)
      %dma_wait3A_121 = arith.constant 0 : i32
      %dma_wait3A_122 = tpu.memref_slice %arg3[%dma_wait3A_121] : memref<163840xi32, #tpu.memory_space<hbm>> -> memref<128xi32, #tpu.memory_space<hbm>>
      %dma_wait3A_123 = arith.constant 0 : i32
      %dma_wait3A_124 = tpu.memref_slice %arg3[%dma_wait3A_123] : memref<163840xi32, #tpu.memory_space<hbm>> -> memref<128xi32, #tpu.memory_space<hbm>>
      tpu.wait_dma2 semaphore(%arg15 : memref<!tpu.dma_semaphore, #tpu.memory_space<semaphore_mem>>) src(%dma_wait3A_124 : memref<128xi32, #tpu.memory_space<hbm>>) dst(%arg9 : memref<128xi32, #tpu.memory_space<vmem>>)
      %dma_wait3A_125 = arith.constant 0 : i32
      %dma_wait3A_126 = tpu.memref_slice %arg4[%dma_wait3A_125] : memref<163840xf32, #tpu.memory_space<hbm>> -> memref<128xf32, #tpu.memory_space<hbm>>
      %dma_wait3A_127 = arith.constant 0 : i32
      %dma_wait3A_128 = tpu.memref_slice %arg4[%dma_wait3A_127] : memref<163840xf32, #tpu.memory_space<hbm>> -> memref<128xf32, #tpu.memory_space<hbm>>
      tpu.wait_dma2 semaphore(%arg15 : memref<!tpu.dma_semaphore, #tpu.memory_space<semaphore_mem>>) src(%dma_wait3A_128 : memref<128xf32, #tpu.memory_space<hbm>>) dst(%arg11 : memref<128xf32, #tpu.memory_space<vmem>>)
      "tpu.region"() ({
        %run_scoped3A = tpu.sem_alloc : memref<!tpu.dma_semaphore, #tpu.memory_space<semaphore_mem>>
        %dma_start3A_374 = arith.constant 0 : i32
        %dma_start3A_375 = arith.constant 0 : i32
        %dma_start3A_376 = tpu.memref_slice %arg14[%dma_start3A_374, %dma_start3A_375] : memref<10016x128xf32, #tpu.memory_space<vmem_shared>> -> memref<10016x128xf32, #tpu.memory_space<vmem_shared>>
        tpu.enqueue_indirect_dma source(%arg7 : memref<128x128xf32, #tpu.memory_space<vmem>>) target(%dma_start3A_376 : memref<10016x128xf32, #tpu.memory_space<vmem_shared>>) offsets(%arg9 : memref<128xi32, #tpu.memory_space<vmem>>) semaphore(%run_scoped3A : memref<!tpu.dma_semaphore, #tpu.memory_space<semaphore_mem>>) {add = true}
        %dma_wait3A_377 = arith.constant 0 : i32
        %dma_wait3A_378 = arith.constant 0 : i32
        %dma_wait3A_379 = tpu.memref_slice %arg14[%dma_wait3A_377, %dma_wait3A_378] : memref<10016x128xf32, #tpu.memory_space<vmem_shared>> -> memref<10016x128xf32, #tpu.memory_space<vmem_shared>>
        tpu.wait_indirect_dma semaphore(%run_scoped3A : memref<!tpu.dma_semaphore, #tpu.memory_space<semaphore_mem>>) src(%arg7 : memref<128x128xf32, #tpu.memory_space<vmem>>) dst(%dma_wait3A_379 : memref<10016x128xf32, #tpu.memory_space<vmem_shared>>)
        tpu.yield
      }) : () -> ()
      %get3A = arith.constant 0 : index
      %get3A_129 = tpu.vector_load %arg9[%get3A] {strides = array<i32>} : memref<128xi32, #tpu.memory_space<vmem>>, vector<16xi32>,
      %get3A_130 = arith.constant 0 : index
      %get3A_131 = tpu.vector_load %arg11[%get3A_130] {strides = array<i32>} : memref<128xf32, #tpu.memory_space<vmem>>, vector<16xf32>,
      %neg3A = arith.constant 0.000000e+00 : f32
      %neg3A_132 = vector.broadcast %neg3A : f32 to vector<16xf32>
      %neg3A_133 = arith.subf %neg3A_132, %get3A_131 : vector<16xf32>
      %exp3A = math.exp %neg3A_133 : vector<16xf32>
      %add3A_134 = arith.constant 1.000000e+00 : f32
      %add3A_135 = vector.broadcast %add3A_134 : f32 to vector<16xf32>
      %add3A_136 = arith.addf %add3A_135, %exp3A : vector<16xf32>
      %div3A = arith.constant 1.000000e+00 : f32
      %div3A_137 = vector.broadcast %div3A : f32 to vector<16xf32>
      %div3A_138 = arith.divf %div3A_137, %add3A_136 : vector<16xf32>
      tpu.vector_store_idx %arg13[%get3A_129], %div3A_138 {add = true} : memref<10016xf32, #tpu.memory_space<vmem>>[vector<16xi32>], vector<16xf32>,
      %get3A_139 = arith.constant 16 : index
      %get3A_140 = tpu.vector_load %arg9[%get3A_139] {strides = array<i32>} : memref<128xi32, #tpu.memory_space<vmem>>, vector<16xi32>,
      %get3A_141 = arith.constant 16 : index
      %get3A_142 = tpu.vector_load %arg11[%get3A_141] {strides = array<i32>} : memref<128xf32, #tpu.memory_space<vmem>>, vector<16xf32>,
      %neg3A_143 = arith.constant 0.000000e+00 : f32
      %neg3A_144 = vector.broadcast %neg3A_143 : f32 to vector<16xf32>
      %neg3A_145 = arith.subf %neg3A_144, %get3A_142 : vector<16xf32>
      %exp3A_146 = math.exp %neg3A_145 : vector<16xf32>
      %add3A_147 = arith.constant 1.000000e+00 : f32
      %add3A_148 = vector.broadcast %add3A_147 : f32 to vector<16xf32>
      %add3A_149 = arith.addf %add3A_148, %exp3A_146 : vector<16xf32>
      %div3A_150 = arith.constant 1.000000e+00 : f32
      %div3A_151 = vector.broadcast %div3A_150 : f32 to vector<16xf32>
      %div3A_152 = arith.divf %div3A_151, %add3A_149 : vector<16xf32>
      tpu.vector_store_idx %arg13[%get3A_140], %div3A_152 {add = true} : memref<10016xf32, #tpu.memory_space<vmem>>[vector<16xi32>], vector<16xf32>,
      %get3A_153 = arith.constant 32 : index
      %get3A_154 = tpu.vector_load %arg9[%get3A_153] {strides = array<i32>} : memref<128xi32, #tpu.memory_space<vmem>>, vector<16xi32>,
      %get3A_155 = arith.constant 32 : index
      %get3A_156 = tpu.vector_load %arg11[%get3A_155] {strides = array<i32>} : memref<128xf32, #tpu.memory_space<vmem>>, vector<16xf32>,
      %neg3A_157 = arith.constant 0.000000e+00 : f32
      %neg3A_158 = vector.broadcast %neg3A_157 : f32 to vector<16xf32>
      %neg3A_159 = arith.subf %neg3A_158, %get3A_156 : vector<16xf32>
      %exp3A_160 = math.exp %neg3A_159 : vector<16xf32>
      %add3A_161 = arith.constant 1.000000e+00 : f32
      %add3A_162 = vector.broadcast %add3A_161 : f32 to vector<16xf32>
      %add3A_163 = arith.addf %add3A_162, %exp3A_160 : vector<16xf32>
      %div3A_164 = arith.constant 1.000000e+00 : f32
      %div3A_165 = vector.broadcast %div3A_164 : f32 to vector<16xf32>
      %div3A_166 = arith.divf %div3A_165, %add3A_163 : vector<16xf32>
      tpu.vector_store_idx %arg13[%get3A_154], %div3A_166 {add = true} : memref<10016xf32, #tpu.memory_space<vmem>>[vector<16xi32>], vector<16xf32>,
      %get3A_167 = arith.constant 48 : index
      %get3A_168 = tpu.vector_load %arg9[%get3A_167] {strides = array<i32>} : memref<128xi32, #tpu.memory_space<vmem>>, vector<16xi32>,
      %get3A_169 = arith.constant 48 : index
      %get3A_170 = tpu.vector_load %arg11[%get3A_169] {strides = array<i32>} : memref<128xf32, #tpu.memory_space<vmem>>, vector<16xf32>,
      %neg3A_171 = arith.constant 0.000000e+00 : f32
      %neg3A_172 = vector.broadcast %neg3A_171 : f32 to vector<16xf32>
      %neg3A_173 = arith.subf %neg3A_172, %get3A_170 : vector<16xf32>
      %exp3A_174 = math.exp %neg3A_173 : vector<16xf32>
      %add3A_175 = arith.constant 1.000000e+00 : f32
      %add3A_176 = vector.broadcast %add3A_175 : f32 to vector<16xf32>
      %add3A_177 = arith.addf %add3A_176, %exp3A_174 : vector<16xf32>
      %div3A_178 = arith.constant 1.000000e+00 : f32
      %div3A_179 = vector.broadcast %div3A_178 : f32 to vector<16xf32>
      %div3A_180 = arith.divf %div3A_179, %add3A_177 : vector<16xf32>
      tpu.vector_store_idx %arg13[%get3A_168], %div3A_180 {add = true} : memref<10016xf32, #tpu.memory_space<vmem>>[vector<16xi32>], vector<16xf32>,
      %get3A_181 = arith.constant 64 : index
      %get3A_182 = tpu.vector_load %arg9[%get3A_181] {strides = array<i32>} : memref<128xi32, #tpu.memory_space<vmem>>, vector<16xi32>,
      %get3A_183 = arith.constant 64 : index
      %get3A_184 = tpu.vector_load %arg11[%get3A_183] {strides = array<i32>} : memref<128xf32, #tpu.memory_space<vmem>>, vector<16xf32>,
      %neg3A_185 = arith.constant 0.000000e+00 : f32
      %neg3A_186 = vector.broadcast %neg3A_185 : f32 to vector<16xf32>
      %neg3A_187 = arith.subf %neg3A_186, %get3A_184 : vector<16xf32>
      %exp3A_188 = math.exp %neg3A_187 : vector<16xf32>
      %add3A_189 = arith.constant 1.000000e+00 : f32
      %add3A_190 = vector.broadcast %add3A_189 : f32 to vector<16xf32>
      %add3A_191 = arith.addf %add3A_190, %exp3A_188 : vector<16xf32>
      %div3A_192 = arith.constant 1.000000e+00 : f32
      %div3A_193 = vector.broadcast %div3A_192 : f32 to vector<16xf32>
      %div3A_194 = arith.divf %div3A_193, %add3A_191 : vector<16xf32>
      tpu.vector_store_idx %arg13[%get3A_182], %div3A_194 {add = true} : memref<10016xf32, #tpu.memory_space<vmem>>[vector<16xi32>], vector<16xf32>,
      %get3A_195 = arith.constant 80 : index
      %get3A_196 = tpu.vector_load %arg9[%get3A_195] {strides = array<i32>} : memref<128xi32, #tpu.memory_space<vmem>>, vector<16xi32>,
      %get3A_197 = arith.constant 80 : index
      %get3A_198 = tpu.vector_load %arg11[%get3A_197] {strides = array<i32>} : memref<128xf32, #tpu.memory_space<vmem>>, vector<16xf32>,
      %neg3A_199 = arith.constant 0.000000e+00 : f32
      %neg3A_200 = vector.broadcast %neg3A_199 : f32 to vector<16xf32>
      %neg3A_201 = arith.subf %neg3A_200, %get3A_198 : vector<16xf32>
      %exp3A_202 = math.exp %neg3A_201 : vector<16xf32>
      %add3A_203 = arith.constant 1.000000e+00 : f32
      %add3A_204 = vector.broadcast %add3A_203 : f32 to vector<16xf32>
      %add3A_205 = arith.addf %add3A_204, %exp3A_202 : vector<16xf32>
      %div3A_206 = arith.constant 1.000000e+00 : f32
      %div3A_207 = vector.broadcast %div3A_206 : f32 to vector<16xf32>
      %div3A_208 = arith.divf %div3A_207, %add3A_205 : vector<16xf32>
      tpu.vector_store_idx %arg13[%get3A_196], %div3A_208 {add = true} : memref<10016xf32, #tpu.memory_space<vmem>>[vector<16xi32>], vector<16xf32>,
      %get3A_209 = arith.constant 96 : index
      %get3A_210 = tpu.vector_load %arg9[%get3A_209] {strides = array<i32>} : memref<128xi32, #tpu.memory_space<vmem>>, vector<16xi32>,
      %get3A_211 = arith.constant 96 : index
      %get3A_212 = tpu.vector_load %arg11[%get3A_211] {strides = array<i32>} : memref<128xf32, #tpu.memory_space<vmem>>, vector<16xf32>,
      %neg3A_213 = arith.constant 0.000000e+00 : f32
      %neg3A_214 = vector.broadcast %neg3A_213 : f32 to vector<16xf32>
      %neg3A_215 = arith.subf %neg3A_214, %get3A_212 : vector<16xf32>
      %exp3A_216 = math.exp %neg3A_215 : vector<16xf32>
      %add3A_217 = arith.constant 1.000000e+00 : f32
      %add3A_218 = vector.broadcast %add3A_217 : f32 to vector<16xf32>
      %add3A_219 = arith.addf %add3A_218, %exp3A_216 : vector<16xf32>
      %div3A_220 = arith.constant 1.000000e+00 : f32
      %div3A_221 = vector.broadcast %div3A_220 : f32 to vector<16xf32>
      %div3A_222 = arith.divf %div3A_221, %add3A_219 : vector<16xf32>
      tpu.vector_store_idx %arg13[%get3A_210], %div3A_222 {add = true} : memref<10016xf32, #tpu.memory_space<vmem>>[vector<16xi32>], vector<16xf32>,
      %get3A_223 = arith.constant 112 : index
      %get3A_224 = tpu.vector_load %arg9[%get3A_223] {strides = array<i32>} : memref<128xi32, #tpu.memory_space<vmem>>, vector<16xi32>,
      %get3A_225 = arith.constant 112 : index
      %get3A_226 = tpu.vector_load %arg11[%get3A_225] {strides = array<i32>} : memref<128xf32, #tpu.memory_space<vmem>>, vector<16xf32>,
      %neg3A_227 = arith.constant 0.000000e+00 : f32
      %neg3A_228 = vector.broadcast %neg3A_227 : f32 to vector<16xf32>
      %neg3A_229 = arith.subf %neg3A_228, %get3A_226 : vector<16xf32>
      %exp3A_230 = math.exp %neg3A_229 : vector<16xf32>
      %add3A_231 = arith.constant 1.000000e+00 : f32
      %add3A_232 = vector.broadcast %add3A_231 : f32 to vector<16xf32>
      %add3A_233 = arith.addf %add3A_232, %exp3A_230 : vector<16xf32>
      %div3A_234 = arith.constant 1.000000e+00 : f32
      %div3A_235 = vector.broadcast %div3A_234 : f32 to vector<16xf32>
      %div3A_236 = arith.divf %div3A_235, %add3A_233 : vector<16xf32>
      tpu.vector_store_idx %arg13[%get3A_224], %div3A_236 {add = true} : memref<10016xf32, #tpu.memory_space<vmem>>[vector<16xi32>], vector<16xf32>,
      %mul3A_237 = arith.constant 2 : i32
      %mul3A_238 = arith.muli %scan3A_104, %mul3A_237 : i32
      %add3A_239 = arith.constant 1 : i32
      %add3A_240 = arith.addi %mul3A_238, %add3A_239 : i32
      %add3A_241 = arith.constant 1 : i32
      %add3A_242 = arith.addi %add3A_240, %add3A_241 : i32
      %lt3A_243 = arith.constant 40 : i32
      %lt3A_244 = arith.cmpi slt, %add3A_242, %lt3A_243 : i32
      %convert_element_type3A_245 = arith.extui %lt3A_244 : i1 to i32
      %cond3A_246 = arith.constant 0 : i32
      %cond3A_247 = arith.cmpi ne, %convert_element_type3A_245, %cond3A_246 : i32
      scf.if %cond3A_247 {
        %add3A_374 = arith.constant 1 : i32
        %add3A_375 = arith.addi %add3A_240, %add3A_374 : i32
        %mul3A_376 = arith.constant 128 : i32
        %mul3A_377 = arith.muli %add3A_375, %mul3A_376 : i32
        %add3A_378 = arith.addi %mul3A_84, %mul3A_377 : i32
        %dma_start3A_379 = arith.constant 0 : i32
        %dma_start3A_380 = tpu.memref_slice %arg2[%add3A_378, %dma_start3A_379] : memref<163840x128xf32, #tpu.memory_space<hbm>> -> memref<128x128xf32, #tpu.memory_space<hbm>>
        %dma_start3A_381 = arith.constant 0 : i32
        %dma_start3A_382 = tpu.memref_slice %arg2[%add3A_378, %dma_start3A_381] : memref<163840x128xf32, #tpu.memory_space<hbm>> -> memref<128x128xf32, #tpu.memory_space<hbm>>
        tpu.enqueue_dma source(%dma_start3A_382 : memref<128x128xf32, #tpu.memory_space<hbm>>) target(%arg7 : memref<128x128xf32, #tpu.memory_space<vmem>>) target_semaphore(%arg15 : memref<!tpu.dma_semaphore, #tpu.memory_space<semaphore_mem>>)
        %dma_start3A_383 = tpu.memref_slice %arg3[%add3A_378] : memref<163840xi32, #tpu.memory_space<hbm>> -> memref<128xi32, #tpu.memory_space<hbm>>
        %dma_start3A_384 = tpu.memref_slice %arg3[%add3A_378] : memref<163840xi32, #tpu.memory_space<hbm>> -> memref<128xi32, #tpu.memory_space<hbm>>
        tpu.enqueue_dma source(%dma_start3A_384 : memref<128xi32, #tpu.memory_space<hbm>>) target(%arg9 : memref<128xi32, #tpu.memory_space<vmem>>) target_semaphore(%arg15 : memref<!tpu.dma_semaphore, #tpu.memory_space<semaphore_mem>>)
        %dma_start3A_385 = tpu.memref_slice %arg4[%add3A_378] : memref<163840xf32, #tpu.memory_space<hbm>> -> memref<128xf32, #tpu.memory_space<hbm>>
        %dma_start3A_386 = tpu.memref_slice %arg4[%add3A_378] : memref<163840xf32, #tpu.memory_space<hbm>> -> memref<128xf32, #tpu.memory_space<hbm>>
        tpu.enqueue_dma source(%dma_start3A_386 : memref<128xf32, #tpu.memory_space<hbm>>) target(%arg11 : memref<128xf32, #tpu.memory_space<vmem>>) target_semaphore(%arg15 : memref<!tpu.dma_semaphore, #tpu.memory_space<semaphore_mem>>)
      } else {
      }
      %dma_wait3A_248 = arith.constant 0 : i32
      %dma_wait3A_249 = arith.constant 0 : i32
      %dma_wait3A_250 = tpu.memref_slice %arg2[%dma_wait3A_248, %dma_wait3A_249] : memref<163840x128xf32, #tpu.memory_space<hbm>> -> memref<128x128xf32, #tpu.memory_space<hbm>>
      %dma_wait3A_251 = arith.constant 0 : i32
      %dma_wait3A_252 = arith.constant 0 : i32
      %dma_wait3A_253 = tpu.memref_slice %arg2[%dma_wait3A_251, %dma_wait3A_252] : memref<163840x128xf32, #tpu.memory_space<hbm>> -> memref<128x128xf32, #tpu.memory_space<hbm>>
      tpu.wait_dma2 semaphore(%arg16 : memref<!tpu.dma_semaphore, #tpu.memory_space<semaphore_mem>>) src(%dma_wait3A_253 : memref<128x128xf32, #tpu.memory_space<hbm>>) dst(%arg8 : memref<128x128xf32, #tpu.memory_space<vmem>>)
      %dma_wait3A_254 = arith.constant 0 : i32
      %dma_wait3A_255 = tpu.memref_slice %arg3[%dma_wait3A_254] : memref<163840xi32, #tpu.memory_space<hbm>> -> memref<128xi32, #tpu.memory_space<hbm>>
      %dma_wait3A_256 = arith.constant 0 : i32
      %dma_wait3A_257 = tpu.memref_slice %arg3[%dma_wait3A_256] : memref<163840xi32, #tpu.memory_space<hbm>> -> memref<128xi32, #tpu.memory_space<hbm>>
      tpu.wait_dma2 semaphore(%arg16 : memref<!tpu.dma_semaphore, #tpu.memory_space<semaphore_mem>>) src(%dma_wait3A_257 : memref<128xi32, #tpu.memory_space<hbm>>) dst(%arg10 : memref<128xi32, #tpu.memory_space<vmem>>)
      %dma_wait3A_258 = arith.constant 0 : i32
      %dma_wait3A_259 = tpu.memref_slice %arg4[%dma_wait3A_258] : memref<163840xf32, #tpu.memory_space<hbm>> -> memref<128xf32, #tpu.memory_space<hbm>>
      %dma_wait3A_260 = arith.constant 0 : i32
      %dma_wait3A_261 = tpu.memref_slice %arg4[%dma_wait3A_260] : memref<163840xf32, #tpu.memory_space<hbm>> -> memref<128xf32, #tpu.memory_space<hbm>>
      tpu.wait_dma2 semaphore(%arg16 : memref<!tpu.dma_semaphore, #tpu.memory_space<semaphore_mem>>) src(%dma_wait3A_261 : memref<128xf32, #tpu.memory_space<hbm>>) dst(%arg12 : memref<128xf32, #tpu.memory_space<vmem>>)
      "tpu.region"() ({
        %run_scoped3A = tpu.sem_alloc : memref<!tpu.dma_semaphore, #tpu.memory_space<semaphore_mem>>
        %dma_start3A_374 = arith.constant 0 : i32
        %dma_start3A_375 = arith.constant 0 : i32
        %dma_start3A_376 = tpu.memref_slice %arg14[%dma_start3A_374, %dma_start3A_375] : memref<10016x128xf32, #tpu.memory_space<vmem_shared>> -> memref<10016x128xf32, #tpu.memory_space<vmem_shared>>
        tpu.enqueue_indirect_dma source(%arg8 : memref<128x128xf32, #tpu.memory_space<vmem>>) target(%dma_start3A_376 : memref<10016x128xf32, #tpu.memory_space<vmem_shared>>) offsets(%arg10 : memref<128xi32, #tpu.memory_space<vmem>>) semaphore(%run_scoped3A : memref<!tpu.dma_semaphore, #tpu.memory_space<semaphore_mem>>) {add = true}
        %dma_wait3A_377 = arith.constant 0 : i32
        %dma_wait3A_378 = arith.constant 0 : i32
        %dma_wait3A_379 = tpu.memref_slice %arg14[%dma_wait3A_377, %dma_wait3A_378] : memref<10016x128xf32, #tpu.memory_space<vmem_shared>> -> memref<10016x128xf32, #tpu.memory_space<vmem_shared>>
        tpu.wait_indirect_dma semaphore(%run_scoped3A : memref<!tpu.dma_semaphore, #tpu.memory_space<semaphore_mem>>) src(%arg8 : memref<128x128xf32, #tpu.memory_space<vmem>>) dst(%dma_wait3A_379 : memref<10016x128xf32, #tpu.memory_space<vmem_shared>>)
        tpu.yield
      }) : () -> ()
      %get3A_262 = arith.constant 0 : index
      %get3A_263 = tpu.vector_load %arg10[%get3A_262] {strides = array<i32>} : memref<128xi32, #tpu.memory_space<vmem>>, vector<16xi32>,
      %get3A_264 = arith.constant 0 : index
      %get3A_265 = tpu.vector_load %arg12[%get3A_264] {strides = array<i32>} : memref<128xf32, #tpu.memory_space<vmem>>, vector<16xf32>,
      %neg3A_266 = arith.constant 0.000000e+00 : f32
      %neg3A_267 = vector.broadcast %neg3A_266 : f32 to vector<16xf32>
      %neg3A_268 = arith.subf %neg3A_267, %get3A_265 : vector<16xf32>
      %exp3A_269 = math.exp %neg3A_268 : vector<16xf32>
      %add3A_270 = arith.constant 1.000000e+00 : f32
      %add3A_271 = vector.broadcast %add3A_270 : f32 to vector<16xf32>
      %add3A_272 = arith.addf %add3A_271, %exp3A_269 : vector<16xf32>
      %div3A_273 = arith.constant 1.000000e+00 : f32
      %div3A_274 = vector.broadcast %div3A_273 : f32 to vector<16xf32>
      %div3A_275 = arith.divf %div3A_274, %add3A_272 : vector<16xf32>
      tpu.vector_store_idx %arg13[%get3A_263], %div3A_275 {add = true} : memref<10016xf32, #tpu.memory_space<vmem>>[vector<16xi32>], vector<16xf32>,
      %get3A_276 = arith.constant 16 : index
      %get3A_277 = tpu.vector_load %arg10[%get3A_276] {strides = array<i32>} : memref<128xi32, #tpu.memory_space<vmem>>, vector<16xi32>,
      %get3A_278 = arith.constant 16 : index
      %get3A_279 = tpu.vector_load %arg12[%get3A_278] {strides = array<i32>} : memref<128xf32, #tpu.memory_space<vmem>>, vector<16xf32>,
      %neg3A_280 = arith.constant 0.000000e+00 : f32
      %neg3A_281 = vector.broadcast %neg3A_280 : f32 to vector<16xf32>
      %neg3A_282 = arith.subf %neg3A_281, %get3A_279 : vector<16xf32>
      %exp3A_283 = math.exp %neg3A_282 : vector<16xf32>
      %add3A_284 = arith.constant 1.000000e+00 : f32
      %add3A_285 = vector.broadcast %add3A_284 : f32 to vector<16xf32>
      %add3A_286 = arith.addf %add3A_285, %exp3A_283 : vector<16xf32>
      %div3A_287 = arith.constant 1.000000e+00 : f32
      %div3A_288 = vector.broadcast %div3A_287 : f32 to vector<16xf32>
      %div3A_289 = arith.divf %div3A_288, %add3A_286 : vector<16xf32>
      tpu.vector_store_idx %arg13[%get3A_277], %div3A_289 {add = true} : memref<10016xf32, #tpu.memory_space<vmem>>[vector<16xi32>], vector<16xf32>,
      %get3A_290 = arith.constant 32 : index
      %get3A_291 = tpu.vector_load %arg10[%get3A_290] {strides = array<i32>} : memref<128xi32, #tpu.memory_space<vmem>>, vector<16xi32>,
      %get3A_292 = arith.constant 32 : index
      %get3A_293 = tpu.vector_load %arg12[%get3A_292] {strides = array<i32>} : memref<128xf32, #tpu.memory_space<vmem>>, vector<16xf32>,
      %neg3A_294 = arith.constant 0.000000e+00 : f32
      %neg3A_295 = vector.broadcast %neg3A_294 : f32 to vector<16xf32>
      %neg3A_296 = arith.subf %neg3A_295, %get3A_293 : vector<16xf32>
      %exp3A_297 = math.exp %neg3A_296 : vector<16xf32>
      %add3A_298 = arith.constant 1.000000e+00 : f32
      %add3A_299 = vector.broadcast %add3A_298 : f32 to vector<16xf32>
      %add3A_300 = arith.addf %add3A_299, %exp3A_297 : vector<16xf32>
      %div3A_301 = arith.constant 1.000000e+00 : f32
      %div3A_302 = vector.broadcast %div3A_301 : f32 to vector<16xf32>
      %div3A_303 = arith.divf %div3A_302, %add3A_300 : vector<16xf32>
      tpu.vector_store_idx %arg13[%get3A_291], %div3A_303 {add = true} : memref<10016xf32, #tpu.memory_space<vmem>>[vector<16xi32>], vector<16xf32>,
      %get3A_304 = arith.constant 48 : index
      %get3A_305 = tpu.vector_load %arg10[%get3A_304] {strides = array<i32>} : memref<128xi32, #tpu.memory_space<vmem>>, vector<16xi32>,
      %get3A_306 = arith.constant 48 : index
      %get3A_307 = tpu.vector_load %arg12[%get3A_306] {strides = array<i32>} : memref<128xf32, #tpu.memory_space<vmem>>, vector<16xf32>,
      %neg3A_308 = arith.constant 0.000000e+00 : f32
      %neg3A_309 = vector.broadcast %neg3A_308 : f32 to vector<16xf32>
      %neg3A_310 = arith.subf %neg3A_309, %get3A_307 : vector<16xf32>
      %exp3A_311 = math.exp %neg3A_310 : vector<16xf32>
      %add3A_312 = arith.constant 1.000000e+00 : f32
      %add3A_313 = vector.broadcast %add3A_312 : f32 to vector<16xf32>
      %add3A_314 = arith.addf %add3A_313, %exp3A_311 : vector<16xf32>
      %div3A_315 = arith.constant 1.000000e+00 : f32
      %div3A_316 = vector.broadcast %div3A_315 : f32 to vector<16xf32>
      %div3A_317 = arith.divf %div3A_316, %add3A_314 : vector<16xf32>
      tpu.vector_store_idx %arg13[%get3A_305], %div3A_317 {add = true} : memref<10016xf32, #tpu.memory_space<vmem>>[vector<16xi32>], vector<16xf32>,
      %get3A_318 = arith.constant 64 : index
      %get3A_319 = tpu.vector_load %arg10[%get3A_318] {strides = array<i32>} : memref<128xi32, #tpu.memory_space<vmem>>, vector<16xi32>,
      %get3A_320 = arith.constant 64 : index
      %get3A_321 = tpu.vector_load %arg12[%get3A_320] {strides = array<i32>} : memref<128xf32, #tpu.memory_space<vmem>>, vector<16xf32>,
      %neg3A_322 = arith.constant 0.000000e+00 : f32
      %neg3A_323 = vector.broadcast %neg3A_322 : f32 to vector<16xf32>
      %neg3A_324 = arith.subf %neg3A_323, %get3A_321 : vector<16xf32>
      %exp3A_325 = math.exp %neg3A_324 : vector<16xf32>
      %add3A_326 = arith.constant 1.000000e+00 : f32
      %add3A_327 = vector.broadcast %add3A_326 : f32 to vector<16xf32>
      %add3A_328 = arith.addf %add3A_327, %exp3A_325 : vector<16xf32>
      %div3A_329 = arith.constant 1.000000e+00 : f32
      %div3A_330 = vector.broadcast %div3A_329 : f32 to vector<16xf32>
      %div3A_331 = arith.divf %div3A_330, %add3A_328 : vector<16xf32>
      tpu.vector_store_idx %arg13[%get3A_319], %div3A_331 {add = true} : memref<10016xf32, #tpu.memory_space<vmem>>[vector<16xi32>], vector<16xf32>,
      %get3A_332 = arith.constant 80 : index
      %get3A_333 = tpu.vector_load %arg10[%get3A_332] {strides = array<i32>} : memref<128xi32, #tpu.memory_space<vmem>>, vector<16xi32>,
      %get3A_334 = arith.constant 80 : index
      %get3A_335 = tpu.vector_load %arg12[%get3A_334] {strides = array<i32>} : memref<128xf32, #tpu.memory_space<vmem>>, vector<16xf32>,
      %neg3A_336 = arith.constant 0.000000e+00 : f32
      %neg3A_337 = vector.broadcast %neg3A_336 : f32 to vector<16xf32>
      %neg3A_338 = arith.subf %neg3A_337, %get3A_335 : vector<16xf32>
      %exp3A_339 = math.exp %neg3A_338 : vector<16xf32>
      %add3A_340 = arith.constant 1.000000e+00 : f32
      %add3A_341 = vector.broadcast %add3A_340 : f32 to vector<16xf32>
      %add3A_342 = arith.addf %add3A_341, %exp3A_339 : vector<16xf32>
      %div3A_343 = arith.constant 1.000000e+00 : f32
      %div3A_344 = vector.broadcast %div3A_343 : f32 to vector<16xf32>
      %div3A_345 = arith.divf %div3A_344, %add3A_342 : vector<16xf32>
      tpu.vector_store_idx %arg13[%get3A_333], %div3A_345 {add = true} : memref<10016xf32, #tpu.memory_space<vmem>>[vector<16xi32>], vector<16xf32>,
      %get3A_346 = arith.constant 96 : index
      %get3A_347 = tpu.vector_load %arg10[%get3A_346] {strides = array<i32>} : memref<128xi32, #tpu.memory_space<vmem>>, vector<16xi32>,
      %get3A_348 = arith.constant 96 : index
      %get3A_349 = tpu.vector_load %arg12[%get3A_348] {strides = array<i32>} : memref<128xf32, #tpu.memory_space<vmem>>, vector<16xf32>,
      %neg3A_350 = arith.constant 0.000000e+00 : f32
      %neg3A_351 = vector.broadcast %neg3A_350 : f32 to vector<16xf32>
      %neg3A_352 = arith.subf %neg3A_351, %get3A_349 : vector<16xf32>
      %exp3A_353 = math.exp %neg3A_352 : vector<16xf32>
      %add3A_354 = arith.constant 1.000000e+00 : f32
      %add3A_355 = vector.broadcast %add3A_354 : f32 to vector<16xf32>
      %add3A_356 = arith.addf %add3A_355, %exp3A_353 : vector<16xf32>
      %div3A_357 = arith.constant 1.000000e+00 : f32
      %div3A_358 = vector.broadcast %div3A_357 : f32 to vector<16xf32>
      %div3A_359 = arith.divf %div3A_358, %add3A_356 : vector<16xf32>
      tpu.vector_store_idx %arg13[%get3A_347], %div3A_359 {add = true} : memref<10016xf32, #tpu.memory_space<vmem>>[vector<16xi32>], vector<16xf32>,
      %get3A_360 = arith.constant 112 : index
      %get3A_361 = tpu.vector_load %arg10[%get3A_360] {strides = array<i32>} : memref<128xi32, #tpu.memory_space<vmem>>, vector<16xi32>,
      %get3A_362 = arith.constant 112 : index
      %get3A_363 = tpu.vector_load %arg12[%get3A_362] {strides = array<i32>} : memref<128xf32, #tpu.memory_space<vmem>>, vector<16xf32>,
      %neg3A_364 = arith.constant 0.000000e+00 : f32
      %neg3A_365 = vector.broadcast %neg3A_364 : f32 to vector<16xf32>
      %neg3A_366 = arith.subf %neg3A_365, %get3A_363 : vector<16xf32>
      %exp3A_367 = math.exp %neg3A_366 : vector<16xf32>
      %add3A_368 = arith.constant 1.000000e+00 : f32
      %add3A_369 = vector.broadcast %add3A_368 : f32 to vector<16xf32>
      %add3A_370 = arith.addf %add3A_369, %exp3A_367 : vector<16xf32>
      %div3A_371 = arith.constant 1.000000e+00 : f32
      %div3A_372 = vector.broadcast %div3A_371 : f32 to vector<16xf32>
      %div3A_373 = arith.divf %div3A_372, %add3A_370 : vector<16xf32>
      tpu.vector_store_idx %arg13[%get3A_361], %div3A_373 {add = true} : memref<10016xf32, #tpu.memory_space<vmem>>[vector<16xi32>], vector<16xf32>,
    }
    %scan3A_98 = arith.constant 20 : i32
    %barrier3A = arith.constant 0 : index
    tpu.barrier barrier_id(%barrier3A)
    "tpu.region"() ({
      %run_scoped3A = tpu.sem_alloc : memref<!tpu.dma_semaphore, #tpu.memory_space<semaphore_mem>>
      %dma_start3A_104 = arith.constant 0 : i32
      %dma_start3A_105 = tpu.memref_slice %arg5[%arg0, %mul3A_2, %dma_start3A_104] : memref<2x10000x128xf32, #tpu.memory_space<hbm>> -> memref<1x624x128xf32, #tpu.memory_space<hbm>>
      %dma_start3A_106 = tpu.memref_squeeze %dma_start3A_105 : memref<1x624x128xf32, #tpu.memory_space<hbm>> -> memref<624x128xf32, #tpu.memory_space<hbm>>
      %dma_start3A_107 = arith.constant 0 : i32
      %dma_start3A_108 = tpu.memref_slice %arg14[%mul3A_2, %dma_start3A_107] : memref<10016x128xf32, #tpu.memory_space<vmem_shared>> -> memref<624x128xf32, #tpu.memory_space<vmem_shared>>
      tpu.enqueue_dma source(%dma_start3A_108 : memref<624x128xf32, #tpu.memory_space<vmem_shared>>) target(%dma_start3A_106 : memref<624x128xf32, #tpu.memory_space<hbm>>) target_semaphore(%run_scoped3A : memref<!tpu.dma_semaphore, #tpu.memory_space<semaphore_mem>>)
      %dma_wait3A_109 = arith.constant 0 : i32
      %dma_wait3A_110 = tpu.memref_slice %arg5[%arg0, %mul3A_2, %dma_wait3A_109] : memref<2x10000x128xf32, #tpu.memory_space<hbm>> -> memref<1x624x128xf32, #tpu.memory_space<hbm>>
      %dma_wait3A_111 = tpu.memref_squeeze %dma_wait3A_110 : memref<1x624x128xf32, #tpu.memory_space<hbm>> -> memref<624x128xf32, #tpu.memory_space<hbm>>
      %dma_wait3A_112 = arith.constant 0 : i32
      %dma_wait3A_113 = tpu.memref_slice %arg14[%mul3A_2, %dma_wait3A_112] : memref<10016x128xf32, #tpu.memory_space<vmem_shared>> -> memref<624x128xf32, #tpu.memory_space<vmem_shared>>
      tpu.wait_dma2 semaphore(%run_scoped3A : memref<!tpu.dma_semaphore, #tpu.memory_space<semaphore_mem>>) src(%dma_wait3A_113 : memref<624x128xf32, #tpu.memory_space<vmem_shared>>) dst(%dma_wait3A_111 : memref<624x128xf32, #tpu.memory_space<hbm>>)
      tpu.yield
    }) : () -> ()
    %eq3A_99 = arith.constant 15 : i32
    %eq3A_100 = arith.cmpi eq, %arg1, %eq3A_99 : i32
    %convert_element_type3A_101 = arith.extui %eq3A_100 : i1 to i32
    %cond3A_102 = arith.constant 0 : i32
    %cond3A_103 = arith.cmpi ne, %convert_element_type3A_101, %cond3A_102 : i32
    scf.if %cond3A_103 {
      "tpu.region"() ({
        %run_scoped3A = tpu.sem_alloc : memref<!tpu.dma_semaphore, #tpu.memory_space<semaphore_mem>>
        %dma_start3A_104 = arith.constant 9984 : i32
        %dma_start3A_105 = arith.constant 0 : i32
        %dma_start3A_106 = tpu.memref_slice %arg5[%arg0, %dma_start3A_104, %dma_start3A_105] : memref<2x10000x128xf32, #tpu.memory_space<hbm>> -> memref<1x16x128xf32, #tpu.memory_space<hbm>>
        %dma_start3A_107 = tpu.memref_squeeze %dma_start3A_106 : memref<1x16x128xf32, #tpu.memory_space<hbm>> -> memref<16x128xf32, #tpu.memory_space<hbm>>
        %dma_start3A_108 = arith.constant 9984 : i32
        %dma_start3A_109 = arith.constant 0 : i32
        %dma_start3A_110 = tpu.memref_slice %arg14[%dma_start3A_108, %dma_start3A_109] : memref<10016x128xf32, #tpu.memory_space<vmem_shared>> -> memref<16x128xf32, #tpu.memory_space<vmem_shared>>
        tpu.enqueue_dma source(%dma_start3A_110 : memref<16x128xf32, #tpu.memory_space<vmem_shared>>) target(%dma_start3A_107 : memref<16x128xf32, #tpu.memory_space<hbm>>) target_semaphore(%run_scoped3A : memref<!tpu.dma_semaphore, #tpu.memory_space<semaphore_mem>>)
        %dma_wait3A_111 = arith.constant 9984 : i32
        %dma_wait3A_112 = arith.constant 0 : i32
        %dma_wait3A_113 = tpu.memref_slice %arg5[%arg0, %dma_wait3A_111, %dma_wait3A_112] : memref<2x10000x128xf32, #tpu.memory_space<hbm>> -> memref<1x16x128xf32, #tpu.memory_space<hbm>>
        %dma_wait3A_114 = tpu.memref_squeeze %dma_wait3A_113 : memref<1x16x128xf32, #tpu.memory_space<hbm>> -> memref<16x128xf32, #tpu.memory_space<hbm>>
        %dma_wait3A_115 = arith.constant 9984 : i32
        %dma_wait3A_116 = arith.constant 0 : i32
        %dma_wait3A_117 = tpu.memref_slice %arg14[%dma_wait3A_115, %dma_wait3A_116] : memref<10016x128xf32, #tpu.memory_space<vmem_shared>> -> memref<16x128xf32, #tpu.memory_space<vmem_shared>>
        tpu.wait_dma2 semaphore(%run_scoped3A : memref<!tpu.dma_semaphore, #tpu.memory_space<semaphore_mem>>) src(%dma_wait3A_117 : memref<16x128xf32, #tpu.memory_space<vmem_shared>>) dst(%dma_wait3A_114 : memref<16x128xf32, #tpu.memory_space<hbm>>)
        tpu.yield
      }) : () -> ()
    } else {
    }
    "tpu.region"() ({
      %run_scoped3A = tpu.sem_alloc : memref<!tpu.dma_semaphore, #tpu.memory_space<semaphore_mem>>
      %dma_start3A_104 = arith.constant 0 : i32
      %dma_start3A_105 = tpu.memref_slice %arg6[%add3A, %dma_start3A_104] : memref<32x10016xf32, #tpu.memory_space<hbm>> -> memref<1x10016xf32, #tpu.memory_space<hbm>>
      %dma_start3A_106 = tpu.memref_squeeze %dma_start3A_105 : memref<1x10016xf32, #tpu.memory_space<hbm>> -> memref<10016xf32, #tpu.memory_space<hbm>>
      %dma_start3A_107 = arith.constant 0 : i32
      %dma_start3A_108 = tpu.memref_slice %arg6[%add3A, %dma_start3A_107] : memref<32x10016xf32, #tpu.memory_space<hbm>> -> memref<1x10016xf32, #tpu.memory_space<hbm>>
      %dma_start3A_109 = tpu.memref_squeeze %dma_start3A_108 : memref<1x10016xf32, #tpu.memory_space<hbm>> -> memref<10016xf32, #tpu.memory_space<hbm>>
      tpu.enqueue_dma source(%arg13 : memref<10016xf32, #tpu.memory_space<vmem>>) target(%dma_start3A_109 : memref<10016xf32, #tpu.memory_space<hbm>>) target_semaphore(%run_scoped3A : memref<!tpu.dma_semaphore, #tpu.memory_space<semaphore_mem>>)
      %dma_wait3A_110 = arith.constant 0 : i32
      %dma_wait3A_111 = tpu.memref_slice %arg6[%add3A, %dma_wait3A_110] : memref<32x10016xf32, #tpu.memory_space<hbm>> -> memref<1x10016xf32, #tpu.memory_space<hbm>>
      %dma_wait3A_112 = tpu.memref_squeeze %dma_wait3A_111 : memref<1x10016xf32, #tpu.memory_space<hbm>> -> memref<10016xf32, #tpu.memory_space<hbm>>
      %dma_wait3A_113 = arith.constant 0 : i32
      %dma_wait3A_114 = tpu.memref_slice %arg6[%add3A, %dma_wait3A_113] : memref<32x10016xf32, #tpu.memory_space<hbm>> -> memref<1x10016xf32, #tpu.memory_space<hbm>>
      %dma_wait3A_115 = tpu.memref_squeeze %dma_wait3A_114 : memref<1x10016xf32, #tpu.memory_space<hbm>> -> memref<10016xf32, #tpu.memory_space<hbm>>
      tpu.wait_dma2 semaphore(%run_scoped3A : memref<!tpu.dma_semaphore, #tpu.memory_space<semaphore_mem>>) src(%arg13 : memref<10016xf32, #tpu.memory_space<vmem>>) dst(%dma_wait3A_115 : memref<10016xf32, #tpu.memory_space<hbm>>)
      tpu.yield
    }) : () -> ()
    return
  }
}

#map = affine_map<(d0, d1) -> (0, 0)>
#map1 = affine_map<(d0, d1) -> (0)>
#map2 = affine_map<(d0, d1) -> (0, 0, 0)>
module attributes {stable_mosaic.version = 14 : i64} {
  func.func @_sc_body(%arg0: i32, %arg1: i32, %arg2: memref<163840x128xf32, #tpu.memory_space<hbm>>, %arg3: memref<163840xi32, #tpu.memory_space<hbm>>, %arg4: memref<163840xf32, #tpu.memory_space<hbm>>, %arg5: memref<2x10000x128xf32, #tpu.memory_space<hbm>>, %arg6: memref<32x10016xf32, #tpu.memory_space<hbm>>, %arg7: memref<128x128xf32, #tpu.memory_space<vmem>>, %arg8: memref<128x128xf32, #tpu.memory_space<vmem>>, %arg9: memref<128xi32, #tpu.memory_space<vmem>>, %arg10: memref<128xi32, #tpu.memory_space<vmem>>, %arg11: memref<128xf32, #tpu.memory_space<vmem>>, %arg12: memref<128xf32, #tpu.memory_space<vmem>>, %arg13: memref<10016xf32, #tpu.memory_space<vmem>>, %arg14: memref<10016x128xf32, #tpu.memory_space<vmem_shared>>, %arg15: memref<!tpu.dma_semaphore, #tpu.memory_space<semaphore_mem>>, %arg16: memref<!tpu.dma_semaphore, #tpu.memory_space<semaphore_mem>>) attributes {dimension_semantics = [#tpu.dimension_semantics<core_parallel>, #tpu.dimension_semantics<subcore_parallel>], iteration_bounds = array<i64: 2, 16>, scalar_prefetch = 0 : i64, scratch_operands = 10 : i64, tpu.core_type = #tpu.core_type<sc_vector_subcore>, window_params = [{transform_indices = #map}, {transform_indices = #map1}, {transform_indices = #map1}, {transform_indices = #map2}, {transform_indices = #map}]} {
    %mul3A = arith.constant 2 : i32
    %mul3A_0 = arith.muli %arg1, %mul3A : i32
    %add3A = arith.addi %mul3A_0, %arg0 : i32
    %mul3A_1 = arith.constant 624 : i32
    %mul3A_2 = arith.muli %arg1, %mul3A_1 : i32
    %broadcast_in_dim3A = arith.constant 0.000000e+00 : f32
    %broadcast_in_dim3A_3 = vector.broadcast %broadcast_in_dim3A : f32 to vector<16xf32>
    %scan3A = arith.constant 0 : i32
    %scan3A_4 = arith.constant 0 : i32
    %scan3A_5 = arith.constant 128 : i32
    %scan3A_6 = arith.addi %scan3A_4, %scan3A_5 : i32
    %scan3A_7 = arith.constant 1 : i32
    scf.for %scan3A_104 = %scan3A_4 to %scan3A_6 step %scan3A_7  : i32 {
      %swap3A_105 = arith.index_cast %scan3A_104 : i32 to index
      %swap3A_106 = arith.constant 0 : index
      %swap3A_107 = tpu.vector_load %arg7[%swap3A_105, %swap3A_106] {strides = array<i32>} : memref<128x128xf32, #tpu.memory_space<vmem>>, vector<16xf32>,
      tpu.vector_store %arg7[%swap3A_105, %swap3A_106], %broadcast_in_dim3A_3 {strides = array<i32>} : memref<128x128xf32, #tpu.memory_space<vmem>>, vector<16xf32>,
      %swap3A_108 = arith.index_cast %scan3A_104 : i32 to index
      %swap3A_109 = arith.constant 0 : index
      %swap3A_110 = tpu.vector_load %arg8[%swap3A_108, %swap3A_109] {strides = array<i32>} : memref<128x128xf32, #tpu.memory_space<vmem>>, vector<16xf32>,
      tpu.vector_store %arg8[%swap3A_108, %swap3A_109], %broadcast_in_dim3A_3 {strides = array<i32>} : memref<128x128xf32, #tpu.memory_space<vmem>>, vector<16xf32>,
      %swap3A_111 = arith.index_cast %scan3A_104 : i32 to index
      %swap3A_112 = arith.constant 16 : index
      %swap3A_113 = tpu.vector_load %arg7[%swap3A_111, %swap3A_112] {strides = array<i32>} : memref<128x128xf32, #tpu.memory_space<vmem>>, vector<16xf32>,
      tpu.vector_store %arg7[%swap3A_111, %swap3A_112], %broadcast_in_dim3A_3 {strides = array<i32>} : memref<128x128xf32, #tpu.memory_space<vmem>>, vector<16xf32>,
      %swap3A_114 = arith.index_cast %scan3A_104 : i32 to index
      %swap3A_115 = arith.constant 16 : index
      %swap3A_116 = tpu.vector_load %arg8[%swap3A_114, %swap3A_115] {strides = array<i32>} : memref<128x128xf32, #tpu.memory_space<vmem>>, vector<16xf32>,
      tpu.vector_store %arg8[%swap3A_114, %swap3A_115], %broadcast_in_dim3A_3 {strides = array<i32>} : memref<128x128xf32, #tpu.memory_space<vmem>>, vector<16xf32>,
      %swap3A_117 = arith.index_cast %scan3A_104 : i32 to index
      %swap3A_118 = arith.constant 32 : index
      %swap3A_119 = tpu.vector_load %arg7[%swap3A_117, %swap3A_118] {strides = array<i32>} : memref<128x128xf32, #tpu.memory_space<vmem>>, vector<16xf32>,
      tpu.vector_store %arg7[%swap3A_117, %swap3A_118], %broadcast_in_dim3A_3 {strides = array<i32>} : memref<128x128xf32, #tpu.memory_space<vmem>>, vector<16xf32>,
      %swap3A_120 = arith.index_cast %scan3A_104 : i32 to index
      %swap3A_121 = arith.constant 32 : index
      %swap3A_122 = tpu.vector_load %arg8[%swap3A_120, %swap3A_121] {strides = array<i32>} : memref<128x128xf32, #tpu.memory_space<vmem>>, vector<16xf32>,
      tpu.vector_store %arg8[%swap3A_120, %swap3A_121], %broadcast_in_dim3A_3 {strides = array<i32>} : memref<128x128xf32, #tpu.memory_space<vmem>>, vector<16xf32>,
      %swap3A_123 = arith.index_cast %scan3A_104 : i32 to index
      %swap3A_124 = arith.constant 48 : index
      %swap3A_125 = tpu.vector_load %arg7[%swap3A_123, %swap3A_124] {strides = array<i32>} : memref<128x128xf32, #tpu.memory_space<vmem>>, vector<16xf32>,
      tpu.vector_store %arg7[%swap3A_123, %swap3A_124], %broadcast_in_dim3A_3 {strides = array<i32>} : memref<128x128xf32, #tpu.memory_space<vmem>>, vector<16xf32>,
      %swap3A_126 = arith.index_cast %scan3A_104 : i32 to index
      %swap3A_127 = arith.constant 48 : index
      %swap3A_128 = tpu.vector_load %arg8[%swap3A_126, %swap3A_127] {strides = array<i32>} : memref<128x128xf32, #tpu.memory_space<vmem>>, vector<16xf32>,
      tpu.vector_store %arg8[%swap3A_126, %swap3A_127], %broadcast_in_dim3A_3 {strides = array<i32>} : memref<128x128xf32, #tpu.memory_space<vmem>>, vector<16xf32>,
      %swap3A_129 = arith.index_cast %scan3A_104 : i32 to index
      %swap3A_130 = arith.constant 64 : index
      %swap3A_131 = tpu.vector_load %arg7[%swap3A_129, %swap3A_130] {strides = array<i32>} : memref<128x128xf32, #tpu.memory_space<vmem>>, vector<16xf32>,
      tpu.vector_store %arg7[%swap3A_129, %swap3A_130], %broadcast_in_dim3A_3 {strides = array<i32>} : memref<128x128xf32, #tpu.memory_space<vmem>>, vector<16xf32>,
      %swap3A_132 = arith.index_cast %scan3A_104 : i32 to index
      %swap3A_133 = arith.constant 64 : index
      %swap3A_134 = tpu.vector_load %arg8[%swap3A_132, %swap3A_133] {strides = array<i32>} : memref<128x128xf32, #tpu.memory_space<vmem>>, vector<16xf32>,
      tpu.vector_store %arg8[%swap3A_132, %swap3A_133], %broadcast_in_dim3A_3 {strides = array<i32>} : memref<128x128xf32, #tpu.memory_space<vmem>>, vector<16xf32>,
      %swap3A_135 = arith.index_cast %scan3A_104 : i32 to index
      %swap3A_136 = arith.constant 80 : index
      %swap3A_137 = tpu.vector_load %arg7[%swap3A_135, %swap3A_136] {strides = array<i32>} : memref<128x128xf32, #tpu.memory_space<vmem>>, vector<16xf32>,
      tpu.vector_store %arg7[%swap3A_135, %swap3A_136], %broadcast_in_dim3A_3 {strides = array<i32>} : memref<128x128xf32, #tpu.memory_space<vmem>>, vector<16xf32>,
      %swap3A_138 = arith.index_cast %scan3A_104 : i32 to index
      %swap3A_139 = arith.constant 80 : index
      %swap3A_140 = tpu.vector_load %arg8[%swap3A_138, %swap3A_139] {strides = array<i32>} : memref<128x128xf32, #tpu.memory_space<vmem>>, vector<16xf32>,
      tpu.vector_store %arg8[%swap3A_138, %swap3A_139], %broadcast_in_dim3A_3 {strides = array<i32>} : memref<128x128xf32, #tpu.memory_space<vmem>>, vector<16xf32>,
      %swap3A_141 = arith.index_cast %scan3A_104 : i32 to index
      %swap3A_142 = arith.constant 96 : index
      %swap3A_143 = tpu.vector_load %arg7[%swap3A_141, %swap3A_142] {strides = array<i32>} : memref<128x128xf32, #tpu.memory_space<vmem>>, vector<16xf32>,
      tpu.vector_store %arg7[%swap3A_141, %swap3A_142], %broadcast_in_dim3A_3 {strides = array<i32>} : memref<128x128xf32, #tpu.memory_space<vmem>>, vector<16xf32>,
      %swap3A_144 = arith.index_cast %scan3A_104 : i32 to index
      %swap3A_145 = arith.constant 96 : index
      %swap3A_146 = tpu.vector_load %arg8[%swap3A_144, %swap3A_145] {strides = array<i32>} : memref<128x128xf32, #tpu.memory_space<vmem>>, vector<16xf32>,
      tpu.vector_store %arg8[%swap3A_144, %swap3A_145], %broadcast_in_dim3A_3 {strides = array<i32>} : memref<128x128xf32, #tpu.memory_space<vmem>>, vector<16xf32>,
      %swap3A_147 = arith.index_cast %scan3A_104 : i32 to index
      %swap3A_148 = arith.constant 112 : index
      %swap3A_149 = tpu.vector_load %arg7[%swap3A_147, %swap3A_148] {strides = array<i32>} : memref<128x128xf32, #tpu.memory_space<vmem>>, vector<16xf32>,
      tpu.vector_store %arg7[%swap3A_147, %swap3A_148], %broadcast_in_dim3A_3 {strides = array<i32>} : memref<128x128xf32, #tpu.memory_space<vmem>>, vector<16xf32>,
      %swap3A_150 = arith.index_cast %scan3A_104 : i32 to index
      %swap3A_151 = arith.constant 112 : index
      %swap3A_152 = tpu.vector_load %arg8[%swap3A_150, %swap3A_151] {strides = array<i32>} : memref<128x128xf32, #tpu.memory_space<vmem>>, vector<16xf32>,
      tpu.vector_store %arg8[%swap3A_150, %swap3A_151], %broadcast_in_dim3A_3 {strides = array<i32>} : memref<128x128xf32, #tpu.memory_space<vmem>>, vector<16xf32>,
    }
    %scan3A_8 = arith.constant 128 : i32
    %dma_start3A = arith.constant 0 : i32
    %dma_start3A_9 = tpu.memref_slice %arg14[%mul3A_2, %dma_start3A] : memref<10016x128xf32, #tpu.memory_space<vmem_shared>> -> memref<128x128xf32, #tpu.memory_space<vmem_shared>>
    %dma_start3A_10 = arith.constant 0 : i32
    %dma_start3A_11 = tpu.memref_slice %arg14[%mul3A_2, %dma_start3A_10] : memref<10016x128xf32, #tpu.memory_space<vmem_shared>> -> memref<128x128xf32, #tpu.memory_space<vmem_shared>>
    tpu.enqueue_dma source(%arg7 : memref<128x128xf32, #tpu.memory_space<vmem>>) target(%dma_start3A_11 : memref<128x128xf32, #tpu.memory_space<vmem_shared>>) target_semaphore(%arg15 : memref<!tpu.dma_semaphore, #tpu.memory_space<semaphore_mem>>)
    %add3A_12 = arith.constant 128 : i32
    %add3A_13 = arith.addi %mul3A_2, %add3A_12 : i32
    %dma_start3A_14 = arith.constant 0 : i32
    %dma_start3A_15 = tpu.memref_slice %arg14[%add3A_13, %dma_start3A_14] : memref<10016x128xf32, #tpu.memory_space<vmem_shared>> -> memref<128x128xf32, #tpu.memory_space<vmem_shared>>
    %dma_start3A_16 = arith.constant 0 : i32
    %dma_start3A_17 = tpu.memref_slice %arg14[%add3A_13, %dma_start3A_16] : memref<10016x128xf32, #tpu.memory_space<vmem_shared>> -> memref<128x128xf32, #tpu.memory_space<vmem_shared>>
    tpu.enqueue_dma source(%arg8 : memref<128x128xf32, #tpu.memory_space<vmem>>) target(%dma_start3A_17 : memref<128x128xf32, #tpu.memory_space<vmem_shared>>) target_semaphore(%arg16 : memref<!tpu.dma_semaphore, #tpu.memory_space<semaphore_mem>>)
    %add3A_18 = arith.constant 256 : i32
    %add3A_19 = arith.addi %mul3A_2, %add3A_18 : i32
    %dma_start3A_20 = arith.constant 0 : i32
    %dma_start3A_21 = tpu.memref_slice %arg14[%add3A_19, %dma_start3A_20] : memref<10016x128xf32, #tpu.memory_space<vmem_shared>> -> memref<128x128xf32, #tpu.memory_space<vmem_shared>>
    %dma_start3A_22 = arith.constant 0 : i32
    %dma_start3A_23 = tpu.memref_slice %arg14[%add3A_19, %dma_start3A_22] : memref<10016x128xf32, #tpu.memory_space<vmem_shared>> -> memref<128x128xf32, #tpu.memory_space<vmem_shared>>
    tpu.enqueue_dma source(%arg7 : memref<128x128xf32, #tpu.memory_space<vmem>>) target(%dma_start3A_23 : memref<128x128xf32, #tpu.memory_space<vmem_shared>>) target_semaphore(%arg15 : memref<!tpu.dma_semaphore, #tpu.memory_space<semaphore_mem>>)
    %add3A_24 = arith.constant 384 : i32
    %add3A_25 = arith.addi %mul3A_2, %add3A_24 : i32
    %dma_start3A_26 = arith.constant 0 : i32
    %dma_start3A_27 = tpu.memref_slice %arg14[%add3A_25, %dma_start3A_26] : memref<10016x128xf32, #tpu.memory_space<vmem_shared>> -> memref<128x128xf32, #tpu.memory_space<vmem_shared>>
    %dma_start3A_28 = arith.constant 0 : i32
    %dma_start3A_29 = tpu.memref_slice %arg14[%add3A_25, %dma_start3A_28] : memref<10016x128xf32, #tpu.memory_space<vmem_shared>> -> memref<128x128xf32, #tpu.memory_space<vmem_shared>>
    tpu.enqueue_dma source(%arg8 : memref<128x128xf32, #tpu.memory_space<vmem>>) target(%dma_start3A_29 : memref<128x128xf32, #tpu.memory_space<vmem_shared>>) target_semaphore(%arg16 : memref<!tpu.dma_semaphore, #tpu.memory_space<semaphore_mem>>)
    %add3A_30 = arith.constant 512 : i32
    %add3A_31 = arith.addi %mul3A_2, %add3A_30 : i32
    %dma_start3A_32 = arith.constant 0 : i32
    %dma_start3A_33 = arith.constant 0 : i32
    %dma_start3A_34 = tpu.memref_slice %arg7[%dma_start3A_32, %dma_start3A_33] : memref<128x128xf32, #tpu.memory_space<vmem>> -> memref<112x128xf32, #tpu.memory_space<vmem>>
    %dma_start3A_35 = arith.constant 0 : i32
    %dma_start3A_36 = tpu.memref_slice %arg14[%add3A_31, %dma_start3A_35] : memref<10016x128xf32, #tpu.memory_space<vmem_shared>> -> memref<112x128xf32, #tpu.memory_space<vmem_shared>>
    %dma_start3A_37 = arith.constant 0 : i32
    %dma_start3A_38 = tpu.memref_slice %arg14[%add3A_31, %dma_start3A_37] : memref<10016x128xf32, #tpu.memory_space<vmem_shared>> -> memref<112x128xf32, #tpu.memory_space<vmem_shared>>
    %dma_start3A_39 = arith.constant 0 : i32
    %dma_start3A_40 = arith.constant 0 : i32
    %dma_start3A_41 = tpu.memref_slice %arg7[%dma_start3A_39, %dma_start3A_40] : memref<128x128xf32, #tpu.memory_space<vmem>> -> memref<112x128xf32, #tpu.memory_space<vmem>>
    tpu.enqueue_dma source(%dma_start3A_41 : memref<112x128xf32, #tpu.memory_space<vmem>>) target(%dma_start3A_38 : memref<112x128xf32, #tpu.memory_space<vmem_shared>>) target_semaphore(%arg15 : memref<!tpu.dma_semaphore, #tpu.memory_space<semaphore_mem>>)
    %eq3A = arith.constant 15 : i32
    %eq3A_42 = arith.cmpi eq, %arg1, %eq3A : i32
    %convert_element_type3A = arith.extui %eq3A_42 : i1 to i32
    %cond3A = arith.constant 0 : i32
    %cond3A_43 = arith.cmpi ne, %convert_element_type3A, %cond3A : i32
    scf.if %cond3A_43 {
      %dma_start3A_104 = arith.constant 0 : i32
      %dma_start3A_105 = arith.constant 0 : i32
      %dma_start3A_106 = tpu.memref_slice %arg8[%dma_start3A_104, %dma_start3A_105] : memref<128x128xf32, #tpu.memory_space<vmem>> -> memref<32x128xf32, #tpu.memory_space<vmem>>
      %dma_start3A_107 = arith.constant 9984 : i32
      %dma_start3A_108 = arith.constant 0 : i32
      %dma_start3A_109 = tpu.memref_slice %arg14[%dma_start3A_107, %dma_start3A_108] : memref<10016x128xf32, #tpu.memory_space<vmem_shared>> -> memref<32x128xf32, #tpu.memory_space<vmem_shared>>
      %dma_start3A_110 = arith.constant 9984 : i32
      %dma_start3A_111 = arith.constant 0 : i32
      %dma_start3A_112 = tpu.memref_slice %arg14[%dma_start3A_110, %dma_start3A_111] : memref<10016x128xf32, #tpu.memory_space<vmem_shared>> -> memref<32x128xf32, #tpu.memory_space<vmem_shared>>
      %dma_start3A_113 = arith.constant 0 : i32
      %dma_start3A_114 = arith.constant 0 : i32
      %dma_start3A_115 = tpu.memref_slice %arg8[%dma_start3A_113, %dma_start3A_114] : memref<128x128xf32, #tpu.memory_space<vmem>> -> memref<32x128xf32, #tpu.memory_space<vmem>>
      tpu.enqueue_dma source(%dma_start3A_115 : memref<32x128xf32, #tpu.memory_space<vmem>>) target(%dma_start3A_112 : memref<32x128xf32, #tpu.memory_space<vmem_shared>>) target_semaphore(%arg16 : memref<!tpu.dma_semaphore, #tpu.memory_space<semaphore_mem>>)
    } else {
    }
    %scan3A_44 = arith.constant 0 : i32
    %scan3A_45 = arith.constant 0 : i32
    %scan3A_46 = arith.constant 78 : i32
    %scan3A_47 = arith.addi %scan3A_45, %scan3A_46 : i32
    %scan3A_48 = arith.constant 1 : i32
    scf.for %scan3A_104 = %scan3A_45 to %scan3A_47 step %scan3A_48  : i32 {
      %mul3A_105 = arith.constant 8 : i32
      %mul3A_106 = arith.muli %scan3A_104, %mul3A_105 : i32
      %mul3A_107 = arith.constant 16 : i32
      %mul3A_108 = arith.muli %mul3A_106, %mul3A_107 : i32
      %add3A_109 = arith.constant 0 : i32
      %add3A_110 = arith.addi %mul3A_108, %add3A_109 : i32
      %swap3A_111 = arith.index_cast %add3A_110 : i32 to index
      %swap3A_112 = tpu.vector_load %arg13[%swap3A_111] {strides = array<i32>} : memref<10016xf32, #tpu.memory_space<vmem>>, vector<16xf32>,
      tpu.vector_store %arg13[%swap3A_111], %broadcast_in_dim3A_3 {strides = array<i32>} : memref<10016xf32, #tpu.memory_space<vmem>>, vector<16xf32>,
      %mul3A_113 = arith.constant 8 : i32
      %mul3A_114 = arith.muli %scan3A_104, %mul3A_113 : i32
      %mul3A_115 = arith.constant 16 : i32
      %mul3A_116 = arith.muli %mul3A_114, %mul3A_115 : i32
      %add3A_117 = arith.constant 16 : i32
      %add3A_118 = arith.addi %mul3A_116, %add3A_117 : i32
      %swap3A_119 = arith.index_cast %add3A_118 : i32 to index
      %swap3A_120 = tpu.vector_load %arg13[%swap3A_119] {strides = array<i32>} : memref<10016xf32, #tpu.memory_space<vmem>>, vector<16xf32>,
      tpu.vector_store %arg13[%swap3A_119], %broadcast_in_dim3A_3 {strides = array<i32>} : memref<10016xf32, #tpu.memory_space<vmem>>, vector<16xf32>,
      %mul3A_121 = arith.constant 8 : i32
      %mul3A_122 = arith.muli %scan3A_104, %mul3A_121 : i32
      %mul3A_123 = arith.constant 16 : i32
      %mul3A_124 = arith.muli %mul3A_122, %mul3A_123 : i32
      %add3A_125 = arith.constant 32 : i32
      %add3A_126 = arith.addi %mul3A_124, %add3A_125 : i32
      %swap3A_127 = arith.index_cast %add3A_126 : i32 to index
      %swap3A_128 = tpu.vector_load %arg13[%swap3A_127] {strides = array<i32>} : memref<10016xf32, #tpu.memory_space<vmem>>, vector<16xf32>,
      tpu.vector_store %arg13[%swap3A_127], %broadcast_in_dim3A_3 {strides = array<i32>} : memref<10016xf32, #tpu.memory_space<vmem>>, vector<16xf32>,
      %mul3A_129 = arith.constant 8 : i32
      %mul3A_130 = arith.muli %scan3A_104, %mul3A_129 : i32
      %mul3A_131 = arith.constant 16 : i32
      %mul3A_132 = arith.muli %mul3A_130, %mul3A_131 : i32
      %add3A_133 = arith.constant 48 : i32
      %add3A_134 = arith.addi %mul3A_132, %add3A_133 : i32
      %swap3A_135 = arith.index_cast %add3A_134 : i32 to index
      %swap3A_136 = tpu.vector_load %arg13[%swap3A_135] {strides = array<i32>} : memref<10016xf32, #tpu.memory_space<vmem>>, vector<16xf32>,
      tpu.vector_store %arg13[%swap3A_135], %broadcast_in_dim3A_3 {strides = array<i32>} : memref<10016xf32, #tpu.memory_space<vmem>>, vector<16xf32>,
      %mul3A_137 = arith.constant 8 : i32
      %mul3A_138 = arith.muli %scan3A_104, %mul3A_137 : i32
      %mul3A_139 = arith.constant 16 : i32
      %mul3A_140 = arith.muli %mul3A_138, %mul3A_139 : i32
      %add3A_141 = arith.constant 64 : i32
      %add3A_142 = arith.addi %mul3A_140, %add3A_141 : i32
      %swap3A_143 = arith.index_cast %add3A_142 : i32 to index
      %swap3A_144 = tpu.vector_load %arg13[%swap3A_143] {strides = array<i32>} : memref<10016xf32, #tpu.memory_space<vmem>>, vector<16xf32>,
      tpu.vector_store %arg13[%swap3A_143], %broadcast_in_dim3A_3 {strides = array<i32>} : memref<10016xf32, #tpu.memory_space<vmem>>, vector<16xf32>,
      %mul3A_145 = arith.constant 8 : i32
      %mul3A_146 = arith.muli %scan3A_104, %mul3A_145 : i32
      %mul3A_147 = arith.constant 16 : i32
      %mul3A_148 = arith.muli %mul3A_146, %mul3A_147 : i32
      %add3A_149 = arith.constant 80 : i32
      %add3A_150 = arith.addi %mul3A_148, %add3A_149 : i32
      %swap3A_151 = arith.index_cast %add3A_150 : i32 to index
      %swap3A_152 = tpu.vector_load %arg13[%swap3A_151] {strides = array<i32>} : memref<10016xf32, #tpu.memory_space<vmem>>, vector<16xf32>,
      tpu.vector_store %arg13[%swap3A_151], %broadcast_in_dim3A_3 {strides = array<i32>} : memref<10016xf32, #tpu.memory_space<vmem>>, vector<16xf32>,
      %mul3A_153 = arith.constant 8 : i32
      %mul3A_154 = arith.muli %scan3A_104, %mul3A_153 : i32
      %mul3A_155 = arith.constant 16 : i32
      %mul3A_156 = arith.muli %mul3A_154, %mul3A_155 : i32
      %add3A_157 = arith.constant 96 : i32
      %add3A_158 = arith.addi %mul3A_156, %add3A_157 : i32
      %swap3A_159 = arith.index_cast %add3A_158 : i32 to index
      %swap3A_160 = tpu.vector_load %arg13[%swap3A_159] {strides = array<i32>} : memref<10016xf32, #tpu.memory_space<vmem>>, vector<16xf32>,
      tpu.vector_store %arg13[%swap3A_159], %broadcast_in_dim3A_3 {strides = array<i32>} : memref<10016xf32, #tpu.memory_space<vmem>>, vector<16xf32>,
      %mul3A_161 = arith.constant 8 : i32
      %mul3A_162 = arith.muli %scan3A_104, %mul3A_161 : i32
      %mul3A_163 = arith.constant 16 : i32
      %mul3A_164 = arith.muli %mul3A_162, %mul3A_163 : i32
      %add3A_165 = arith.constant 112 : i32
      %add3A_166 = arith.addi %mul3A_164, %add3A_165 : i32
      %swap3A_167 = arith.index_cast %add3A_166 : i32 to index
      %swap3A_168 = tpu.vector_load %arg13[%swap3A_167] {strides = array<i32>} : memref<10016xf32, #tpu.memory_space<vmem>>, vector<16xf32>,
      tpu.vector_store %arg13[%swap3A_167], %broadcast_in_dim3A_3 {strides = array<i32>} : memref<10016xf32, #tpu.memory_space<vmem>>, vector<16xf32>,
    }
    %scan3A_49 = arith.constant 78 : i32
    %swap3A = arith.constant 9984 : index
    %swap3A_50 = tpu.vector_load %arg13[%swap3A] {strides = array<i32>} : memref<10016xf32, #tpu.memory_space<vmem>>, vector<16xf32>,
    tpu.vector_store %arg13[%swap3A], %broadcast_in_dim3A_3 {strides = array<i32>} : memref<10016xf32, #tpu.memory_space<vmem>>, vector<16xf32>,
    %swap3A_51 = arith.constant 10000 : index
    %swap3A_52 = tpu.vector_load %arg13[%swap3A_51] {strides = array<i32>} : memref<10016xf32, #tpu.memory_space<vmem>>, vector<16xf32>,
    tpu.vector_store %arg13[%swap3A_51], %broadcast_in_dim3A_3 {strides = array<i32>} : memref<10016xf32, #tpu.memory_space<vmem>>, vector<16xf32>,
    %dma_wait3A = arith.constant 0 : i32
    %dma_wait3A_53 = tpu.memref_slice %arg14[%mul3A_2, %dma_wait3A] : memref<10016x128xf32, #tpu.memory_space<vmem_shared>> -> memref<128x128xf32, #tpu.memory_space<vmem_shared>>
    %dma_wait3A_54 = arith.constant 0 : i32
    %dma_wait3A_55 = tpu.memref_slice %arg14[%mul3A_2, %dma_wait3A_54] : memref<10016x128xf32, #tpu.memory_space<vmem_shared>> -> memref<128x128xf32, #tpu.memory_space<vmem_shared>>
    tpu.wait_dma2 semaphore(%arg15 : memref<!tpu.dma_semaphore, #tpu.memory_space<semaphore_mem>>) src(%arg7 : memref<128x128xf32, #tpu.memory_space<vmem>>) dst(%dma_wait3A_55 : memref<128x128xf32, #tpu.memory_space<vmem_shared>>)
    %dma_wait3A_56 = arith.constant 0 : i32
    %dma_wait3A_57 = tpu.memref_slice %arg14[%mul3A_2, %dma_wait3A_56] : memref<10016x128xf32, #tpu.memory_space<vmem_shared>> -> memref<128x128xf32, #tpu.memory_space<vmem_shared>>
    %dma_wait3A_58 = arith.constant 0 : i32
    %dma_wait3A_59 = tpu.memref_slice %arg14[%mul3A_2, %dma_wait3A_58] : memref<10016x128xf32, #tpu.memory_space<vmem_shared>> -> memref<128x128xf32, #tpu.memory_space<vmem_shared>>
    tpu.wait_dma2 semaphore(%arg15 : memref<!tpu.dma_semaphore, #tpu.memory_space<semaphore_mem>>) src(%arg7 : memref<128x128xf32, #tpu.memory_space<vmem>>) dst(%dma_wait3A_59 : memref<128x128xf32, #tpu.memory_space<vmem_shared>>)
    %dma_wait3A_60 = arith.constant 0 : i32
    %dma_wait3A_61 = arith.constant 0 : i32
    %dma_wait3A_62 = tpu.memref_slice %arg7[%dma_wait3A_60, %dma_wait3A_61] : memref<128x128xf32, #tpu.memory_space<vmem>> -> memref<112x128xf32, #tpu.memory_space<vmem>>
    %dma_wait3A_63 = arith.constant 0 : i32
    %dma_wait3A_64 = tpu.memref_slice %arg14[%mul3A_2, %dma_wait3A_63] : memref<10016x128xf32, #tpu.memory_space<vmem_shared>> -> memref<112x128xf32, #tpu.memory_space<vmem_shared>>
    %dma_wait3A_65 = arith.constant 0 : i32
    %dma_wait3A_66 = tpu.memref_slice %arg14[%mul3A_2, %dma_wait3A_65] : memref<10016x128xf32, #tpu.memory_space<vmem_shared>> -> memref<112x128xf32, #tpu.memory_space<vmem_shared>>
    %dma_wait3A_67 = arith.constant 0 : i32
    %dma_wait3A_68 = arith.constant 0 : i32
    %dma_wait3A_69 = tpu.memref_slice %arg7[%dma_wait3A_67, %dma_wait3A_68] : memref<128x128xf32, #tpu.memory_space<vmem>> -> memref<112x128xf32, #tpu.memory_space<vmem>>
    tpu.wait_dma2 semaphore(%arg15 : memref<!tpu.dma_semaphore, #tpu.memory_space<semaphore_mem>>) src(%dma_wait3A_69 : memref<112x128xf32, #tpu.memory_space<vmem>>) dst(%dma_wait3A_66 : memref<112x128xf32, #tpu.memory_space<vmem_shared>>)
    %dma_wait3A_70 = arith.constant 0 : i32
    %dma_wait3A_71 = tpu.memref_slice %arg14[%mul3A_2, %dma_wait3A_70] : memref<10016x128xf32, #tpu.memory_space<vmem_shared>> -> memref<128x128xf32, #tpu.memory_space<vmem_shared>>
    %dma_wait3A_72 = arith.constant 0 : i32
    %dma_wait3A_73 = tpu.memref_slice %arg14[%mul3A_2, %dma_wait3A_72] : memref<10016x128xf32, #tpu.memory_space<vmem_shared>> -> memref<128x128xf32, #tpu.memory_space<vmem_shared>>
    tpu.wait_dma2 semaphore(%arg16 : memref<!tpu.dma_semaphore, #tpu.memory_space<semaphore_mem>>) src(%arg8 : memref<128x128xf32, #tpu.memory_space<vmem>>) dst(%dma_wait3A_73 : memref<128x128xf32, #tpu.memory_space<vmem_shared>>)
    %dma_wait3A_74 = arith.constant 0 : i32
    %dma_wait3A_75 = tpu.memref_slice %arg14[%mul3A_2, %dma_wait3A_74] : memref<10016x128xf32, #tpu.memory_space<vmem_shared>> -> memref<128x128xf32, #tpu.memory_space<vmem_shared>>
    %dma_wait3A_76 = arith.constant 0 : i32
    %dma_wait3A_77 = tpu.memref_slice %arg14[%mul3A_2, %dma_wait3A_76] : memref<10016x128xf32, #tpu.memory_space<vmem_shared>> -> memref<128x128xf32, #tpu.memory_space<vmem_shared>>
    tpu.wait_dma2 semaphore(%arg16 : memref<!tpu.dma_semaphore, #tpu.memory_space<semaphore_mem>>) src(%arg8 : memref<128x128xf32, #tpu.memory_space<vmem>>) dst(%dma_wait3A_77 : memref<128x128xf32, #tpu.memory_space<vmem_shared>>)
    %eq3A_78 = arith.constant 15 : i32
    %eq3A_79 = arith.cmpi eq, %arg1, %eq3A_78 : i32
    %convert_element_type3A_80 = arith.extui %eq3A_79 : i1 to i32
    %cond3A_81 = arith.constant 0 : i32
    %cond3A_82 = arith.cmpi ne, %convert_element_type3A_80, %cond3A_81 : i32
    scf.if %cond3A_82 {
      %dma_wait3A_104 = arith.constant 0 : i32
      %dma_wait3A_105 = arith.constant 0 : i32
      %dma_wait3A_106 = tpu.memref_slice %arg8[%dma_wait3A_104, %dma_wait3A_105] : memref<128x128xf32, #tpu.memory_space<vmem>> -> memref<32x128xf32, #tpu.memory_space<vmem>>
      %dma_wait3A_107 = arith.constant 9984 : i32
      %dma_wait3A_108 = arith.constant 0 : i32
      %dma_wait3A_109 = tpu.memref_slice %arg14[%dma_wait3A_107, %dma_wait3A_108] : memref<10016x128xf32, #tpu.memory_space<vmem_shared>> -> memref<32x128xf32, #tpu.memory_space<vmem_shared>>
      %dma_wait3A_110 = arith.constant 9984 : i32
      %dma_wait3A_111 = arith.constant 0 : i32
      %dma_wait3A_112 = tpu.memref_slice %arg14[%dma_wait3A_110, %dma_wait3A_111] : memref<10016x128xf32, #tpu.memory_space<vmem_shared>> -> memref<32x128xf32, #tpu.memory_space<vmem_shared>>
      %dma_wait3A_113 = arith.constant 0 : i32
      %dma_wait3A_114 = arith.constant 0 : i32
      %dma_wait3A_115 = tpu.memref_slice %arg8[%dma_wait3A_113, %dma_wait3A_114] : memref<128x128xf32, #tpu.memory_space<vmem>> -> memref<32x128xf32, #tpu.memory_space<vmem>>
      tpu.wait_dma2 semaphore(%arg16 : memref<!tpu.dma_semaphore, #tpu.memory_space<semaphore_mem>>) src(%dma_wait3A_115 : memref<32x128xf32, #tpu.memory_space<vmem>>) dst(%dma_wait3A_112 : memref<32x128xf32, #tpu.memory_space<vmem_shared>>)
    } else {
    }
    %mul3A_83 = arith.constant 5120 : i32
    %mul3A_84 = arith.muli %add3A, %mul3A_83 : i32
    %dma_start3A_85 = arith.constant 0 : i32
    %dma_start3A_86 = tpu.memref_slice %arg2[%mul3A_84, %dma_start3A_85] : memref<163840x128xf32, #tpu.memory_space<hbm>> -> memref<128x128xf32, #tpu.memory_space<hbm>>
    %dma_start3A_87 = arith.constant 0 : i32
    %dma_start3A_88 = tpu.memref_slice %arg2[%mul3A_84, %dma_start3A_87] : memref<163840x128xf32, #tpu.memory_space<hbm>> -> memref<128x128xf32, #tpu.memory_space<hbm>>
    tpu.enqueue_dma source(%dma_start3A_88 : memref<128x128xf32, #tpu.memory_space<hbm>>) target(%arg7 : memref<128x128xf32, #tpu.memory_space<vmem>>) target_semaphore(%arg15 : memref<!tpu.dma_semaphore, #tpu.memory_space<semaphore_mem>>)
    %dma_start3A_89 = tpu.memref_slice %arg3[%mul3A_84] : memref<163840xi32, #tpu.memory_space<hbm>> -> memref<128xi32, #tpu.memory_space<hbm>>
    %dma_start3A_90 = tpu.memref_slice %arg3[%mul3A_84] : memref<163840xi32, #tpu.memory_space<hbm>> -> memref<128xi32, #tpu.memory_space<hbm>>
    tpu.enqueue_dma source(%dma_start3A_90 : memref<128xi32, #tpu.memory_space<hbm>>) target(%arg9 : memref<128xi32, #tpu.memory_space<vmem>>) target_semaphore(%arg15 : memref<!tpu.dma_semaphore, #tpu.memory_space<semaphore_mem>>)
    %dma_start3A_91 = tpu.memref_slice %arg4[%mul3A_84] : memref<163840xf32, #tpu.memory_space<hbm>> -> memref<128xf32, #tpu.memory_space<hbm>>
    %dma_start3A_92 = tpu.memref_slice %arg4[%mul3A_84] : memref<163840xf32, #tpu.memory_space<hbm>> -> memref<128xf32, #tpu.memory_space<hbm>>
    tpu.enqueue_dma source(%dma_start3A_92 : memref<128xf32, #tpu.memory_space<hbm>>) target(%arg11 : memref<128xf32, #tpu.memory_space<vmem>>) target_semaphore(%arg15 : memref<!tpu.dma_semaphore, #tpu.memory_space<semaphore_mem>>)
    %scan3A_93 = arith.constant 0 : i32
    %scan3A_94 = arith.constant 0 : i32
    %scan3A_95 = arith.constant 20 : i32
    %scan3A_96 = arith.addi %scan3A_94, %scan3A_95 : i32
    %scan3A_97 = arith.constant 1 : i32
    scf.for %scan3A_104 = %scan3A_94 to %scan3A_96 step %scan3A_97  : i32 {
      %mul3A_105 = arith.constant 2 : i32
      %mul3A_106 = arith.muli %scan3A_104, %mul3A_105 : i32
      %add3A_107 = arith.constant 0 : i32
      %add3A_108 = arith.addi %mul3A_106, %add3A_107 : i32
      %add3A_109 = arith.constant 1 : i32
      %add3A_110 = arith.addi %add3A_108, %add3A_109 : i32
      %lt3A = arith.constant 40 : i32
      %lt3A_111 = arith.cmpi slt, %add3A_110, %lt3A : i32
      %convert_element_type3A_112 = arith.extui %lt3A_111 : i1 to i32
      %cond3A_113 = arith.constant 0 : i32
      %cond3A_114 = arith.cmpi ne, %convert_element_type3A_112, %cond3A_113 : i32
      scf.if %cond3A_114 {
        %add3A_374 = arith.constant 1 : i32
        %add3A_375 = arith.addi %add3A_108, %add3A_374 : i32
        %mul3A_376 = arith.constant 128 : i32
        %mul3A_377 = arith.muli %add3A_375, %mul3A_376 : i32
        %add3A_378 = arith.addi %mul3A_84, %mul3A_377 : i32
        %dma_start3A_379 = arith.constant 0 : i32
        %dma_start3A_380 = tpu.memref_slice %arg2[%add3A_378, %dma_start3A_379] : memref<163840x128xf32, #tpu.memory_space<hbm>> -> memref<128x128xf32, #tpu.memory_space<hbm>>
        %dma_start3A_381 = arith.constant 0 : i32
        %dma_start3A_382 = tpu.memref_slice %arg2[%add3A_378, %dma_start3A_381] : memref<163840x128xf32, #tpu.memory_space<hbm>> -> memref<128x128xf32, #tpu.memory_space<hbm>>
        tpu.enqueue_dma source(%dma_start3A_382 : memref<128x128xf32, #tpu.memory_space<hbm>>) target(%arg8 : memref<128x128xf32, #tpu.memory_space<vmem>>) target_semaphore(%arg16 : memref<!tpu.dma_semaphore, #tpu.memory_space<semaphore_mem>>)
        %dma_start3A_383 = tpu.memref_slice %arg3[%add3A_378] : memref<163840xi32, #tpu.memory_space<hbm>> -> memref<128xi32, #tpu.memory_space<hbm>>
        %dma_start3A_384 = tpu.memref_slice %arg3[%add3A_378] : memref<163840xi32, #tpu.memory_space<hbm>> -> memref<128xi32, #tpu.memory_space<hbm>>
        tpu.enqueue_dma source(%dma_start3A_384 : memref<128xi32, #tpu.memory_space<hbm>>) target(%arg10 : memref<128xi32, #tpu.memory_space<vmem>>) target_semaphore(%arg16 : memref<!tpu.dma_semaphore, #tpu.memory_space<semaphore_mem>>)
        %dma_start3A_385 = tpu.memref_slice %arg4[%add3A_378] : memref<163840xf32, #tpu.memory_space<hbm>> -> memref<128xf32, #tpu.memory_space<hbm>>
        %dma_start3A_386 = tpu.memref_slice %arg4[%add3A_378] : memref<163840xf32, #tpu.memory_space<hbm>> -> memref<128xf32, #tpu.memory_space<hbm>>
        tpu.enqueue_dma source(%dma_start3A_386 : memref<128xf32, #tpu.memory_space<hbm>>) target(%arg12 : memref<128xf32, #tpu.memory_space<vmem>>) target_semaphore(%arg16 : memref<!tpu.dma_semaphore, #tpu.memory_space<semaphore_mem>>)
      } else {
      }
      %dma_wait3A_115 = arith.constant 0 : i32
      %dma_wait3A_116 = arith.constant 0 : i32
      %dma_wait3A_117 = tpu.memref_slice %arg2[%dma_wait3A_115, %dma_wait3A_116] : memref<163840x128xf32, #tpu.memory_space<hbm>> -> memref<128x128xf32, #tpu.memory_space<hbm>>
      %dma_wait3A_118 = arith.constant 0 : i32
      %dma_wait3A_119 = arith.constant 0 : i32
      %dma_wait3A_120 = tpu.memref_slice %arg2[%dma_wait3A_118, %dma_wait3A_119] : memref<163840x128xf32, #tpu.memory_space<hbm>> -> memref<128x128xf32, #tpu.memory_space<hbm>>
      tpu.wait_dma2 semaphore(%arg15 : memref<!tpu.dma_semaphore, #tpu.memory_space<semaphore_mem>>) src(%dma_wait3A_120 : memref<128x128xf32, #tpu.memory_space<hbm>>) dst(%arg7 : memref<128x128xf32, #tpu.memory_space<vmem>>)
      %dma_wait3A_121 = arith.constant 0 : i32
      %dma_wait3A_122 = tpu.memref_slice %arg3[%dma_wait3A_121] : memref<163840xi32, #tpu.memory_space<hbm>> -> memref<128xi32, #tpu.memory_space<hbm>>
      %dma_wait3A_123 = arith.constant 0 : i32
      %dma_wait3A_124 = tpu.memref_slice %arg3[%dma_wait3A_123] : memref<163840xi32, #tpu.memory_space<hbm>> -> memref<128xi32, #tpu.memory_space<hbm>>
      tpu.wait_dma2 semaphore(%arg15 : memref<!tpu.dma_semaphore, #tpu.memory_space<semaphore_mem>>) src(%dma_wait3A_124 : memref<128xi32, #tpu.memory_space<hbm>>) dst(%arg9 : memref<128xi32, #tpu.memory_space<vmem>>)
      %dma_wait3A_125 = arith.constant 0 : i32
      %dma_wait3A_126 = tpu.memref_slice %arg4[%dma_wait3A_125] : memref<163840xf32, #tpu.memory_space<hbm>> -> memref<128xf32, #tpu.memory_space<hbm>>
      %dma_wait3A_127 = arith.constant 0 : i32
      %dma_wait3A_128 = tpu.memref_slice %arg4[%dma_wait3A_127] : memref<163840xf32, #tpu.memory_space<hbm>> -> memref<128xf32, #tpu.memory_space<hbm>>
      tpu.wait_dma2 semaphore(%arg15 : memref<!tpu.dma_semaphore, #tpu.memory_space<semaphore_mem>>) src(%dma_wait3A_128 : memref<128xf32, #tpu.memory_space<hbm>>) dst(%arg11 : memref<128xf32, #tpu.memory_space<vmem>>)
      "tpu.region"() ({
        %run_scoped3A = tpu.sem_alloc : memref<!tpu.dma_semaphore, #tpu.memory_space<semaphore_mem>>
        %dma_start3A_374 = arith.constant 0 : i32
        %dma_start3A_375 = arith.constant 0 : i32
        %dma_start3A_376 = tpu.memref_slice %arg14[%dma_start3A_374, %dma_start3A_375] : memref<10016x128xf32, #tpu.memory_space<vmem_shared>> -> memref<10016x128xf32, #tpu.memory_space<vmem_shared>>
        tpu.enqueue_indirect_dma source(%arg7 : memref<128x128xf32, #tpu.memory_space<vmem>>) target(%dma_start3A_376 : memref<10016x128xf32, #tpu.memory_space<vmem_shared>>) offsets(%arg9 : memref<128xi32, #tpu.memory_space<vmem>>) semaphore(%run_scoped3A : memref<!tpu.dma_semaphore, #tpu.memory_space<semaphore_mem>>) {add = true}
        %dma_wait3A_377 = arith.constant 0 : i32
        %dma_wait3A_378 = arith.constant 0 : i32
        %dma_wait3A_379 = tpu.memref_slice %arg14[%dma_wait3A_377, %dma_wait3A_378] : memref<10016x128xf32, #tpu.memory_space<vmem_shared>> -> memref<10016x128xf32, #tpu.memory_space<vmem_shared>>
        tpu.wait_indirect_dma semaphore(%run_scoped3A : memref<!tpu.dma_semaphore, #tpu.memory_space<semaphore_mem>>) src(%arg7 : memref<128x128xf32, #tpu.memory_space<vmem>>) dst(%dma_wait3A_379 : memref<10016x128xf32, #tpu.memory_space<vmem_shared>>)
        tpu.yield
      }) : () -> ()
      %get3A = arith.constant 0 : index
      %get3A_129 = tpu.vector_load %arg9[%get3A] {strides = array<i32>} : memref<128xi32, #tpu.memory_space<vmem>>, vector<16xi32>,
      %get3A_130 = arith.constant 0 : index
      %get3A_131 = tpu.vector_load %arg11[%get3A_130] {strides = array<i32>} : memref<128xf32, #tpu.memory_space<vmem>>, vector<16xf32>,
      %neg3A = arith.constant 0.000000e+00 : f32
      %neg3A_132 = vector.broadcast %neg3A : f32 to vector<16xf32>
      %neg3A_133 = arith.subf %neg3A_132, %get3A_131 : vector<16xf32>
      %exp3A = math.exp %neg3A_133 : vector<16xf32>
      %add3A_134 = arith.constant 1.000000e+00 : f32
      %add3A_135 = vector.broadcast %add3A_134 : f32 to vector<16xf32>
      %add3A_136 = arith.addf %add3A_135, %exp3A : vector<16xf32>
      %div3A = arith.constant 1.000000e+00 : f32
      %div3A_137 = vector.broadcast %div3A : f32 to vector<16xf32>
      %div3A_138 = arith.divf %div3A_137, %add3A_136 : vector<16xf32>
      tpu.vector_store_idx %arg13[%get3A_129], %div3A_138 {add = true} : memref<10016xf32, #tpu.memory_space<vmem>>[vector<16xi32>], vector<16xf32>,
      %get3A_139 = arith.constant 16 : index
      %get3A_140 = tpu.vector_load %arg9[%get3A_139] {strides = array<i32>} : memref<128xi32, #tpu.memory_space<vmem>>, vector<16xi32>,
      %get3A_141 = arith.constant 16 : index
      %get3A_142 = tpu.vector_load %arg11[%get3A_141] {strides = array<i32>} : memref<128xf32, #tpu.memory_space<vmem>>, vector<16xf32>,
      %neg3A_143 = arith.constant 0.000000e+00 : f32
      %neg3A_144 = vector.broadcast %neg3A_143 : f32 to vector<16xf32>
      %neg3A_145 = arith.subf %neg3A_144, %get3A_142 : vector<16xf32>
      %exp3A_146 = math.exp %neg3A_145 : vector<16xf32>
      %add3A_147 = arith.constant 1.000000e+00 : f32
      %add3A_148 = vector.broadcast %add3A_147 : f32 to vector<16xf32>
      %add3A_149 = arith.addf %add3A_148, %exp3A_146 : vector<16xf32>
      %div3A_150 = arith.constant 1.000000e+00 : f32
      %div3A_151 = vector.broadcast %div3A_150 : f32 to vector<16xf32>
      %div3A_152 = arith.divf %div3A_151, %add3A_149 : vector<16xf32>
      tpu.vector_store_idx %arg13[%get3A_140], %div3A_152 {add = true} : memref<10016xf32, #tpu.memory_space<vmem>>[vector<16xi32>], vector<16xf32>,
      %get3A_153 = arith.constant 32 : index
      %get3A_154 = tpu.vector_load %arg9[%get3A_153] {strides = array<i32>} : memref<128xi32, #tpu.memory_space<vmem>>, vector<16xi32>,
      %get3A_155 = arith.constant 32 : index
      %get3A_156 = tpu.vector_load %arg11[%get3A_155] {strides = array<i32>} : memref<128xf32, #tpu.memory_space<vmem>>, vector<16xf32>,
      %neg3A_157 = arith.constant 0.000000e+00 : f32
      %neg3A_158 = vector.broadcast %neg3A_157 : f32 to vector<16xf32>
      %neg3A_159 = arith.subf %neg3A_158, %get3A_156 : vector<16xf32>
      %exp3A_160 = math.exp %neg3A_159 : vector<16xf32>
      %add3A_161 = arith.constant 1.000000e+00 : f32
      %add3A_162 = vector.broadcast %add3A_161 : f32 to vector<16xf32>
      %add3A_163 = arith.addf %add3A_162, %exp3A_160 : vector<16xf32>
      %div3A_164 = arith.constant 1.000000e+00 : f32
      %div3A_165 = vector.broadcast %div3A_164 : f32 to vector<16xf32>
      %div3A_166 = arith.divf %div3A_165, %add3A_163 : vector<16xf32>
      tpu.vector_store_idx %arg13[%get3A_154], %div3A_166 {add = true} : memref<10016xf32, #tpu.memory_space<vmem>>[vector<16xi32>], vector<16xf32>,
      %get3A_167 = arith.constant 48 : index
      %get3A_168 = tpu.vector_load %arg9[%get3A_167] {strides = array<i32>} : memref<128xi32, #tpu.memory_space<vmem>>, vector<16xi32>,
      %get3A_169 = arith.constant 48 : index
      %get3A_170 = tpu.vector_load %arg11[%get3A_169] {strides = array<i32>} : memref<128xf32, #tpu.memory_space<vmem>>, vector<16xf32>,
      %neg3A_171 = arith.constant 0.000000e+00 : f32
      %neg3A_172 = vector.broadcast %neg3A_171 : f32 to vector<16xf32>
      %neg3A_173 = arith.subf %neg3A_172, %get3A_170 : vector<16xf32>
      %exp3A_174 = math.exp %neg3A_173 : vector<16xf32>
      %add3A_175 = arith.constant 1.000000e+00 : f32
      %add3A_176 = vector.broadcast %add3A_175 : f32 to vector<16xf32>
      %add3A_177 = arith.addf %add3A_176, %exp3A_174 : vector<16xf32>
      %div3A_178 = arith.constant 1.000000e+00 : f32
      %div3A_179 = vector.broadcast %div3A_178 : f32 to vector<16xf32>
      %div3A_180 = arith.divf %div3A_179, %add3A_177 : vector<16xf32>
      tpu.vector_store_idx %arg13[%get3A_168], %div3A_180 {add = true} : memref<10016xf32, #tpu.memory_space<vmem>>[vector<16xi32>], vector<16xf32>,
      %get3A_181 = arith.constant 64 : index
      %get3A_182 = tpu.vector_load %arg9[%get3A_181] {strides = array<i32>} : memref<128xi32, #tpu.memory_space<vmem>>, vector<16xi32>,
      %get3A_183 = arith.constant 64 : index
      %get3A_184 = tpu.vector_load %arg11[%get3A_183] {strides = array<i32>} : memref<128xf32, #tpu.memory_space<vmem>>, vector<16xf32>,
      %neg3A_185 = arith.constant 0.000000e+00 : f32
      %neg3A_186 = vector.broadcast %neg3A_185 : f32 to vector<16xf32>
      %neg3A_187 = arith.subf %neg3A_186, %get3A_184 : vector<16xf32>
      %exp3A_188 = math.exp %neg3A_187 : vector<16xf32>
      %add3A_189 = arith.constant 1.000000e+00 : f32
      %add3A_190 = vector.broadcast %add3A_189 : f32 to vector<16xf32>
      %add3A_191 = arith.addf %add3A_190, %exp3A_188 : vector<16xf32>
      %div3A_192 = arith.constant 1.000000e+00 : f32
      %div3A_193 = vector.broadcast %div3A_192 : f32 to vector<16xf32>
      %div3A_194 = arith.divf %div3A_193, %add3A_191 : vector<16xf32>
      tpu.vector_store_idx %arg13[%get3A_182], %div3A_194 {add = true} : memref<10016xf32, #tpu.memory_space<vmem>>[vector<16xi32>], vector<16xf32>,
      %get3A_195 = arith.constant 80 : index
      %get3A_196 = tpu.vector_load %arg9[%get3A_195] {strides = array<i32>} : memref<128xi32, #tpu.memory_space<vmem>>, vector<16xi32>,
      %get3A_197 = arith.constant 80 : index
      %get3A_198 = tpu.vector_load %arg11[%get3A_197] {strides = array<i32>} : memref<128xf32, #tpu.memory_space<vmem>>, vector<16xf32>,
      %neg3A_199 = arith.constant 0.000000e+00 : f32
      %neg3A_200 = vector.broadcast %neg3A_199 : f32 to vector<16xf32>
      %neg3A_201 = arith.subf %neg3A_200, %get3A_198 : vector<16xf32>
      %exp3A_202 = math.exp %neg3A_201 : vector<16xf32>
      %add3A_203 = arith.constant 1.000000e+00 : f32
      %add3A_204 = vector.broadcast %add3A_203 : f32 to vector<16xf32>
      %add3A_205 = arith.addf %add3A_204, %exp3A_202 : vector<16xf32>
      %div3A_206 = arith.constant 1.000000e+00 : f32
      %div3A_207 = vector.broadcast %div3A_206 : f32 to vector<16xf32>
      %div3A_208 = arith.divf %div3A_207, %add3A_205 : vector<16xf32>
      tpu.vector_store_idx %arg13[%get3A_196], %div3A_208 {add = true} : memref<10016xf32, #tpu.memory_space<vmem>>[vector<16xi32>], vector<16xf32>,
      %get3A_209 = arith.constant 96 : index
      %get3A_210 = tpu.vector_load %arg9[%get3A_209] {strides = array<i32>} : memref<128xi32, #tpu.memory_space<vmem>>, vector<16xi32>,
      %get3A_211 = arith.constant 96 : index
      %get3A_212 = tpu.vector_load %arg11[%get3A_211] {strides = array<i32>} : memref<128xf32, #tpu.memory_space<vmem>>, vector<16xf32>,
      %neg3A_213 = arith.constant 0.000000e+00 : f32
      %neg3A_214 = vector.broadcast %neg3A_213 : f32 to vector<16xf32>
      %neg3A_215 = arith.subf %neg3A_214, %get3A_212 : vector<16xf32>
      %exp3A_216 = math.exp %neg3A_215 : vector<16xf32>
      %add3A_217 = arith.constant 1.000000e+00 : f32
      %add3A_218 = vector.broadcast %add3A_217 : f32 to vector<16xf32>
      %add3A_219 = arith.addf %add3A_218, %exp3A_216 : vector<16xf32>
      %div3A_220 = arith.constant 1.000000e+00 : f32
      %div3A_221 = vector.broadcast %div3A_220 : f32 to vector<16xf32>
      %div3A_222 = arith.divf %div3A_221, %add3A_219 : vector<16xf32>
      tpu.vector_store_idx %arg13[%get3A_210], %div3A_222 {add = true} : memref<10016xf32, #tpu.memory_space<vmem>>[vector<16xi32>], vector<16xf32>,
      %get3A_223 = arith.constant 112 : index
      %get3A_224 = tpu.vector_load %arg9[%get3A_223] {strides = array<i32>} : memref<128xi32, #tpu.memory_space<vmem>>, vector<16xi32>,
      %get3A_225 = arith.constant 112 : index
      %get3A_226 = tpu.vector_load %arg11[%get3A_225] {strides = array<i32>} : memref<128xf32, #tpu.memory_space<vmem>>, vector<16xf32>,
      %neg3A_227 = arith.constant 0.000000e+00 : f32
      %neg3A_228 = vector.broadcast %neg3A_227 : f32 to vector<16xf32>
      %neg3A_229 = arith.subf %neg3A_228, %get3A_226 : vector<16xf32>
      %exp3A_230 = math.exp %neg3A_229 : vector<16xf32>
      %add3A_231 = arith.constant 1.000000e+00 : f32
      %add3A_232 = vector.broadcast %add3A_231 : f32 to vector<16xf32>
      %add3A_233 = arith.addf %add3A_232, %exp3A_230 : vector<16xf32>
      %div3A_234 = arith.constant 1.000000e+00 : f32
      %div3A_235 = vector.broadcast %div3A_234 : f32 to vector<16xf32>
      %div3A_236 = arith.divf %div3A_235, %add3A_233 : vector<16xf32>
      tpu.vector_store_idx %arg13[%get3A_224], %div3A_236 {add = true} : memref<10016xf32, #tpu.memory_space<vmem>>[vector<16xi32>], vector<16xf32>,
      %mul3A_237 = arith.constant 2 : i32
      %mul3A_238 = arith.muli %scan3A_104, %mul3A_237 : i32
      %add3A_239 = arith.constant 1 : i32
      %add3A_240 = arith.addi %mul3A_238, %add3A_239 : i32
      %add3A_241 = arith.constant 1 : i32
      %add3A_242 = arith.addi %add3A_240, %add3A_241 : i32
      %lt3A_243 = arith.constant 40 : i32
      %lt3A_244 = arith.cmpi slt, %add3A_242, %lt3A_243 : i32
      %convert_element_type3A_245 = arith.extui %lt3A_244 : i1 to i32
      %cond3A_246 = arith.constant 0 : i32
      %cond3A_247 = arith.cmpi ne, %convert_element_type3A_245, %cond3A_246 : i32
      scf.if %cond3A_247 {
        %add3A_374 = arith.constant 1 : i32
        %add3A_375 = arith.addi %add3A_240, %add3A_374 : i32
        %mul3A_376 = arith.constant 128 : i32
        %mul3A_377 = arith.muli %add3A_375, %mul3A_376 : i32
        %add3A_378 = arith.addi %mul3A_84, %mul3A_377 : i32
        %dma_start3A_379 = arith.constant 0 : i32
        %dma_start3A_380 = tpu.memref_slice %arg2[%add3A_378, %dma_start3A_379] : memref<163840x128xf32, #tpu.memory_space<hbm>> -> memref<128x128xf32, #tpu.memory_space<hbm>>
        %dma_start3A_381 = arith.constant 0 : i32
        %dma_start3A_382 = tpu.memref_slice %arg2[%add3A_378, %dma_start3A_381] : memref<163840x128xf32, #tpu.memory_space<hbm>> -> memref<128x128xf32, #tpu.memory_space<hbm>>
        tpu.enqueue_dma source(%dma_start3A_382 : memref<128x128xf32, #tpu.memory_space<hbm>>) target(%arg7 : memref<128x128xf32, #tpu.memory_space<vmem>>) target_semaphore(%arg15 : memref<!tpu.dma_semaphore, #tpu.memory_space<semaphore_mem>>)
        %dma_start3A_383 = tpu.memref_slice %arg3[%add3A_378] : memref<163840xi32, #tpu.memory_space<hbm>> -> memref<128xi32, #tpu.memory_space<hbm>>
        %dma_start3A_384 = tpu.memref_slice %arg3[%add3A_378] : memref<163840xi32, #tpu.memory_space<hbm>> -> memref<128xi32, #tpu.memory_space<hbm>>
        tpu.enqueue_dma source(%dma_start3A_384 : memref<128xi32, #tpu.memory_space<hbm>>) target(%arg9 : memref<128xi32, #tpu.memory_space<vmem>>) target_semaphore(%arg15 : memref<!tpu.dma_semaphore, #tpu.memory_space<semaphore_mem>>)
        %dma_start3A_385 = tpu.memref_slice %arg4[%add3A_378] : memref<163840xf32, #tpu.memory_space<hbm>> -> memref<128xf32, #tpu.memory_space<hbm>>
        %dma_start3A_386 = tpu.memref_slice %arg4[%add3A_378] : memref<163840xf32, #tpu.memory_space<hbm>> -> memref<128xf32, #tpu.memory_space<hbm>>
        tpu.enqueue_dma source(%dma_start3A_386 : memref<128xf32, #tpu.memory_space<hbm>>) target(%arg11 : memref<128xf32, #tpu.memory_space<vmem>>) target_semaphore(%arg15 : memref<!tpu.dma_semaphore, #tpu.memory_space<semaphore_mem>>)
      } else {
      }
      %dma_wait3A_248 = arith.constant 0 : i32
      %dma_wait3A_249 = arith.constant 0 : i32
      %dma_wait3A_250 = tpu.memref_slice %arg2[%dma_wait3A_248, %dma_wait3A_249] : memref<163840x128xf32, #tpu.memory_space<hbm>> -> memref<128x128xf32, #tpu.memory_space<hbm>>
      %dma_wait3A_251 = arith.constant 0 : i32
      %dma_wait3A_252 = arith.constant 0 : i32
      %dma_wait3A_253 = tpu.memref_slice %arg2[%dma_wait3A_251, %dma_wait3A_252] : memref<163840x128xf32, #tpu.memory_space<hbm>> -> memref<128x128xf32, #tpu.memory_space<hbm>>
      tpu.wait_dma2 semaphore(%arg16 : memref<!tpu.dma_semaphore, #tpu.memory_space<semaphore_mem>>) src(%dma_wait3A_253 : memref<128x128xf32, #tpu.memory_space<hbm>>) dst(%arg8 : memref<128x128xf32, #tpu.memory_space<vmem>>)
      %dma_wait3A_254 = arith.constant 0 : i32
      %dma_wait3A_255 = tpu.memref_slice %arg3[%dma_wait3A_254] : memref<163840xi32, #tpu.memory_space<hbm>> -> memref<128xi32, #tpu.memory_space<hbm>>
      %dma_wait3A_256 = arith.constant 0 : i32
      %dma_wait3A_257 = tpu.memref_slice %arg3[%dma_wait3A_256] : memref<163840xi32, #tpu.memory_space<hbm>> -> memref<128xi32, #tpu.memory_space<hbm>>
      tpu.wait_dma2 semaphore(%arg16 : memref<!tpu.dma_semaphore, #tpu.memory_space<semaphore_mem>>) src(%dma_wait3A_257 : memref<128xi32, #tpu.memory_space<hbm>>) dst(%arg10 : memref<128xi32, #tpu.memory_space<vmem>>)
      %dma_wait3A_258 = arith.constant 0 : i32
      %dma_wait3A_259 = tpu.memref_slice %arg4[%dma_wait3A_258] : memref<163840xf32, #tpu.memory_space<hbm>> -> memref<128xf32, #tpu.memory_space<hbm>>
      %dma_wait3A_260 = arith.constant 0 : i32
      %dma_wait3A_261 = tpu.memref_slice %arg4[%dma_wait3A_260] : memref<163840xf32, #tpu.memory_space<hbm>> -> memref<128xf32, #tpu.memory_space<hbm>>
      tpu.wait_dma2 semaphore(%arg16 : memref<!tpu.dma_semaphore, #tpu.memory_space<semaphore_mem>>) src(%dma_wait3A_261 : memref<128xf32, #tpu.memory_space<hbm>>) dst(%arg12 : memref<128xf32, #tpu.memory_space<vmem>>)
      "tpu.region"() ({
        %run_scoped3A = tpu.sem_alloc : memref<!tpu.dma_semaphore, #tpu.memory_space<semaphore_mem>>
        %dma_start3A_374 = arith.constant 0 : i32
        %dma_start3A_375 = arith.constant 0 : i32
        %dma_start3A_376 = tpu.memref_slice %arg14[%dma_start3A_374, %dma_start3A_375] : memref<10016x128xf32, #tpu.memory_space<vmem_shared>> -> memref<10016x128xf32, #tpu.memory_space<vmem_shared>>
        tpu.enqueue_indirect_dma source(%arg8 : memref<128x128xf32, #tpu.memory_space<vmem>>) target(%dma_start3A_376 : memref<10016x128xf32, #tpu.memory_space<vmem_shared>>) offsets(%arg10 : memref<128xi32, #tpu.memory_space<vmem>>) semaphore(%run_scoped3A : memref<!tpu.dma_semaphore, #tpu.memory_space<semaphore_mem>>) {add = true}
        %dma_wait3A_377 = arith.constant 0 : i32
        %dma_wait3A_378 = arith.constant 0 : i32
        %dma_wait3A_379 = tpu.memref_slice %arg14[%dma_wait3A_377, %dma_wait3A_378] : memref<10016x128xf32, #tpu.memory_space<vmem_shared>> -> memref<10016x128xf32, #tpu.memory_space<vmem_shared>>
        tpu.wait_indirect_dma semaphore(%run_scoped3A : memref<!tpu.dma_semaphore, #tpu.memory_space<semaphore_mem>>) src(%arg8 : memref<128x128xf32, #tpu.memory_space<vmem>>) dst(%dma_wait3A_379 : memref<10016x128xf32, #tpu.memory_space<vmem_shared>>)
        tpu.yield
      }) : () -> ()
      %get3A_262 = arith.constant 0 : index
      %get3A_263 = tpu.vector_load %arg10[%get3A_262] {strides = array<i32>} : memref<128xi32, #tpu.memory_space<vmem>>, vector<16xi32>,
      %get3A_264 = arith.constant 0 : index
      %get3A_265 = tpu.vector_load %arg12[%get3A_264] {strides = array<i32>} : memref<128xf32, #tpu.memory_space<vmem>>, vector<16xf32>,
      %neg3A_266 = arith.constant 0.000000e+00 : f32
      %neg3A_267 = vector.broadcast %neg3A_266 : f32 to vector<16xf32>
      %neg3A_268 = arith.subf %neg3A_267, %get3A_265 : vector<16xf32>
      %exp3A_269 = math.exp %neg3A_268 : vector<16xf32>
      %add3A_270 = arith.constant 1.000000e+00 : f32
      %add3A_271 = vector.broadcast %add3A_270 : f32 to vector<16xf32>
      %add3A_272 = arith.addf %add3A_271, %exp3A_269 : vector<16xf32>
      %div3A_273 = arith.constant 1.000000e+00 : f32
      %div3A_274 = vector.broadcast %div3A_273 : f32 to vector<16xf32>
      %div3A_275 = arith.divf %div3A_274, %add3A_272 : vector<16xf32>
      tpu.vector_store_idx %arg13[%get3A_263], %div3A_275 {add = true} : memref<10016xf32, #tpu.memory_space<vmem>>[vector<16xi32>], vector<16xf32>,
      %get3A_276 = arith.constant 16 : index
      %get3A_277 = tpu.vector_load %arg10[%get3A_276] {strides = array<i32>} : memref<128xi32, #tpu.memory_space<vmem>>, vector<16xi32>,
      %get3A_278 = arith.constant 16 : index
      %get3A_279 = tpu.vector_load %arg12[%get3A_278] {strides = array<i32>} : memref<128xf32, #tpu.memory_space<vmem>>, vector<16xf32>,
      %neg3A_280 = arith.constant 0.000000e+00 : f32
      %neg3A_281 = vector.broadcast %neg3A_280 : f32 to vector<16xf32>
      %neg3A_282 = arith.subf %neg3A_281, %get3A_279 : vector<16xf32>
      %exp3A_283 = math.exp %neg3A_282 : vector<16xf32>
      %add3A_284 = arith.constant 1.000000e+00 : f32
      %add3A_285 = vector.broadcast %add3A_284 : f32 to vector<16xf32>
      %add3A_286 = arith.addf %add3A_285, %exp3A_283 : vector<16xf32>
      %div3A_287 = arith.constant 1.000000e+00 : f32
      %div3A_288 = vector.broadcast %div3A_287 : f32 to vector<16xf32>
      %div3A_289 = arith.divf %div3A_288, %add3A_286 : vector<16xf32>
      tpu.vector_store_idx %arg13[%get3A_277], %div3A_289 {add = true} : memref<10016xf32, #tpu.memory_space<vmem>>[vector<16xi32>], vector<16xf32>,
      %get3A_290 = arith.constant 32 : index
      %get3A_291 = tpu.vector_load %arg10[%get3A_290] {strides = array<i32>} : memref<128xi32, #tpu.memory_space<vmem>>, vector<16xi32>,
      %get3A_292 = arith.constant 32 : index
      %get3A_293 = tpu.vector_load %arg12[%get3A_292] {strides = array<i32>} : memref<128xf32, #tpu.memory_space<vmem>>, vector<16xf32>,
      %neg3A_294 = arith.constant 0.000000e+00 : f32
      %neg3A_295 = vector.broadcast %neg3A_294 : f32 to vector<16xf32>
      %neg3A_296 = arith.subf %neg3A_295, %get3A_293 : vector<16xf32>
      %exp3A_297 = math.exp %neg3A_296 : vector<16xf32>
      %add3A_298 = arith.constant 1.000000e+00 : f32
      %add3A_299 = vector.broadcast %add3A_298 : f32 to vector<16xf32>
      %add3A_300 = arith.addf %add3A_299, %exp3A_297 : vector<16xf32>
      %div3A_301 = arith.constant 1.000000e+00 : f32
      %div3A_302 = vector.broadcast %div3A_301 : f32 to vector<16xf32>
      %div3A_303 = arith.divf %div3A_302, %add3A_300 : vector<16xf32>
      tpu.vector_store_idx %arg13[%get3A_291], %div3A_303 {add = true} : memref<10016xf32, #tpu.memory_space<vmem>>[vector<16xi32>], vector<16xf32>,
      %get3A_304 = arith.constant 48 : index
      %get3A_305 = tpu.vector_load %arg10[%get3A_304] {strides = array<i32>} : memref<128xi32, #tpu.memory_space<vmem>>, vector<16xi32>,
      %get3A_306 = arith.constant 48 : index
      %get3A_307 = tpu.vector_load %arg12[%get3A_306] {strides = array<i32>} : memref<128xf32, #tpu.memory_space<vmem>>, vector<16xf32>,
      %neg3A_308 = arith.constant 0.000000e+00 : f32
      %neg3A_309 = vector.broadcast %neg3A_308 : f32 to vector<16xf32>
      %neg3A_310 = arith.subf %neg3A_309, %get3A_307 : vector<16xf32>
      %exp3A_311 = math.exp %neg3A_310 : vector<16xf32>
      %add3A_312 = arith.constant 1.000000e+00 : f32
      %add3A_313 = vector.broadcast %add3A_312 : f32 to vector<16xf32>
      %add3A_314 = arith.addf %add3A_313, %exp3A_311 : vector<16xf32>
      %div3A_315 = arith.constant 1.000000e+00 : f32
      %div3A_316 = vector.broadcast %div3A_315 : f32 to vector<16xf32>
      %div3A_317 = arith.divf %div3A_316, %add3A_314 : vector<16xf32>
      tpu.vector_store_idx %arg13[%get3A_305], %div3A_317 {add = true} : memref<10016xf32, #tpu.memory_space<vmem>>[vector<16xi32>], vector<16xf32>,
      %get3A_318 = arith.constant 64 : index
      %get3A_319 = tpu.vector_load %arg10[%get3A_318] {strides = array<i32>} : memref<128xi32, #tpu.memory_space<vmem>>, vector<16xi32>,
      %get3A_320 = arith.constant 64 : index
      %get3A_321 = tpu.vector_load %arg12[%get3A_320] {strides = array<i32>} : memref<128xf32, #tpu.memory_space<vmem>>, vector<16xf32>,
      %neg3A_322 = arith.constant 0.000000e+00 : f32
      %neg3A_323 = vector.broadcast %neg3A_322 : f32 to vector<16xf32>
      %neg3A_324 = arith.subf %neg3A_323, %get3A_321 : vector<16xf32>
      %exp3A_325 = math.exp %neg3A_324 : vector<16xf32>
      %add3A_326 = arith.constant 1.000000e+00 : f32
      %add3A_327 = vector.broadcast %add3A_326 : f32 to vector<16xf32>
      %add3A_328 = arith.addf %add3A_327, %exp3A_325 : vector<16xf32>
      %div3A_329 = arith.constant 1.000000e+00 : f32
      %div3A_330 = vector.broadcast %div3A_329 : f32 to vector<16xf32>
      %div3A_331 = arith.divf %div3A_330, %add3A_328 : vector<16xf32>
      tpu.vector_store_idx %arg13[%get3A_319], %div3A_331 {add = true} : memref<10016xf32, #tpu.memory_space<vmem>>[vector<16xi32>], vector<16xf32>,
      %get3A_332 = arith.constant 80 : index
      %get3A_333 = tpu.vector_load %arg10[%get3A_332] {strides = array<i32>} : memref<128xi32, #tpu.memory_space<vmem>>, vector<16xi32>,
      %get3A_334 = arith.constant 80 : index
      %get3A_335 = tpu.vector_load %arg12[%get3A_334] {strides = array<i32>} : memref<128xf32, #tpu.memory_space<vmem>>, vector<16xf32>,
      %neg3A_336 = arith.constant 0.000000e+00 : f32
      %neg3A_337 = vector.broadcast %neg3A_336 : f32 to vector<16xf32>
      %neg3A_338 = arith.subf %neg3A_337, %get3A_335 : vector<16xf32>
      %exp3A_339 = math.exp %neg3A_338 : vector<16xf32>
      %add3A_340 = arith.constant 1.000000e+00 : f32
      %add3A_341 = vector.broadcast %add3A_340 : f32 to vector<16xf32>
      %add3A_342 = arith.addf %add3A_341, %exp3A_339 : vector<16xf32>
      %div3A_343 = arith.constant 1.000000e+00 : f32
      %div3A_344 = vector.broadcast %div3A_343 : f32 to vector<16xf32>
      %div3A_345 = arith.divf %div3A_344, %add3A_342 : vector<16xf32>
      tpu.vector_store_idx %arg13[%get3A_333], %div3A_345 {add = true} : memref<10016xf32, #tpu.memory_space<vmem>>[vector<16xi32>], vector<16xf32>,
      %get3A_346 = arith.constant 96 : index
      %get3A_347 = tpu.vector_load %arg10[%get3A_346] {strides = array<i32>} : memref<128xi32, #tpu.memory_space<vmem>>, vector<16xi32>,
      %get3A_348 = arith.constant 96 : index
      %get3A_349 = tpu.vector_load %arg12[%get3A_348] {strides = array<i32>} : memref<128xf32, #tpu.memory_space<vmem>>, vector<16xf32>,
      %neg3A_350 = arith.constant 0.000000e+00 : f32
      %neg3A_351 = vector.broadcast %neg3A_350 : f32 to vector<16xf32>
      %neg3A_352 = arith.subf %neg3A_351, %get3A_349 : vector<16xf32>
      %exp3A_353 = math.exp %neg3A_352 : vector<16xf32>
      %add3A_354 = arith.constant 1.000000e+00 : f32
      %add3A_355 = vector.broadcast %add3A_354 : f32 to vector<16xf32>
      %add3A_356 = arith.addf %add3A_355, %exp3A_353 : vector<16xf32>
      %div3A_357 = arith.constant 1.000000e+00 : f32
      %div3A_358 = vector.broadcast %div3A_357 : f32 to vector<16xf32>
      %div3A_359 = arith.divf %div3A_358, %add3A_356 : vector<16xf32>
      tpu.vector_store_idx %arg13[%get3A_347], %div3A_359 {add = true} : memref<10016xf32, #tpu.memory_space<vmem>>[vector<16xi32>], vector<16xf32>,
      %get3A_360 = arith.constant 112 : index
      %get3A_361 = tpu.vector_load %arg10[%get3A_360] {strides = array<i32>} : memref<128xi32, #tpu.memory_space<vmem>>, vector<16xi32>,
      %get3A_362 = arith.constant 112 : index
      %get3A_363 = tpu.vector_load %arg12[%get3A_362] {strides = array<i32>} : memref<128xf32, #tpu.memory_space<vmem>>, vector<16xf32>,
      %neg3A_364 = arith.constant 0.000000e+00 : f32
      %neg3A_365 = vector.broadcast %neg3A_364 : f32 to vector<16xf32>
      %neg3A_366 = arith.subf %neg3A_365, %get3A_363 : vector<16xf32>
      %exp3A_367 = math.exp %neg3A_366 : vector<16xf32>
      %add3A_368 = arith.constant 1.000000e+00 : f32
      %add3A_369 = vector.broadcast %add3A_368 : f32 to vector<16xf32>
      %add3A_370 = arith.addf %add3A_369, %exp3A_367 : vector<16xf32>
      %div3A_371 = arith.constant 1.000000e+00 : f32
      %div3A_372 = vector.broadcast %div3A_371 : f32 to vector<16xf32>
      %div3A_373 = arith.divf %div3A_372, %add3A_370 : vector<16xf32>
      tpu.vector_store_idx %arg13[%get3A_361], %div3A_373 {add = true} : memref<10016xf32, #tpu.memory_space<vmem>>[vector<16xi32>], vector<16xf32>,
    }
    %scan3A_98 = arith.constant 20 : i32
    %barrier3A = arith.constant 0 : index
    tpu.barrier barrier_id(%barrier3A)
    "tpu.region"() ({
      %run_scoped3A = tpu.sem_alloc : memref<!tpu.dma_semaphore, #tpu.memory_space<semaphore_mem>>
      %dma_start3A_104 = arith.constant 0 : i32
      %dma_start3A_105 = tpu.memref_slice %arg5[%arg0, %mul3A_2, %dma_start3A_104] : memref<2x10000x128xf32, #tpu.memory_space<hbm>> -> memref<1x624x128xf32, #tpu.memory_space<hbm>>
      %dma_start3A_106 = tpu.memref_squeeze %dma_start3A_105 : memref<1x624x128xf32, #tpu.memory_space<hbm>> -> memref<624x128xf32, #tpu.memory_space<hbm>>
      %dma_start3A_107 = arith.constant 0 : i32
      %dma_start3A_108 = tpu.memref_slice %arg14[%mul3A_2, %dma_start3A_107] : memref<10016x128xf32, #tpu.memory_space<vmem_shared>> -> memref<624x128xf32, #tpu.memory_space<vmem_shared>>
      tpu.enqueue_dma source(%dma_start3A_108 : memref<624x128xf32, #tpu.memory_space<vmem_shared>>) target(%dma_start3A_106 : memref<624x128xf32, #tpu.memory_space<hbm>>) target_semaphore(%run_scoped3A : memref<!tpu.dma_semaphore, #tpu.memory_space<semaphore_mem>>)
      %dma_wait3A_109 = arith.constant 0 : i32
      %dma_wait3A_110 = tpu.memref_slice %arg5[%arg0, %mul3A_2, %dma_wait3A_109] : memref<2x10000x128xf32, #tpu.memory_space<hbm>> -> memref<1x624x128xf32, #tpu.memory_space<hbm>>
      %dma_wait3A_111 = tpu.memref_squeeze %dma_wait3A_110 : memref<1x624x128xf32, #tpu.memory_space<hbm>> -> memref<624x128xf32, #tpu.memory_space<hbm>>
      %dma_wait3A_112 = arith.constant 0 : i32
      %dma_wait3A_113 = tpu.memref_slice %arg14[%mul3A_2, %dma_wait3A_112] : memref<10016x128xf32, #tpu.memory_space<vmem_shared>> -> memref<624x128xf32, #tpu.memory_space<vmem_shared>>
      tpu.wait_dma2 semaphore(%run_scoped3A : memref<!tpu.dma_semaphore, #tpu.memory_space<semaphore_mem>>) src(%dma_wait3A_113 : memref<624x128xf32, #tpu.memory_space<vmem_shared>>) dst(%dma_wait3A_111 : memref<624x128xf32, #tpu.memory_space<hbm>>)
      tpu.yield
    }) : () -> ()
    %eq3A_99 = arith.constant 15 : i32
    %eq3A_100 = arith.cmpi eq, %arg1, %eq3A_99 : i32
    %convert_element_type3A_101 = arith.extui %eq3A_100 : i1 to i32
    %cond3A_102 = arith.constant 0 : i32
    %cond3A_103 = arith.cmpi ne, %convert_element_type3A_101, %cond3A_102 : i32
    scf.if %cond3A_103 {
      "tpu.region"() ({
        %run_scoped3A = tpu.sem_alloc : memref<!tpu.dma_semaphore, #tpu.memory_space<semaphore_mem>>
        %dma_start3A_104 = arith.constant 9984 : i32
        %dma_start3A_105 = arith.constant 0 : i32
        %dma_start3A_106 = tpu.memref_slice %arg5[%arg0, %dma_start3A_104, %dma_start3A_105] : memref<2x10000x128xf32, #tpu.memory_space<hbm>> -> memref<1x16x128xf32, #tpu.memory_space<hbm>>
        %dma_start3A_107 = tpu.memref_squeeze %dma_start3A_106 : memref<1x16x128xf32, #tpu.memory_space<hbm>> -> memref<16x128xf32, #tpu.memory_space<hbm>>
        %dma_start3A_108 = arith.constant 9984 : i32
        %dma_start3A_109 = arith.constant 0 : i32
        %dma_start3A_110 = tpu.memref_slice %arg14[%dma_start3A_108, %dma_start3A_109] : memref<10016x128xf32, #tpu.memory_space<vmem_shared>> -> memref<16x128xf32, #tpu.memory_space<vmem_shared>>
        tpu.enqueue_dma source(%dma_start3A_110 : memref<16x128xf32, #tpu.memory_space<vmem_shared>>) target(%dma_start3A_107 : memref<16x128xf32, #tpu.memory_space<hbm>>) target_semaphore(%run_scoped3A : memref<!tpu.dma_semaphore, #tpu.memory_space<semaphore_mem>>)
        %dma_wait3A_111 = arith.constant 9984 : i32
        %dma_wait3A_112 = arith.constant 0 : i32
        %dma_wait3A_113 = tpu.memref_slice %arg5[%arg0, %dma_wait3A_111, %dma_wait3A_112] : memref<2x10000x128xf32, #tpu.memory_space<hbm>> -> memref<1x16x128xf32, #tpu.memory_space<hbm>>
        %dma_wait3A_114 = tpu.memref_squeeze %dma_wait3A_113 : memref<1x16x128xf32, #tpu.memory_space<hbm>> -> memref<16x128xf32, #tpu.memory_space<hbm>>
        %dma_wait3A_115 = arith.constant 9984 : i32
        %dma_wait3A_116 = arith.constant 0 : i32
        %dma_wait3A_117 = tpu.memref_slice %arg14[%dma_wait3A_115, %dma_wait3A_116] : memref<10016x128xf32, #tpu.memory_space<vmem_shared>> -> memref<16x128xf32, #tpu.memory_space<vmem_shared>>
        tpu.wait_dma2 semaphore(%run_scoped3A : memref<!tpu.dma_semaphore, #tpu.memory_space<semaphore_mem>>) src(%dma_wait3A_117 : memref<16x128xf32, #tpu.memory_space<vmem_shared>>) dst(%dma_wait3A_114 : memref<16x128xf32, #tpu.memory_space<hbm>>)
        tpu.yield
      }) : () -> ()
    } else {
    }
    "tpu.region"() ({
      %run_scoped3A = tpu.sem_alloc : memref<!tpu.dma_semaphore, #tpu.memory_space<semaphore_mem>>
      %dma_start3A_104 = arith.constant 0 : i32
      %dma_start3A_105 = tpu.memref_slice %arg6[%add3A, %dma_start3A_104] : memref<32x10016xf32, #tpu.memory_space<hbm>> -> memref<1x10016xf32, #tpu.memory_space<hbm>>
      %dma_start3A_106 = tpu.memref_squeeze %dma_start3A_105 : memref<1x10016xf32, #tpu.memory_space<hbm>> -> memref<10016xf32, #tpu.memory_space<hbm>>
      %dma_start3A_107 = arith.constant 0 : i32
      %dma_start3A_108 = tpu.memref_slice %arg6[%add3A, %dma_start3A_107] : memref<32x10016xf32, #tpu.memory_space<hbm>> -> memref<1x10016xf32, #tpu.memory_space<hbm>>
      %dma_start3A_109 = tpu.memref_squeeze %dma_start3A_108 : memref<1x10016xf32, #tpu.memory_space<hbm>> -> memref<10016xf32, #tpu.memory_space<hbm>>
      tpu.enqueue_dma source(%arg13 : memref<10016xf32, #tpu.memory_space<vmem>>) target(%dma_start3A_109 : memref<10016xf32, #tpu.memory_space<hbm>>) target_semaphore(%run_scoped3A : memref<!tpu.dma_semaphore, #tpu.memory_space<semaphore_mem>>)
      %dma_wait3A_110 = arith.constant 0 : i32
      %dma_wait3A_111 = tpu.memref_slice %arg6[%add3A, %dma_wait3A_110] : memref<32x10016xf32, #tpu.memory_space<hbm>> -> memref<1x10016xf32, #tpu.memory_space<hbm>>
      %dma_wait3A_112 = tpu.memref_squeeze %dma_wait3A_111 : memref<1x10016xf32, #tpu.memory_space<hbm>> -> memref<10016xf32, #tpu.memory_space<hbm>>
      %dma_wait3A_113 = arith.constant 0 : i32
      %dma_wait3A_114 = tpu.memref_slice %arg6[%add3A, %dma_wait3A_113] : memref<32x10016xf32, #tpu.memory_space<hbm>> -> memref<1x10016xf32, #tpu.memory_space<hbm>>
      %dma_wait3A_115 = tpu.memref_squeeze %dma_wait3A_114 : memref<1x10016xf32, #tpu.memory_space<hbm>> -> memref<10016xf32, #tpu.memory_space<hbm>>
      tpu.wait_dma2 semaphore(%run_scoped3A : memref<!tpu.dma_semaphore, #tpu.memory_space<semaphore_mem>>) src(%arg13 : memref<10016xf32, #tpu.memory_space<vmem>>) dst(%dma_wait3A_115 : memref<10016xf32, #tpu.memory_space<hbm>>)
      tpu.yield
    }) : () -> ()
    return
  }
}

module attributes {stable_mosaic.version = 14 : i64} {
  func.func @_payload_body(%arg0: i32, %arg1: memref<5x10240xf32, #tpu.memory_space<vmem>>, %arg2: memref<5x144xf32, #tpu.memory_space<vmem>>, %arg3: memref<10240x128xf32, #tpu.memory_space<vmem>>) attributes {dimension_semantics = [#tpu.dimension_semantics<arbitrary>], iteration_bounds = array<i64: 16>, scalar_prefetch = 0 : i64, scratch_operands = 0 : i64, tpu.core_type = #tpu.core_type<tc>, window_params = [{transform_indices = @transform_0, window_bounds = array<i64: 5, 10240>}, {pipeline_mode = #tpu.pipeline_mode<synchronous>, transform_indices = @transform_1, window_bounds = array<i64: 5, 144>}, {transform_indices = @transform_2, window_bounds = array<i64: 10240, 128>}]} {
    %get3A = arith.constant 0 : index
    %get3A_0 = arith.constant 0 : index
    %get3A_1 = vector.load %arg1[%get3A, %get3A_0] : memref<5x10240xf32, #tpu.memory_space<vmem>>, vector<5x10240xf32>
    %get3A_2 = arith.constant 0 : index
    %get3A_3 = arith.constant 0 : index
    %get3A_4 = vector.load %arg2[%get3A_2, %get3A_3] : memref<5x144xf32, #tpu.memory_space<vmem>>, vector<5x144xf32>
    %dot_general3A = arith.constant dense<0.000000e+00> : vector<10240x144xf32>
    %dot_general3A_5 = tpu.matmul %get3A_1, %get3A_4, %dot_general3A {dimension_numbers = #tpu.dot_dimension_numbers<[0], [0], [1], [1], [0, 1, 1, 1], [], []>, transpose_lhs_hint = false} : vector<5x10240xf32>, vector<5x144xf32>, vector<10240x144xf32> -> vector<10240x144xf32>
    %slice3A = vector.extract_strided_slice %dot_general3A_5 {offsets = [0, 0], sizes = [10240, 128], strides = [1, 1]} : vector<10240x144xf32> to vector<10240x128xf32>
    %max3A = arith.constant 0.000000e+00 : f32
    %max3A_6 = vector.broadcast %max3A : f32 to vector<10240x128xf32>
    %max3A_7 = arith.maximumf %slice3A, %max3A_6 : vector<10240x128xf32>
    %slice3A_8 = vector.extract_strided_slice %dot_general3A_5 {offsets = [0, 128], sizes = [10240, 1], strides = [1, 1]} : vector<10240x144xf32> to vector<10240x1xf32>
    %neg3A = arith.constant 0.000000e+00 : f32
    %neg3A_9 = vector.broadcast %neg3A : f32 to vector<10240x1xf32>
    %neg3A_10 = arith.subf %neg3A_9, %slice3A_8 : vector<10240x1xf32>
    %exp3A = math.exp %neg3A_10 : vector<10240x1xf32>
    %add3A = arith.constant 1.000000e+00 : f32
    %add3A_11 = vector.broadcast %add3A : f32 to vector<10240x1xf32>
    %add3A_12 = arith.addf %add3A_11, %exp3A : vector<10240x1xf32>
    %div3A = arith.constant 1.000000e+00 : f32
    %div3A_13 = vector.broadcast %div3A : f32 to vector<10240x1xf32>
    %div3A_14 = arith.divf %div3A_13, %add3A_12 : vector<10240x1xf32>
    %mul3A = vector.broadcast %div3A_14 : vector<10240x1xf32> to vector<10240x128xf32>
    %mul3A_15 = arith.mulf %max3A_7, %mul3A : vector<10240x128xf32>
    %swap3A = arith.constant 0 : index
    %swap3A_16 = arith.constant 0 : index
    %swap3A_17 = vector.load %arg3[%swap3A, %swap3A_16] : memref<10240x128xf32, #tpu.memory_space<vmem>>, vector<10240x128xf32>
    tpu.vector_store %arg3[%swap3A, %swap3A_16], %mul3A_15 {strides = array<i32>} : memref<10240x128xf32, #tpu.memory_space<vmem>>, vector<10240x128xf32>,
    return
  }
  func.func @transform_0(%arg0: i32) -> (i32, i32) {
    %add3A = arith.constant 0 : i32
    %add3A_0 = arith.addi %arg0, %add3A : i32
    %c0_i32 = arith.constant 0 : i32
    %c0_i32_1 = arith.constant 0 : i32
    return %c0_i32, %add3A_0 : i32, i32
  }
  func.func @transform_1(%arg0: i32) -> (i32, i32) {
    %c0_i32 = arith.constant 0 : i32
    %c0_i32_0 = arith.constant 0 : i32
    %c0_i32_1 = arith.constant 0 : i32
    return %c0_i32, %c0_i32_0 : i32, i32
  }
  func.func @transform_2(%arg0: i32) -> (i32, i32) {
    %c0_i32 = arith.constant 0 : i32
    %c0_i32_0 = arith.constant 0 : i32
    return %arg0, %c0_i32 : i32, i32
  }
}

module attributes {stable_mosaic.version = 14 : i64} {
  func.func @_payload_body(%arg0: i32, %arg1: memref<5x10240xf32, #tpu.memory_space<vmem>>, %arg2: memref<5x144xf32, #tpu.memory_space<vmem>>, %arg3: memref<10240x128xf32, #tpu.memory_space<vmem>>) attributes {dimension_semantics = [#tpu.dimension_semantics<arbitrary>], iteration_bounds = array<i64: 16>, scalar_prefetch = 0 : i64, scratch_operands = 0 : i64, tpu.core_type = #tpu.core_type<tc>, window_params = [{transform_indices = @transform_0, window_bounds = array<i64: 5, 10240>}, {pipeline_mode = #tpu.pipeline_mode<synchronous>, transform_indices = @transform_1, window_bounds = array<i64: 5, 144>}, {transform_indices = @transform_2, window_bounds = array<i64: 10240, 128>}]} {
    %get3A = arith.constant 0 : index
    %get3A_0 = arith.constant 0 : index
    %get3A_1 = vector.load %arg1[%get3A, %get3A_0] : memref<5x10240xf32, #tpu.memory_space<vmem>>, vector<5x10240xf32>
    %get3A_2 = arith.constant 0 : index
    %get3A_3 = arith.constant 0 : index
    %get3A_4 = vector.load %arg2[%get3A_2, %get3A_3] : memref<5x144xf32, #tpu.memory_space<vmem>>, vector<5x144xf32>
    %dot_general3A = arith.constant dense<0.000000e+00> : vector<10240x144xf32>
    %dot_general3A_5 = tpu.matmul %get3A_1, %get3A_4, %dot_general3A {dimension_numbers = #tpu.dot_dimension_numbers<[0], [0], [1], [1], [0, 1, 1, 1], [], []>, transpose_lhs_hint = false} : vector<5x10240xf32>, vector<5x144xf32>, vector<10240x144xf32> -> vector<10240x144xf32>
    %slice3A = vector.extract_strided_slice %dot_general3A_5 {offsets = [0, 0], sizes = [10240, 128], strides = [1, 1]} : vector<10240x144xf32> to vector<10240x128xf32>
    %max3A = arith.constant 0.000000e+00 : f32
    %max3A_6 = vector.broadcast %max3A : f32 to vector<10240x128xf32>
    %max3A_7 = arith.maximumf %slice3A, %max3A_6 : vector<10240x128xf32>
    %slice3A_8 = vector.extract_strided_slice %dot_general3A_5 {offsets = [0, 128], sizes = [10240, 1], strides = [1, 1]} : vector<10240x144xf32> to vector<10240x1xf32>
    %neg3A = arith.constant 0.000000e+00 : f32
    %neg3A_9 = vector.broadcast %neg3A : f32 to vector<10240x1xf32>
    %neg3A_10 = arith.subf %neg3A_9, %slice3A_8 : vector<10240x1xf32>
    %exp3A = math.exp %neg3A_10 : vector<10240x1xf32>
    %add3A = arith.constant 1.000000e+00 : f32
    %add3A_11 = vector.broadcast %add3A : f32 to vector<10240x1xf32>
    %add3A_12 = arith.addf %add3A_11, %exp3A : vector<10240x1xf32>
    %div3A = arith.constant 1.000000e+00 : f32
    %div3A_13 = vector.broadcast %div3A : f32 to vector<10240x1xf32>
    %div3A_14 = arith.divf %div3A_13, %add3A_12 : vector<10240x1xf32>
    %mul3A = vector.broadcast %div3A_14 : vector<10240x1xf32> to vector<10240x128xf32>
    %mul3A_15 = arith.mulf %max3A_7, %mul3A : vector<10240x128xf32>
    %swap3A = arith.constant 0 : index
    %swap3A_16 = arith.constant 0 : index
    %swap3A_17 = vector.load %arg3[%swap3A, %swap3A_16] : memref<10240x128xf32, #tpu.memory_space<vmem>>, vector<10240x128xf32>
    tpu.vector_store %arg3[%swap3A, %swap3A_16], %mul3A_15 {strides = array<i32>} : memref<10240x128xf32, #tpu.memory_space<vmem>>, vector<10240x128xf32>,
    return
  }
  func.func @transform_0(%arg0: i32) -> (i32, i32) {
    %add3A = arith.constant 16 : i32
    %add3A_0 = arith.addi %arg0, %add3A : i32
    %c0_i32 = arith.constant 0 : i32
    %c0_i32_1 = arith.constant 0 : i32
    return %c0_i32, %add3A_0 : i32, i32
  }
  func.func @transform_1(%arg0: i32) -> (i32, i32) {
    %c0_i32 = arith.constant 0 : i32
    %c0_i32_0 = arith.constant 0 : i32
    %c0_i32_1 = arith.constant 0 : i32
    return %c0_i32, %c0_i32_0 : i32, i32
  }
  func.func @transform_2(%arg0: i32) -> (i32, i32) {
    %c0_i32 = arith.constant 0 : i32
    %c0_i32_0 = arith.constant 0 : i32
    return %arg0, %c0_i32 : i32, i32
  }
}

module attributes {stable_mosaic.version = 14 : i64} {
  func.func @_final_body(%arg0: i32, %arg1: memref<1000x128xf32, #tpu.memory_space<vmem>>, %arg2: memref<2x1000x128xf32, #tpu.memory_space<vmem>>, %arg3: memref<2x1000x128xf32, #tpu.memory_space<vmem>>, %arg4: memref<1000x32xf32, #tpu.memory_space<vmem>>, %arg5: memref<1000x32xf32, #tpu.memory_space<vmem>>, %arg6: memref<128x128xf32, #tpu.memory_space<vmem>>, %arg7: memref<1x128xf32, #tpu.memory_space<vmem>>, %arg8: memref<1000x128xf32, #tpu.memory_space<vmem>>) attributes {dimension_semantics = [#tpu.dimension_semantics<arbitrary>], iteration_bounds = array<i64: 10>, scalar_prefetch = 0 : i64, scratch_operands = 0 : i64, tpu.core_type = #tpu.core_type<tc>, window_params = [{transform_indices = @transform_0, window_bounds = array<i64: 1000, 128>}, {transform_indices = @transform_1, window_bounds = array<i64: 2, 1000, 128>}, {transform_indices = @transform_2, window_bounds = array<i64: 2, 1000, 128>}, {transform_indices = @transform_3, window_bounds = array<i64: 1000, 32>}, {transform_indices = @transform_4, window_bounds = array<i64: 1000, 32>}, {pipeline_mode = #tpu.pipeline_mode<synchronous>, transform_indices = @transform_5, window_bounds = array<i64: 128, 128>}, {pipeline_mode = #tpu.pipeline_mode<synchronous>, transform_indices = @transform_6, window_bounds = array<i64: 1, 128>}, {transform_indices = @transform_7, window_bounds = array<i64: 1000, 128>}]} {
    %get3A = arith.constant 0 : index
    %get3A_0 = arith.constant 0 : index
    %get3A_1 = arith.constant 0 : index
    %get3A_2 = vector.load %arg2[%get3A, %get3A_0, %get3A_1] : memref<2x1000x128xf32, #tpu.memory_space<vmem>>, vector<1x1000x128xf32>
    %get3A_3 = vector.shape_cast %get3A_2 : vector<1x1000x128xf32> to vector<1000x128xf32>
    %get3A_4 = arith.constant 1 : index
    %get3A_5 = arith.constant 0 : index
    %get3A_6 = arith.constant 0 : index
    %get3A_7 = vector.load %arg2[%get3A_4, %get3A_5, %get3A_6] : memref<2x1000x128xf32, #tpu.memory_space<vmem>>, vector<1x1000x128xf32>
    %get3A_8 = vector.shape_cast %get3A_7 : vector<1x1000x128xf32> to vector<1000x128xf32>
    %add3A = arith.addf %get3A_3, %get3A_8 : vector<1000x128xf32>
    %get3A_9 = arith.constant 0 : index
    %get3A_10 = arith.constant 0 : index
    %get3A_11 = arith.constant 0 : index
    %get3A_12 = vector.load %arg3[%get3A_9, %get3A_10, %get3A_11] : memref<2x1000x128xf32, #tpu.memory_space<vmem>>, vector<1x1000x128xf32>
    %get3A_13 = vector.shape_cast %get3A_12 : vector<1x1000x128xf32> to vector<1000x128xf32>
    %get3A_14 = arith.constant 1 : index
    %get3A_15 = arith.constant 0 : index
    %get3A_16 = arith.constant 0 : index
    %get3A_17 = vector.load %arg3[%get3A_14, %get3A_15, %get3A_16] : memref<2x1000x128xf32, #tpu.memory_space<vmem>>, vector<1x1000x128xf32>
    %get3A_18 = vector.shape_cast %get3A_17 : vector<1x1000x128xf32> to vector<1000x128xf32>
    %add3A_19 = arith.addf %get3A_13, %get3A_18 : vector<1000x128xf32>
    %add3A_20 = arith.addf %add3A, %add3A_19 : vector<1000x128xf32>
    %get3A_21 = arith.constant 0 : index
    %get3A_22 = arith.constant 0 : index
    %get3A_23 = vector.load %arg6[%get3A_21, %get3A_22] : memref<128x128xf32, #tpu.memory_space<vmem>>, vector<128x128xf32>
    %dot_general3A = arith.constant dense<0.000000e+00> : vector<1000x128xf32>
    %dot_general3A_24 = tpu.matmul %add3A_20, %get3A_23, %dot_general3A {dimension_numbers = #tpu.dot_dimension_numbers<[1], [1], [0], [0], [0, 0, 1, 0], [], []>, precision = #tpu.contract_precision<fp32>, transpose_lhs_hint = false} : vector<1000x128xf32>, vector<128x128xf32>, vector<1000x128xf32> -> vector<1000x128xf32>
    %get3A_25 = arith.constant 0 : index
    %get3A_26 = arith.constant 0 : index
    %get3A_27 = vector.load %arg4[%get3A_25, %get3A_26] : memref<1000x32xf32, #tpu.memory_space<vmem>>, vector<1000x32xf32>
    %reduce_sum3A = arith.constant dense<0.000000e+00> : vector<1000xf32>
    %reduce_sum3A_28 = vector.multi_reduction <add>, %get3A_27, %reduce_sum3A [1] : vector<1000x32xf32> to vector<1000xf32>
    %broadcast_in_dim3A = vector.shape_cast %reduce_sum3A_28 : vector<1000xf32> to vector<1000x1xf32>
    %get3A_29 = arith.constant 0 : index
    %get3A_30 = arith.constant 0 : index
    %get3A_31 = vector.load %arg5[%get3A_29, %get3A_30] : memref<1000x32xf32, #tpu.memory_space<vmem>>, vector<1000x32xf32>
    %reduce_sum3A_32 = arith.constant dense<0.000000e+00> : vector<1000xf32>
    %reduce_sum3A_33 = vector.multi_reduction <add>, %get3A_31, %reduce_sum3A_32 [1] : vector<1000x32xf32> to vector<1000xf32>
    %broadcast_in_dim3A_34 = vector.shape_cast %reduce_sum3A_33 : vector<1000xf32> to vector<1000x1xf32>
    %add3A_35 = arith.addf %broadcast_in_dim3A, %broadcast_in_dim3A_34 : vector<1000x1xf32>
    %get3A_36 = arith.constant 0 : index
    %get3A_37 = arith.constant 0 : index
    %get3A_38 = vector.load %arg1[%get3A_36, %get3A_37] : memref<1000x128xf32, #tpu.memory_space<vmem>>, vector<1000x128xf32>
    %add3A_39 = arith.addf %get3A_38, %dot_general3A_24 : vector<1000x128xf32>
    %get3A_40 = arith.constant 0 : index
    %get3A_41 = arith.constant 0 : index
    %get3A_42 = vector.load %arg7[%get3A_40, %get3A_41] : memref<1x128xf32, #tpu.memory_space<vmem>>, vector<1x128xf32>
    %mul3A = vector.broadcast %add3A_35 : vector<1000x1xf32> to vector<1000x128xf32>
    %mul3A_43 = vector.broadcast %get3A_42 : vector<1x128xf32> to vector<1000x128xf32>
    %mul3A_44 = arith.mulf %mul3A, %mul3A_43 : vector<1000x128xf32>
    %add3A_45 = arith.addf %add3A_39, %mul3A_44 : vector<1000x128xf32>
    %swap3A = arith.constant 0 : index
    %swap3A_46 = arith.constant 0 : index
    %swap3A_47 = vector.load %arg8[%swap3A, %swap3A_46] : memref<1000x128xf32, #tpu.memory_space<vmem>>, vector<1000x128xf32>
    tpu.vector_store %arg8[%swap3A, %swap3A_46], %add3A_45 {strides = array<i32>} : memref<1000x128xf32, #tpu.memory_space<vmem>>, vector<1000x128xf32>,
    return
  }
  func.func @transform_0(%arg0: i32) -> (i32, i32) {
    %c0_i32 = arith.constant 0 : i32
    %c0_i32_0 = arith.constant 0 : i32
    return %arg0, %c0_i32 : i32, i32
  }
  func.func @transform_1(%arg0: i32) -> (i32, i32, i32) {
    %c0_i32 = arith.constant 0 : i32
    %c0_i32_0 = arith.constant 0 : i32
    %c0_i32_1 = arith.constant 0 : i32
    return %c0_i32, %arg0, %c0_i32_0 : i32, i32, i32
  }
  func.func @transform_2(%arg0: i32) -> (i32, i32, i32) {
    %c0_i32 = arith.constant 0 : i32
    %c0_i32_0 = arith.constant 0 : i32
    %c0_i32_1 = arith.constant 0 : i32
    return %c0_i32, %arg0, %c0_i32_0 : i32, i32, i32
  }
  func.func @transform_3(%arg0: i32) -> (i32, i32) {
    %c0_i32 = arith.constant 0 : i32
    %c0_i32_0 = arith.constant 0 : i32
    return %arg0, %c0_i32 : i32, i32
  }
  func.func @transform_4(%arg0: i32) -> (i32, i32) {
    %c0_i32 = arith.constant 0 : i32
    %c0_i32_0 = arith.constant 0 : i32
    return %arg0, %c0_i32 : i32, i32
  }
  func.func @transform_5(%arg0: i32) -> (i32, i32) {
    %c0_i32 = arith.constant 0 : i32
    %c0_i32_0 = arith.constant 0 : i32
    %c0_i32_1 = arith.constant 0 : i32
    return %c0_i32, %c0_i32_0 : i32, i32
  }
  func.func @transform_6(%arg0: i32) -> (i32, i32) {
    %c0_i32 = arith.constant 0 : i32
    %c0_i32_0 = arith.constant 0 : i32
    %c0_i32_1 = arith.constant 0 : i32
    return %c0_i32, %c0_i32_0 : i32, i32
  }
  func.func @transform_7(%arg0: i32) -> (i32, i32) {
    %c0_i32 = arith.constant 0 : i32
    %c0_i32_0 = arith.constant 0 : i32
    return %arg0, %c0_i32 : i32, i32
  }
}

</mosaic_0001>

<sc_bundles>
// kernel: kernel.10.cloned.1.call-start
scs
__scs_entry_jumppad:
0x0: {  	(pc) =	sbr.rel $0x88, $3  }
0x1: {  	(tag) =	ssettag $0x0;
	lr =	simm.s32 $0x1  }
0x2: {  	[smem:$0x3F9A] =	sst lr;
	_ =	strace $0xD0000000  }
0x3: {  	_ = 	snop  }
0x4: {  	_ = 	snop  }
0x5: {  	_ = 	snop  }
0x6: {  	_ = 	snop  }
0x7: {  	_ = 	snop  }
__scs_overlays_trampoline_lowered:
0x8: {  	[smem:$0x3FA9] =	sst s0  }
0x9: {  	[smem:$0x3FAA] =	sst s1  }
0xa: {  	[smem:$0x3FAB] =	sst s2  }
0xb: {  	[smem:$0x3FAC] =	sst s3  }
0xc: {  	[smem:$0x3FAD] =	sst s4  }
0xd: {  	[smem:$0x3FAE] =	sst s5  }
0xe: {  	[smem:$0x3FAF] =	sst s6  }
0xf: {  	[smem:$0x3FB0] =	sst s7  }
0x10: {  	[smem:$0x3FB1] =	sst s8  }
0x11: {  	[smem:$0x3FB2] =	sst s9;
	s0 =	simm.s32 @!p0 $0x0  }
0x12: {  	s1 =	sld [smem:$0x3F98];
	s0 =	simm.s32 @p0 $0x1  }
0x13: {  	[smem:$0x3FB3] =	sst s0;
	s0 =	simm.s32 @!p1 $0x0  }
0x14: {  	s2 =	sld [smem:$0x3F97];
	s0 =	simm.s32 @p1 $0x1  }
0x15: {  	[smem:$0x3FB4] =	sst s0;
	s0 =	simm.s32 @!p2 $0x0  }
0x16: {  	s3 =	sld [smem:$0x3FDB];
	s0 =	simm.s32 @p2 $0x1  }
0x17: {  	s4 =	simm.s32 $0x1BF5;
	[smem:$0x3FB6] =	sst s0  }
0x18: {  	s0 =	sld [smem:$0x3F99];
	_ =	swait.ge [sflag:s4], $0x0  }
0x19: {  	s7 =	sld [smem:$0x3F9A]  }
0x1a: {  	s8 =	sadd.s32 $0xFFFFE003, lr  }
0x1b: {  	s9 =	sadd.s32 $0xFFFFFEF7, lr;
	s5 =	simm.s32 $0xFFFFFFFF;
	p2 =	slt.u32 s8, $0xFFFFF086  }
0x1c: {  	p1 =	slt.u32 s9, $0xF7A;
	s5 =	simm.s32 @!p2 $0x0  }
0x1d: {  	s5 =	simm.s32 @p1 $0x1;
	p0 =	seq.s32 s7, s2  }
0x1e: {  	s7 =	smul.u32 @!p0 $0xF7A, s2;
	p2 =	seq.s32 @!p0 s5, $0x0  }
0x1f: {  	s9 =	smul.u32 $0xF7A, s1;
	s8 =	simm.s32 @!p0 $0x1BF5;
	p2 =	por !p2, p0  }
0x20: {  	[sflag:s8] =	ssyncset.s32 @!p0 $0xFFFFF086;
	s6 =	sadd.s32 @!p0 s3, s7;
	s7 =	simm.s32 @!p0 $0x108  }
0x21: {  	s3 =	sadd.s32 s3, s9;
	s6 =	sadd.s32 @!p0 $0x88, s6;
	s7 =	simm.s32 @p2 $0x1082  }
0x22: {  	[simem:s7], [sflag:s8] =	dma.local @!p0 [hbm:s6], $0xF7A  }
0x23: {  	s9 =	sor.u32 $0xD0000000, s2;
	s6 =	simm.s32 $0x108;
	_ =	swait.ge @!p0 [sflag:s8], $0x0  }
0x24: {  	s3 =	sadd.s32 $0x88, s3;
	s6 =	simm.s32 @!p1 $0x1082;
	[sflag:s4] =	ssyncset.s32 $0xFFFFF086  }
0x25: {  	[simem:s6], [sflag:s4] =	dma.local [hbm:s3], $0xF7A  }
0x26: {  	[smem:$0x3F9A] =	sst s1;
	(tag) =	ssettag s2;
	_ =	strace s9  }
0x27: {  	s1 =	sld [smem:$0x3FAA]  }
0x28: {  	s2 =	sld [smem:$0x3FAB]  }
0x29: {  	s4 =	sld [smem:$0x3FAD]  }
0x2a: {  	p0 =	seq.s32 s5, $0x0;
	s5 =	sld [smem:$0x3FAE]  }
0x2b: {  	s6 =	sld [smem:$0x3FAF]  }
0x2c: {  	s7 =	sld [smem:$0x3FB0]  }
0x2d: {  	s3 =	simm.s32 $0x108;
	s8 =	sld [smem:$0x3FB1]  }
0x2e: {  	s3 =	simm.s32 @!p0 $0x1082;
	s9 =	sld [smem:$0x3FB2]  }
0x2f: {  	lr =	sadd.s32 s0, s3;
	s0 =	sld [smem:$0x3FA9]  }
0x30: {  	s3 =	sld [smem:$0x3FAC]  }
0x31: {  	[smem:$0x3FB5] =	sst s10  }
0x32: {  	s10 =	sld [smem:$0x3FB3];
	_ =	sdelay $0x3  }
0x33: {  	p0 =	seq.s32 s10, $0x1;
	s10 =	sld [smem:$0x3FB5];
	_ =	sdelay $0x3  }
0x34: {  	[smem:$0x3FB5] =	sst s10  }
0x35: {  	s10 =	sld [smem:$0x3FB4];
	_ =	sdelay $0x3  }
0x36: {  	p1 =	seq.s32 s10, $0x1;
	s10 =	sld [smem:$0x3FB5];
	_ =	sdelay $0x3  }
0x37: {  	[smem:$0x3FB5] =	sst s10  }
0x38: {  	s10 =	sld [smem:$0x3FB6]  }
0x39: {  	_ = 	snop;
	(pc) =	sbr.ind lr, $3  }
0x3a: {  	_ = 	snop  }
0x3b: {  	_ = 	snop  }
0x3c: {  	p2 =	seq.s32 s10, $0x1;
	s10 =	sld [smem:$0x3FB5]  }
0x3d: {  	_ =	shalt  }
0x3e: {  	_ =	shalt  }
0x3f: {  	_ =	shalt  }
0x40: {  	_ =	shalt  }
0x41: {  	_ =	shalt  }
0x42: {  	_ =	shalt  }
0x43: {  	_ =	shalt  }
0x44: {  	_ =	shalt  }
0x45: {  	_ =	shalt  }
0x46: {  	_ =	shalt  }
0x47: {  	_ =	shalt  }
0x48: {  	_ =	shalt  }
0x49: {  	_ =	shalt  }
0x4a: {  	_ =	shalt  }
0x4b: {  	_ =	shalt  }
0x4c: {  	_ =	shalt  }
0x4d: {  	_ =	shalt  }
0x4e: {  	_ =	shalt  }
0x4f: {  	_ =	shalt  }
0x50: {  	_ =	shalt  }
0x51: {  	_ =	shalt  }
0x52: {  	_ =	shalt  }
0x53: {  	_ =	shalt  }
0x54: {  	_ =	shalt  }
0x55: {  	_ =	shalt  }
0x56: {  	_ =	shalt  }
0x57: {  	_ =	shalt  }
0x58: {  	_ =	shalt  }
0x59: {  	_ =	shalt  }
0x5a: {  	_ =	shalt  }
0x5b: {  	_ =	shalt  }
0x5c: {  	_ =	shalt  }
0x5d: {  	_ =	shalt  }
0x5e: {  	_ =	shalt  }
0x5f: {  	_ =	shalt  }
0x60: {  	_ =	shalt  }
0x61: {  	_ =	shalt  }
0x62: {  	_ =	shalt  }
0x63: {  	_ =	shalt  }
0x64: {  	_ =	shalt  }
0x65: {  	_ =	shalt  }
0x66: {  	_ =	shalt  }
0x67: {  	_ =	shalt  }
0x68: {  	_ =	shalt  }
0x69: {  	_ =	shalt  }
0x6a: {  	_ =	shalt  }
0x6b: {  	_ =	shalt  }
0x6c: {  	_ =	shalt  }
0x6d: {  	_ =	shalt  }
0x6e: {  	_ =	shalt  }
0x6f: {  	_ =	shalt  }
0x70: {  	_ =	shalt  }
0x71: {  	_ =	shalt  }
0x72: {  	_ =	shalt  }
0x73: {  	_ =	shalt  }
0x74: {  	_ =	shalt  }
0x75: {  	_ =	shalt  }
0x76: {  	_ =	shalt  }
0x77: {  	_ =	shalt  }
0x78: {  	_ =	shalt  }
0x79: {  	_ =	shalt  }
0x7a: {  	_ =	shalt  }
0x7b: {  	_ =	shalt  }
0x7c: {  	_ =	shalt  }
0x7d: {  	_ =	shalt  }
0x7e: {  	_ =	shalt  }
0x7f: {  	_ =	shalt  }
0x80: {  	_ =	shalt  }
0x81: {  	_ =	shalt  }
0x82: {  	_ =	shalt  }
0x83: {  	_ =	shalt  }
0x84: {  	_ =	shalt  }
0x85: {  	_ =	shalt  }
0x86: {  	_ =	shalt  }
0x87: {  	_ =	shalt  }
.Lfunc_end0:
.L_simem_size_0:
called_computation.1_lowered:
.L_overlay_start_0:
0x88: {  	s2 =	sld [smem:$0x3FD9]  }
0x89: {  	s3 =	sld [smem:$0x3FFE];
	_ =	sdelay $0x1  }
0x8a: {  	s1 =	srdreg.scid  }
0x8b: {  	s0 =	sand.u32 $0x1, s1  }
0x8c: {  	s17 =	sshll.u32 s0, $0xA;
	s2 =	sadd.s32 s3, s2  }
0x8d: {  	s2 =	sadd.s32 s2, s17  }
0x8e: {  	[smem:$0x3FC1] =	sst s2  }
0x8f: {  	_ = 	snop  }
0x90: {  	s18 =	sld [smem:$0x3FD0];
	(tm) =	ssettm $0x1  }
0x91: {  	s19 =	sld [smem:$0x3FFB];
	_ =	sdelay $0x3  }
0x92: {  	_ =	strace s19  }
0x93: {  	s2 =	sld [smem:$0x3FFC];
	_ =	sdelay $0x3  }
0x94: {  	_ =	strace s2  }
0x95: {  	s2 =	sld [smem:$0x3FFD];
	_ =	sdelay $0x3  }
0x96: {  	_ =	strace s2  }
0x97: {  	_ =	strace $0x8FFFFFFF  }
0x98: {  	s20 =	sld [smem:$0x3FDB];
	_ =	sdelay $0x1  }
0x99: {  	s4 =	simm.s32 $_scs_section_size  }
0x9a: {  	s5 =	simm.s32 $_size__tile_overlayer_lowered;
	s6 =	simm.s32 $_tile_overlayer_lowered  }
0x9b: {  	s7 =	simm.s32 $0x1BFF;
	s21 =	sshll.u32 s6, $0x1;
	s4 =	sadd.s32 s4, s20  }
0x9c: {  	s22 =	simm.s32 $0x0;
	s5 =	sshll.u32 s5, $0x1;
	s6 =	sadd.s32 s21, s4  }
0x9d: {  	[timem:s22], [sflag:s7] =	dma.local [hbm:s6], s5  }
0x9e: {  	_ =	swait.ge [sflag:s7], s5  }
0x9f: {  	s5 =	ssub.s32 $0x0, s5;
	[sflag:s7] =	ssyncset.done $0x0  }
0xa0: {  	[sflag:s7] =	ssyncadd.s32 s5;
	_ =	sdelay $0x1  }
0xa1: {  	s23 =	simm.s32 $0x1B8B  }
0xa2: {  	_ =	swait.ge [sflag:s23], $0x1  }
0xa3: {  	[sflag:s23] =	ssyncset.done $0x0  }
0xa4: {  	[sflag:s23] =	ssyncadd.s32 $0xFFFFFFFF  }
0xa5: {  	s5 =	sld [smem:$0x0]  }
0xa6: {  	s6 =	sand.u32 $0xFFFFFFFE, s1  }
0xa7: {  	p0 =	sne.s32 s1, s6  }
0xa8: {  	s6 =	sshll.u32 @p0 s6, $0xE  }
0xa9: {  	s6 =	sadd.s32 @p0 $0x11B8D, s6;
	s7 =	sshll.u32 @p0 s5, $0x11  }
0xaa: {  	s6 =	sor.u32 @p0 s7, s6  }
0xab: {  	[sflag:s6] =	ssyncadd.remote.s32 @p0 $0x1;
	_ =	sdelay $0x1  }
0xac: {  	s6 =	simm.s32 @p0 $0x1B8D  }
0xad: {  	_ =	swait.eq @p0 [sflag:s6], $0x1  }
0xae: {  	[sflag:s6] =	ssyncadd.s32 @p0 $0xFFFFFFFF  }
0xaf: {  	s7 =	sshll.u32 @!p0 s1, $0xE  }
0xb0: {  	s7 =	sor.u32 @!p0 $0x4000, s7;
	s6 =	simm.s32 @!p0 $0x1B8D  }
0xb1: {  	s5 =	sshll.u32 @!p0 s5, $0x11;
	s7 =	sadd.s32 @!p0 $0x11B8D, s7;
	_ =	swait.eq @!p0 [sflag:s6], $0x1  }
0xb2: {  	s5 =	sor.u32 @!p0 s5, s7;
	[sflag:s6] =	ssyncadd.s32 @!p0 $0xFFFFFFFF  }
0xb3: {  	s25 =	simm.s32 $0x1B8E;
	s24 =	sld [smem:$0x3FFE];
	[sflag:s5] =	ssyncadd.remote.s32 @!p0 $0x1  }
0xb4: {  	s26 =	simm.s32 $execute0_lowered;
	[smem:$0x3FD2] =	sst s25  }
0xb5: {  	s6 =	sshll.u32 s26, $0x1;
	_ =	strace $0x80000049;
	[dreg:$0x1] =	wrdreg $0xFFFFFFFF  }
0xb6: {  	s28 =	simm.s32 $_size_execute0_lowered;
	s4 =	sadd.s32 s4, s6;
	[dreg:$0x0] =	wrdreg $0x0  }
0xb7: {  	s6 =	sshll.u32 s28, $0x1;
	[dreg:$0x2] =	wrdreg s4  }
0xb8: {  	[dreg:$0x3] =	wrdreg s6  }
0xb9: {  	[dreg:$0x4] =	wrdreg $0xC0  }
0xba: {  	_ =	task [dreg:s22], $0x5FFFF  }
0xbb: {  	[dreg:$0x1] =	wrdreg $0xFFFFFFFF  }
0xbc: {  	[dreg:$0x0] =	wrdreg $0x60  }
0xbd: {  	[dreg:$0x2] =	wrdreg s24  }
0xbe: {  	[dreg:$0x3] =	wrdreg s18  }
0xbf: {  	[dreg:$0x4] =	wrdreg $0xA9800  }
0xc0: {  	[dreg:$0x5] =	wrdreg $0xA  }
0xc1: {  	_ =	task.clear_ibuf [dreg:s22], $0x6FFFF;
	_ =	strace $0x90000049  }
0xc2: {  	s29 =	simm.s32 $0xA;
	_ =	strace $0x8000004B  }
0xc3: {  	_ =	swait.ge [sflag:s29], $0x1  }
0xc4: {  	[sflag:s29] =	ssyncadd.s32 $0xFFFFFFFF  }
0xc5: {  	_ =	strace $0x9000004B  }
0xc6: {  	_ =	sfence  }
0xc7: {  	s30 =	sld [smem:$0x0];
	_ =	sdelay $0x2  }
0xc8: {  	s31 =	sshll.u32 s1, $0xD;
	s1 =	sshrl.u32 s1, $0x2  }
0xc9: {  	s4 =	sand.u32 $0x4000, s31;
	s1 =	sadd.s32 s1, s30  }
0xca: {  	s0 =	sor.u32 s4, s0;
	s1 =	sshll.u32 s1, $0x11  }
0xcb: {  	s0 =	sor.u32 s1, s0  }
0xcc: {  	s0 =	sadd.s32 $0x8F2B, s0  }
0xcd: {  	[sflag:s0] =	ssyncadd.remote.s32 $0x1  }
0xce: {  	_ =	sfence.sel $0xFFFF  }
0xcf: {  	[dreg:$0x0] =	wrdreg $0xFFFFFFFF;
	(pc) =	sbr.abs _section_cstart, $3  }
0xd0: {  	[dreg:$0x1] =	wrdreg $0xFFFFFFFF  }
0xd1: {  	_ =	task.clear_ibuf [dreg:s22], $0x2FFFF;
	_ =	strace $0x9FFFFFFF  }
0xd2: {  	(tm) =	ssettm $0x7FFFFFFF  }
0xd3: {  	_ =	shalt  }
tec
execute0_lowered:
.L_overlay_start_1:
0x0: {  	(tag) =	ssettag $0x1  }
0x1: {  	s0 =	rddreg [dreg:$0x0]  }
0x2: {  	s3 =	rddreg [dreg:$0x1]  }
0x3: {  	s1 =	rddreg [dreg:$0x2];
	s2 =	simm.s32 $0x0  }
0x4: {  	s4 =	srdreg.scid;
	s8 =	stileid.u32;
	s28 =	simm.s32 $0x8080  }
0x5: {  	s29 =	simm.s32 $0x8180;
	s30 =	simm.s32 $0x80;
	[smem:$0x7FF] =	sst s2  }
0x6: {  	s31 =	simm.s32 $0x3;
	s5 =	sadd.s32 $0x2E4800, s0;
	s17 =	sadd.s32 $0x569800, s0  }
0x7: {  	s20 =	sadd.s32 $0x564800, s0;
	s15 =	sand.u32 $0x1, s4;
	s6 =	smul.u32 $0x4E000, s8  }
0x8: {  	s14 =	sshll.u32 s8, $0x1;
	s0 =	sadd.s32 $0x56E800, s0;
	s12 =	smul.u32 $0x13800, s8  }
0x9: {  	s9 =	sadd.s32 $0x138000, s1;
	s24 =	smul.u32 $0x28000, s8;
	p0 =	sne.s32 s8, $0xF  }
0xa: {  	s7 =	ssub.s32 $0x2, s15;
	s14 =	sor.u32 s15, s14;
	s26 =	smul.u32 $0x1400, s15  }
0xb: {  	_ =	strace $0x8000004A;
	s16 =	sshrl.u32 s7, $0x1;
	s11 =	smul.u32 $0x1400, s14  }
0xc: {  	s6 =	sshrl.u32 s6, $0x2;
	s10 =	smul.u32 $0x14000, s14;
	s14 =	sshll.u32 s14, $0x7  }
0xd: {  	s16 =	ssub.s32 s7, s16;
	s4 =	sadd.s32 s6, s1;
	s14 =	sand.u32 $0x380, s14  }
0xe: {  	s7 =	smul.u32 $0x14000, s15;
	s6 =	sadd.s32 $0x4000, s4;
	s18 =	sadd.s32 $0x8000, s4  }
0xf: {  	s19 =	sadd.s32 $0xC000, s4;
	s21 =	sadd.s32 $0x10000, s4;
	[dreg:$0x4] =	wrdreg s6  }
0x10: {  	s10 =	sadd.s32 s5, s10;
	s13 =	sshrl.u32 s11, $0x3;
	[dreg:$0x5] =	wrdreg s18  }
0x11: {  	s18 =	smul.u32 $0x138800, s15;
	[dreg:$0x7] =	wrdreg s21;
	s21 =	sshrl.u32 s8, $0x2  }
0x12: {  	s16 =	smax.u32 s16, $0x1;
	[dreg:$0x6] =	wrdreg s19;
	s23 =	smul.u32 $0x13C00, s21  }
0x13: {  	s11 =	sadd.s32 s17, s13;
	s19 =	sadd.s32 s12, s18;
	s12 =	sadd.s32 s20, s13  }
0x14: {  	s18 =	sshrl.u32 s18, $0x3;
	s22 =	sshrl.u32 s19, $0x3;
	s25 =	sor.u32 s23, s14  }
0x15: {  	s13 =	sadd.s32 s0, s22;
	s22 =	smul.u32 $0x2800, s8;
	s0 =	sadd.s32 s0, s18  }
0x16: {  	s21 =	sadd.s32 s24, s5;
	s6 =	sshrl.u32 s25, $0x3;
	s14 =	sadd.s32 $0x27000, s0  }
0x17: {  	s15 =	sadd.s32 s3, s6;
	s0 =	sadd.s32 s7, s21;
	s23 =	sadd.s32 s26, s22  }
0x18: {  	s5 =	sadd.s32 $0x1000, s0;
	s22 =	simm.s32 $0x4000;
	s0 =	simm.s32 $0x8200  }
0x19: {  	s24 =	sor.u32 $0x100, s23;
	s3 =	sor.u32 $0x80, s23;
	s23 =	simm.s32 $0x1  }
0x1a: {  	s25 =	sshrl.u32 s24, $0x3;
	s26 =	sshrl.u32 s3, $0x3;
	s24 =	simm.s32 $0x2  }
0x1b: {  	s18 =	sadd.s32 s25, s20;
	s19 =	sadd.s32 s25, s17;
	s20 =	sadd.s32 s26, s20  }
0x1c: {  	v0 =	vimm.f32 $0.0e+00;
	s21 =	sadd.s32 s26, s17;
	s25 =	simm.s32 $0x8000;
	s26 =	simm.s32 $0x0  }
.LBB2_1:
0x1d: {  	s3 =	simm.s32 $0x0;
	s17 =	simm.s32 $0x200  }
.LBB2_2:
0x1e: {  	p1 =	sne.s32 s17, $0xFE00;
	[tilespmem:s3+$0x4070] =	vst v0  }
0x1f: {  	[tilespmem:s3+$0x0] =	vst v0  }
0x20: {  	[tilespmem:s3+$0x4000] =	vst v0  }
0x21: {  	[tilespmem:s3+$0x10] =	vst v0  }
0x22: {  	[tilespmem:s3+$0x4010] =	vst v0  }
0x23: {  	[tilespmem:s3+$0x20] =	vst v0  }
0x24: {  	[tilespmem:s3+$0x4020] =	vst v0  }
0x25: {  	[tilespmem:s3+$0x30] =	vst v0  }
0x26: {  	[tilespmem:s3+$0x4030] =	vst v0  }
0x27: {  	[tilespmem:s3+$0x40] =	vst v0  }
0x28: {  	[tilespmem:s3+$0x4040] =	vst v0  }
.Ltmp0:
0x29: {  	[tilespmem:s3+$0x50] =	vst v0;
	(pc) =	sbr.rel @p1 .LBB2_2-.Ltmp0, $4  }
0x2a: {  	[tilespmem:s3+$0x4050] =	vst v0  }
0x2b: {  	[tilespmem:s3+$0x60] =	vst v0  }
0x2c: {  	[tilespmem:s3+$0x4060] =	vst v0  }
0x2d: {  	[tilespmem:s3+$0x70] =	vst v0;
	s3 =	sshra.s32 s17, $0x2;
	s17 =	sadd.s32 $0x200, s17  }
0x2e: {  	[tilespmem:s3+$0x4070] =	vst v0  }
0x2f: {  	[tilespmem:s3+$0x0] =	vst v0  }
0x30: {  	[tilespmem:s3+$0x4000] =	vst v0  }
0x31: {  	[tilespmem:s3+$0x10] =	vst v0  }
0x32: {  	[tilespmem:s3+$0x4010] =	vst v0  }
0x33: {  	[tilespmem:s3+$0x20] =	vst v0  }
0x34: {  	[tilespmem:s3+$0x4020] =	vst v0  }
0x35: {  	[tilespmem:s3+$0x30] =	vst v0  }
0x36: {  	[tilespmem:s3+$0x4030] =	vst v0  }
0x37: {  	[tilespmem:s3+$0x40] =	vst v0  }
0x38: {  	[tilespmem:s3+$0x4040] =	vst v0  }
0x39: {  	[tilespmem:s3+$0x50] =	vst v0  }
0x3a: {  	[tilespmem:s3+$0x4050] =	vst v0  }
0x3b: {  	[tilespmem:s3+$0x60] =	vst v0  }
0x3c: {  	[tilespmem:s3+$0x4060] =	vst v0  }
0x3d: {  	[tilespmem:s3+$0x70] =	vst v0  }
0x3e: {  	[spmem:s4] =	stream.linear.scatter [tilespmem:s2], [sflag:$0x1], $0x4000, $0x38;
	[tilespmem:$0x1E280] =	vst v63  }
0x3f: {  	s6 =	rddreg [dreg:$0x4]  }
0x40: {  	[spmem:s6] =	stream.linear.scatter [tilespmem:s22], [sflag:$0x2], $0x4000, $0x38;
	[tilespmem:$0x1E280] =	vst v63  }
0x41: {  	s7 =	rddreg [dreg:$0x5]  }
0x42: {  	[spmem:s7] =	stream.linear.scatter [tilespmem:s2], [sflag:$0x1], $0x4000, $0x38;
	[tilespmem:$0x1E280] =	vst v63  }
0x43: {  	s8 =	rddreg [dreg:$0x6]  }
0x44: {  	[spmem:s8] =	stream.linear.scatter [tilespmem:s22], [sflag:$0x2], $0x4000, $0x38;
	[tilespmem:$0x1E280] =	vst v63  }
0x45: {  	s17 =	rddreg [dreg:$0x7]  }
0x46: {  	[spmem:s17] =	stream.linear.scatter [tilespmem:s2], [sflag:$0x1], $0x3800, $0x38;
	[tilespmem:$0x1E280] =	vst v63  }
0x47: {  	s3 =	simm.s32 @!p0 $0x4000  }
0x48: {  	[spmem:s9] =	stream.linear.scatter @!p0 [tilespmem:s3], [sflag:$0x2], $0x1000, $0x38;
	[tilespmem:$0x1E280] =	vst v63  }
0x49: {  	s17 =	simm.s32 $0x200;
	s3 =	simm.s32 $0x0  }
.LBB2_4:
0x4a: {  	p1 =	sne.s32 s17, $0x9A00;
	[tilespmem:s3+$0x8270] =	vst v0  }
0x4b: {  	[tilespmem:s3+$0x8200] =	vst v0  }
0x4c: {  	[tilespmem:s3+$0x8210] =	vst v0  }
.Ltmp1:
0x4d: {  	[tilespmem:s3+$0x8220] =	vst v0;
	(pc) =	sbr.rel @p1 .LBB2_4-.Ltmp1, $4  }
0x4e: {  	[tilespmem:s3+$0x8230] =	vst v0  }
0x4f: {  	[tilespmem:s3+$0x8240] =	vst v0  }
0x50: {  	[tilespmem:s3+$0x8250] =	vst v0  }
0x51: {  	[tilespmem:s3+$0x8260] =	vst v0;
	s3 =	sshra.s32 s17, $0x2;
	s17 =	sadd.s32 $0x200, s17  }
0x52: {  	[tilespmem:s3+$0x8270] =	vst v0  }
0x53: {  	[tilespmem:s3+$0x8200] =	vst v0  }
0x54: {  	[tilespmem:s3+$0x8210] =	vst v0  }
0x55: {  	[tilespmem:s3+$0x8220] =	vst v0  }
0x56: {  	[tilespmem:s3+$0x8230] =	vst v0  }
0x57: {  	[tilespmem:s3+$0x8240] =	vst v0  }
0x58: {  	[tilespmem:s3+$0x8250] =	vst v0  }
0x59: {  	[tilespmem:s3+$0x8260] =	vst v0  }
0x5a: {  	[tilespmem:$0xA900] =	vst v0  }
0x5b: {  	[tilespmem:$0xA910] =	vst v0  }
0x5c: {  	_ =	swait.ge [sflag:s23], $0x4000  }
0x5d: {  	[sflag:s23] =	ssyncset.done $0x0  }
0x5e: {  	[sflag:s23] =	ssyncadd.s32 $0xFFFFC000  }
0x5f: {  	_ =	swait.ge [sflag:s23], $0x4000  }
0x60: {  	[sflag:s23] =	ssyncset.done $0x0  }
0x61: {  	[sflag:s23] =	ssyncadd.s32 $0xFFFFC000  }
0x62: {  	_ =	swait.ge [sflag:s23], $0x3800  }
0x63: {  	[sflag:s23] =	ssyncset.done $0x0  }
0x64: {  	[sflag:s23] =	ssyncadd.s32 $0xFFFFC800  }
0x65: {  	_ =	swait.ge [sflag:s24], $0x4000  }
0x66: {  	[sflag:s24] =	ssyncset.done $0x0  }
0x67: {  	[sflag:s24] =	ssyncadd.s32 $0xFFFFC000  }
0x68: {  	_ =	swait.ge [sflag:s24], $0x4000  }
0x69: {  	[sflag:s24] =	ssyncset.done $0x0  }
0x6a: {  	s3 =	simm.s32 @!p0 $0x2;
	[sflag:s24] =	ssyncadd.s32 $0xFFFFC000  }
0x6b: {  	_ =	swait.ge @!p0 [sflag:s3], $0x1000  }
0x6c: {  	[sflag:s3] =	ssyncset.done @!p0 $0x0  }
0x6d: {  	[sflag:s3] =	ssyncadd.s32 @!p0 $0xFFFFF000;
	s3 =	simm.s32 $0x0  }
0x6e: {  	[tilespmem:s3], [sflag:$0x1] =	stream.linear.gather [hbm4b:s10+s3], $0x4000, $0x38;
	[tilespmem:$0x1E280] =	vst v63  }
0x6f: {  	_ = 	snop  }
0x70: {  	[tilespmem:s25], [sflag:$0x1] =	stream.linear.gather [hbm4b:s11+s3], $0x80, $0x38;
	[tilespmem:$0x1E280] =	vst v63  }
0x71: {  	s6 =	simm.s32 $0x8100;
	s17 =	smov.u32 s5  }
0x72: {  	[tilespmem:s6], [sflag:$0x1] =	stream.linear.gather [hbm4b:s12+s3], $0x80, $0x38;
	[tilespmem:$0x1E280] =	vst v63  }
.LBB2_6:
0x73: {  	s6 =	sadd.s32 $0xFFFFF800, s17  }
0x74: {  	[tilespmem:s22], [sflag:$0x2] =	stream.linear.gather [hbm4b:s6+s2], $0x4000, $0x38;
	[tilespmem:$0x1E280] =	vst v63  }
0x75: {  	s7 =	sadd.s32 s3, s21  }
0x76: {  	[tilespmem:s28], [sflag:$0x2] =	stream.linear.gather [hbm4b:s7+s2], $0x80, $0x38;
	[tilespmem:$0x1E280] =	vst v63  }
0x77: {  	s8 =	sadd.s32 s3, s20  }
0x78: {  	[tilespmem:s29], [sflag:$0x2] =	stream.linear.gather [hbm4b:s8+s2], $0x80, $0x38;
	[tilespmem:$0x1E280] =	vst v63  }
0x79: {  	_ =	swait.ge [sflag:s23], $0x4000  }
0x7a: {  	[sflag:s23] =	ssyncset.done $0x0  }
0x7b: {  	[sflag:s23] =	ssyncadd.s32 $0xFFFFC000  }
0x7c: {  	_ =	swait.ge [sflag:s23], $0x80  }
0x7d: {  	[sflag:s23] =	ssyncset.done $0x0  }
0x7e: {  	[sflag:s23] =	ssyncadd.s32 $0xFFFFFF80  }
0x7f: {  	_ =	swait.ge [sflag:s23], $0x80  }
0x80: {  	[sflag:s23] =	ssyncset.done $0x0  }
0x81: {  	[sflag:s23] =	ssyncadd.s32 $0xFFFFFF80  }
0x82: {  	[spmem:s1] =	stream.indirect.scatter.add.f32 [tilespmem:s2], [sflag:$0x3], $0x80, s25, s30, $0xb8;
	[tilespmem:$0x1E280] =	vst v63  }
0x83: {  	_ =	swait.ge [sflag:s31], $0x4000  }
0x84: {  	[sflag:s31] =	ssyncset.done $0x0  }
0x85: {  	[sflag:s31] =	ssyncadd.s32 $0xFFFFC000  }
0x86: {  	v1 =	vld [tilespmem:$0x8100];
	_ =	sdelay $0x4  }
0x87: {  	v1 =	vsub.f32 $0.0e+00, v1;
	_ =	sdelay $0x1  }
0x88: {  	v1 =	vmul.f32 $1.442695020e+00, v1;
	_ =	sdelay $0x1  }
0x89: {  	(erf) = vpow2.f32 v1;
	_ =	sdelay $0x8  }
0x8a: {  	v1 =	vpop (erf)  }
0x8b: {  	v1 =	vadd.f32 $1.000000000e+00, v1;
	_ =	sdelay $0x1  }
0x8c: {  	(erf) = vrcp.f32 v1;
	_ =	sdelay $0x1  }
0x8d: {  	v1 =	vld [tilespmem:$0x8000];
	_ =	sdelay $0x6  }
0x8e: {  	v2 =	vpop (erf)  }
0x8f: {  	[tilespmem:v1+s0+$0x0] =	vst.idx.add.f32.msk $0xffff, v2  }
0x90: {  	v1 =	vld [tilespmem:$0x8110];
	_ =	sdelay $0x4  }
0x91: {  	v1 =	vsub.f32 $0.0e+00, v1;
	_ =	sdelay $0x1  }
0x92: {  	v1 =	vmul.f32 $1.442695020e+00, v1;
	_ =	sdelay $0x1  }
0x93: {  	(erf) = vpow2.f32 v1;
	_ =	sdelay $0x8  }
0x94: {  	v1 =	vpop (erf)  }
0x95: {  	v1 =	vadd.f32 $1.000000000e+00, v1;
	_ =	sdelay $0x1  }
0x96: {  	(erf) = vrcp.f32 v1;
	_ =	sdelay $0x1  }
0x97: {  	v1 =	vld [tilespmem:$0x8010];
	_ =	sdelay $0x6  }
0x98: {  	v2 =	vpop (erf)  }
0x99: {  	[tilespmem:v1+s0+$0x0] =	vst.idx.add.f32.msk $0xffff, v2  }
0x9a: {  	v1 =	vld [tilespmem:$0x8120];
	_ =	sdelay $0x4  }
0x9b: {  	v1 =	vsub.f32 $0.0e+00, v1;
	_ =	sdelay $0x1  }
0x9c: {  	v1 =	vmul.f32 $1.442695020e+00, v1;
	_ =	sdelay $0x1  }
0x9d: {  	(erf) = vpow2.f32 v1;
	_ =	sdelay $0x8  }
0x9e: {  	v1 =	vpop (erf)  }
0x9f: {  	v1 =	vadd.f32 $1.000000000e+00, v1;
	_ =	sdelay $0x1  }
0xa0: {  	(erf) = vrcp.f32 v1;
	_ =	sdelay $0x1  }
0xa1: {  	v1 =	vld [tilespmem:$0x8020];
	_ =	sdelay $0x6  }
0xa2: {  	v2 =	vpop (erf)  }
0xa3: {  	[tilespmem:v1+s0+$0x0] =	vst.idx.add.f32.msk $0xffff, v2  }
0xa4: {  	v1 =	vld [tilespmem:$0x8130];
	_ =	sdelay $0x4  }
0xa5: {  	v1 =	vsub.f32 $0.0e+00, v1;
	_ =	sdelay $0x1  }
0xa6: {  	v1 =	vmul.f32 $1.442695020e+00, v1;
	_ =	sdelay $0x1  }
0xa7: {  	(erf) = vpow2.f32 v1;
	_ =	sdelay $0x8  }
0xa8: {  	v1 =	vpop (erf)  }
0xa9: {  	v1 =	vadd.f32 $1.000000000e+00, v1;
	_ =	sdelay $0x1  }
0xaa: {  	(erf) = vrcp.f32 v1;
	_ =	sdelay $0x1  }
0xab: {  	v1 =	vld [tilespmem:$0x8030];
	_ =	sdelay $0x6  }
0xac: {  	v2 =	vpop (erf)  }
0xad: {  	[tilespmem:v1+s0+$0x0] =	vst.idx.add.f32.msk $0xffff, v2  }
0xae: {  	v1 =	vld [tilespmem:$0x8140];
	_ =	sdelay $0x4  }
0xaf: {  	v1 =	vsub.f32 $0.0e+00, v1;
	_ =	sdelay $0x1  }
0xb0: {  	v1 =	vmul.f32 $1.442695020e+00, v1;
	_ =	sdelay $0x1  }
0xb1: {  	(erf) = vpow2.f32 v1;
	_ =	sdelay $0x8  }
0xb2: {  	v1 =	vpop (erf)  }
0xb3: {  	v1 =	vadd.f32 $1.000000000e+00, v1;
	_ =	sdelay $0x1  }
0xb4: {  	(erf) = vrcp.f32 v1;
	_ =	sdelay $0x1  }
0xb5: {  	v1 =	vld [tilespmem:$0x8040];
	_ =	sdelay $0x6  }
0xb6: {  	v2 =	vpop (erf)  }
0xb7: {  	[tilespmem:v1+s0+$0x0] =	vst.idx.add.f32.msk $0xffff, v2  }
0xb8: {  	v1 =	vld [tilespmem:$0x8150];
	_ =	sdelay $0x4  }
0xb9: {  	v1 =	vsub.f32 $0.0e+00, v1;
	_ =	sdelay $0x1  }
0xba: {  	v1 =	vmul.f32 $1.442695020e+00, v1;
	_ =	sdelay $0x1  }
0xbb: {  	(erf) = vpow2.f32 v1;
	_ =	sdelay $0x8  }
0xbc: {  	v1 =	vpop (erf)  }
0xbd: {  	v1 =	vadd.f32 $1.000000000e+00, v1;
	_ =	sdelay $0x1  }
0xbe: {  	(erf) = vrcp.f32 v1;
	_ =	sdelay $0x1  }
0xbf: {  	v1 =	vld [tilespmem:$0x8050];
	_ =	sdelay $0x6  }
0xc0: {  	v2 =	vpop (erf)  }
0xc1: {  	[tilespmem:v1+s0+$0x0] =	vst.idx.add.f32.msk $0xffff, v2  }
0xc2: {  	v1 =	vld [tilespmem:$0x8160];
	_ =	sdelay $0x4  }
0xc3: {  	v1 =	vsub.f32 $0.0e+00, v1;
	_ =	sdelay $0x1  }
0xc4: {  	v1 =	vmul.f32 $1.442695020e+00, v1;
	_ =	sdelay $0x1  }
0xc5: {  	(erf) = vpow2.f32 v1;
	_ =	sdelay $0x8  }
0xc6: {  	v1 =	vpop (erf)  }
0xc7: {  	v1 =	vadd.f32 $1.000000000e+00, v1;
	_ =	sdelay $0x1  }
0xc8: {  	(erf) = vrcp.f32 v1;
	_ =	sdelay $0x1  }
0xc9: {  	v1 =	vld [tilespmem:$0x8060];
	_ =	sdelay $0x6  }
0xca: {  	v2 =	vpop (erf)  }
0xcb: {  	[tilespmem:v1+s0+$0x0] =	vst.idx.add.f32.msk $0xffff, v2  }
0xcc: {  	v1 =	vld [tilespmem:$0x8170];
	_ =	sdelay $0x4  }
0xcd: {  	v1 =	vsub.f32 $0.0e+00, v1;
	_ =	sdelay $0x1  }
0xce: {  	v1 =	vmul.f32 $1.442695020e+00, v1;
	_ =	sdelay $0x1  }
0xcf: {  	(erf) = vpow2.f32 v1;
	_ =	sdelay $0x8  }
0xd0: {  	v1 =	vpop (erf)  }
0xd1: {  	v1 =	vadd.f32 $1.000000000e+00, v1;
	_ =	sdelay $0x1  }
0xd2: {  	(erf) = vrcp.f32 v1;
	_ =	sdelay $0x1  }
0xd3: {  	v1 =	vld [tilespmem:$0x8070];
	_ =	sdelay $0x6  }
0xd4: {  	p1 =	seq.s32 s3, $0x260;
	v2 =	vpop (erf)  }
0xd5: {  	s6 =	simm.s32 @!p1 $0x0;
	[tilespmem:v1+s0+$0x0] =	vst.idx.add.f32.msk $0xffff, v2  }
0xd6: {  	[tilespmem:s6], [sflag:$0x1] =	stream.linear.gather @!p1 [hbm4b:s17+s6], $0x4000, $0x38;
	[tilespmem:$0x1E280] =	vst v63  }
0xd7: {  	s7 =	sadd.s32 @!p1 s3, s19;
	s8 =	simm.s32 @!p1 $0x8000  }
0xd8: {  	[tilespmem:s8], [sflag:$0x1] =	stream.linear.gather @!p1 [hbm4b:s7+s6], $0x80, $0x38;
	[tilespmem:$0x1E280] =	vst v63  }
0xd9: {  	s7 =	sadd.s32 @!p1 s3, s18;
	s8 =	simm.s32 @!p1 $0x8100  }
0xda: {  	[tilespmem:s8], [sflag:$0x1] =	stream.linear.gather @!p1 [hbm4b:s7+s6], $0x80, $0x38;
	[tilespmem:$0x1E280] =	vst v63  }
0xdb: {  	_ =	swait.ge [sflag:s24], $0x4000  }
0xdc: {  	[sflag:s24] =	ssyncset.done $0x0  }
0xdd: {  	[sflag:s24] =	ssyncadd.s32 $0xFFFFC000  }
0xde: {  	_ =	swait.ge [sflag:s24], $0x80  }
0xdf: {  	[sflag:s24] =	ssyncset.done $0x0  }
0xe0: {  	[sflag:s24] =	ssyncadd.s32 $0xFFFFFF80  }
0xe1: {  	_ =	swait.ge [sflag:s24], $0x80  }
0xe2: {  	[sflag:s24] =	ssyncset.done $0x0  }
0xe3: {  	[sflag:s24] =	ssyncadd.s32 $0xFFFFFF80  }
0xe4: {  	[spmem:s1] =	stream.indirect.scatter.add.f32 [tilespmem:s22], [sflag:$0x3], $0x80, s28, s30, $0xb8;
	[tilespmem:$0x1E280] =	vst v63  }
0xe5: {  	_ =	swait.ge [sflag:s31], $0x4000  }
0xe6: {  	[sflag:s31] =	ssyncset.done $0x0  }
0xe7: {  	[sflag:s31] =	ssyncadd.s32 $0xFFFFC000  }
0xe8: {  	v1 =	vld [tilespmem:$0x8180];
	_ =	sdelay $0x4  }
0xe9: {  	v1 =	vsub.f32 $0.0e+00, v1;
	_ =	sdelay $0x1  }
0xea: {  	v1 =	vmul.f32 $1.442695020e+00, v1;
	_ =	sdelay $0x1  }
0xeb: {  	(erf) = vpow2.f32 v1;
	_ =	sdelay $0x8  }
0xec: {  	v1 =	vpop (erf)  }
0xed: {  	v1 =	vadd.f32 $1.000000000e+00, v1;
	_ =	sdelay $0x1  }
0xee: {  	(erf) = vrcp.f32 v1;
	_ =	sdelay $0x1  }
0xef: {  	v1 =	vld [tilespmem:$0x8080];
	_ =	sdelay $0x6  }
0xf0: {  	v2 =	vpop (erf)  }
0xf1: {  	[tilespmem:v1+s0+$0x0] =	vst.idx.add.f32.msk $0xffff, v2  }
0xf2: {  	v1 =	vld [tilespmem:$0x8190];
	_ =	sdelay $0x4  }
0xf3: {  	v1 =	vsub.f32 $0.0e+00, v1;
	_ =	sdelay $0x1  }
0xf4: {  	v1 =	vmul.f32 $1.442695020e+00, v1;
	_ =	sdelay $0x1  }
0xf5: {  	(erf) = vpow2.f32 v1;
	_ =	sdelay $0x8  }
0xf6: {  	v1 =	vpop (erf)  }
0xf7: {  	v1 =	vadd.f32 $1.000000000e+00, v1;
	_ =	sdelay $0x1  }
0xf8: {  	(erf) = vrcp.f32 v1;
	_ =	sdelay $0x1  }
0xf9: {  	v1 =	vld [tilespmem:$0x8090];
	_ =	sdelay $0x6  }
0xfa: {  	v2 =	vpop (erf)  }
0xfb: {  	[tilespmem:v1+s0+$0x0] =	vst.idx.add.f32.msk $0xffff, v2  }
0xfc: {  	v1 =	vld [tilespmem:$0x81A0];
	_ =	sdelay $0x4  }
0xfd: {  	v1 =	vsub.f32 $0.0e+00, v1;
	_ =	sdelay $0x1  }
0xfe: {  	v1 =	vmul.f32 $1.442695020e+00, v1;
	_ =	sdelay $0x1  }
0xff: {  	(erf) = vpow2.f32 v1;
	_ =	sdelay $0x8  }
0x100: {  	v1 =	vpop (erf)  }
0x101: {  	v1 =	vadd.f32 $1.000000000e+00, v1;
	_ =	sdelay $0x1  }
0x102: {  	(erf) = vrcp.f32 v1;
	_ =	sdelay $0x1  }
0x103: {  	v1 =	vld [tilespmem:$0x80A0];
	_ =	sdelay $0x6  }
0x104: {  	v2 =	vpop (erf)  }
0x105: {  	[tilespmem:v1+s0+$0x0] =	vst.idx.add.f32.msk $0xffff, v2  }
0x106: {  	v1 =	vld [tilespmem:$0x81B0];
	_ =	sdelay $0x4  }
0x107: {  	v1 =	vsub.f32 $0.0e+00, v1;
	_ =	sdelay $0x1  }
0x108: {  	v1 =	vmul.f32 $1.442695020e+00, v1;
	_ =	sdelay $0x1  }
0x109: {  	(erf) = vpow2.f32 v1;
	_ =	sdelay $0x8  }
0x10a: {  	v1 =	vpop (erf)  }
0x10b: {  	v1 =	vadd.f32 $1.000000000e+00, v1;
	_ =	sdelay $0x1  }
0x10c: {  	(erf) = vrcp.f32 v1;
	_ =	sdelay $0x1  }
0x10d: {  	v1 =	vld [tilespmem:$0x80B0];
	_ =	sdelay $0x6  }
0x10e: {  	v2 =	vpop (erf)  }
0x10f: {  	[tilespmem:v1+s0+$0x0] =	vst.idx.add.f32.msk $0xffff, v2  }
0x110: {  	v1 =	vld [tilespmem:$0x81C0];
	_ =	sdelay $0x4  }
0x111: {  	v1 =	vsub.f32 $0.0e+00, v1;
	_ =	sdelay $0x1  }
0x112: {  	v1 =	vmul.f32 $1.442695020e+00, v1;
	_ =	sdelay $0x1  }
0x113: {  	(erf) = vpow2.f32 v1;
	_ =	sdelay $0x8  }
0x114: {  	v1 =	vpop (erf)  }
0x115: {  	v1 =	vadd.f32 $1.000000000e+00, v1;
	_ =	sdelay $0x1  }
0x116: {  	(erf) = vrcp.f32 v1;
	_ =	sdelay $0x1  }
0x117: {  	v1 =	vld [tilespmem:$0x80C0];
	_ =	sdelay $0x6  }
0x118: {  	v2 =	vpop (erf)  }
0x119: {  	[tilespmem:v1+s0+$0x0] =	vst.idx.add.f32.msk $0xffff, v2  }
0x11a: {  	v1 =	vld [tilespmem:$0x81D0];
	_ =	sdelay $0x4  }
0x11b: {  	v1 =	vsub.f32 $0.0e+00, v1;
	_ =	sdelay $0x1  }
0x11c: {  	v1 =	vmul.f32 $1.442695020e+00, v1;
	_ =	sdelay $0x1  }
0x11d: {  	(erf) = vpow2.f32 v1;
	_ =	sdelay $0x8  }
0x11e: {  	v1 =	vpop (erf)  }
0x11f: {  	v1 =	vadd.f32 $1.000000000e+00, v1;
	_ =	sdelay $0x1  }
0x120: {  	(erf) = vrcp.f32 v1;
	_ =	sdelay $0x1  }
0x121: {  	v1 =	vld [tilespmem:$0x80D0];
	_ =	sdelay $0x6  }
0x122: {  	v2 =	vpop (erf)  }
0x123: {  	[tilespmem:v1+s0+$0x0] =	vst.idx.add.f32.msk $0xffff, v2  }
0x124: {  	v1 =	vld [tilespmem:$0x81E0];
	_ =	sdelay $0x4  }
0x125: {  	v1 =	vsub.f32 $0.0e+00, v1;
	_ =	sdelay $0x1  }
0x126: {  	v1 =	vmul.f32 $1.442695020e+00, v1;
	_ =	sdelay $0x1  }
0x127: {  	(erf) = vpow2.f32 v1;
	_ =	sdelay $0x8  }
0x128: {  	v1 =	vpop (erf)  }
0x129: {  	v1 =	vadd.f32 $1.000000000e+00, v1;
	_ =	sdelay $0x1  }
0x12a: {  	(erf) = vrcp.f32 v1;
	_ =	sdelay $0x1  }
0x12b: {  	v1 =	vld [tilespmem:$0x80E0];
	_ =	sdelay $0x6  }
0x12c: {  	v2 =	vpop (erf)  }
0x12d: {  	[tilespmem:v1+s0+$0x0] =	vst.idx.add.f32.msk $0xffff, v2  }
0x12e: {  	v1 =	vld [tilespmem:$0x81F0];
	_ =	sdelay $0x4  }
0x12f: {  	v1 =	vsub.f32 $0.0e+00, v1;
	_ =	sdelay $0x1  }
0x130: {  	v1 =	vmul.f32 $1.442695020e+00, v1;
	_ =	sdelay $0x1  }
0x131: {  	(erf) = vpow2.f32 v1;
	_ =	sdelay $0x8  }
0x132: {  	v1 =	vpop (erf)  }
0x133: {  	v1 =	vadd.f32 $1.000000000e+00, v1;
	_ =	sdelay $0x1  }
0x134: {  	(erf) = vrcp.f32 v1;
	_ =	sdelay $0x1  }
0x135: {  	v1 =	vld [tilespmem:$0x80F0];
	_ =	sdelay $0x1  }
0x136: {  	s3 =	sadd.s32 $0x20, s3  }
0x137: {  	p1 =	sne.s32 s3, $0x280  }
.Ltmp2:
0x138: {  	_ = 	snop;
	(pc) =	sbr.rel @p1 .LBB2_6-.Ltmp2, $3  }
0x139: {  	_ =	sdelay $0x1  }
0x13a: {  	v2 =	vpop (erf)  }
0x13b: {  	s17 =	sadd.s32 $0x1000, s17;
	[tilespmem:v1+s0+$0x0] =	vst.idx.add.f32.msk $0xffff, v2  }
0x13c: {  	s3 =	stileid.u32  }
0x13d: {  	s3 =	sshll.u32 s3, $0x6  }
0x13e: {  	[bflag:$0x0] =	sbarrier.arrive $0xFFFF;
	s6 =	sshrl.u32 s4, $0x3;
	s3 =	sor.u32 $0x1C03, s3  }
0x13f: {  	[hbm:s13], [sflag:s3] =	dma.local [spmem:s6], $0x2700  }
0x140: {  	_ =	swait.ge [sflag:s31], $0x2700  }
0x141: {  	[sflag:s31] =	ssyncset.done $0x0  }
0x142: {  	s6 =	sshrl.u32 @!p0 s9, $0x3;
	[sflag:s31] =	ssyncadd.s32 $0xFFFFD900  }
0x143: {  	[hbm:s14], [sflag:s3] =	dma.local @!p0 [spmem:s6], $0x100  }
0x144: {  	s3 =	simm.s32 @!p0 $0x3  }
0x145: {  	s26 =	sadd.s32 $0x1, s26;
	_ =	swait.ge @!p0 [sflag:s3], $0x100  }
0x146: {  	p1 =	sne.s32 s26, s16;
	[sflag:s3] =	ssyncset.done @!p0 $0x0  }
.Ltmp3:
0x147: {  	s17 =	simm.s32 $0x400;
	[sflag:s3] =	ssyncadd.s32 @!p0 $0xFFFFFF00;
	(pc) =	sbr.rel @p1 .LBB2_1-.Ltmp3, $4  }
0x148: {  	[hbm4b:s15+s30] =	stream.strided.scatter [tilespmem:s0], [sflag:$0x3], $0x2780, s17, s30, $0x38;
	[tilespmem:$0x1E280] =	vst v63  }
0x149: {  	_ =	swait.ge [sflag:s31], $0x2780  }
0x14a: {  	[sflag:s31] =	ssyncset.done $0x0  }
0x14b: {  	[sflag:s31] =	ssyncadd.s32 $0xFFFFD880  }
0x14c: {  	_ =	sfence.sel $0x180000  }
0x14d: {  	[bflag:$0x0] =	sbarrier.arrive $0xFFFF  }
0x14e: {  	_ =	strace $0x9000004A  }
0x14f: {  	s0 =	stileid.u32;
	[bflag:$0x2] =	sbarrier.arrive $0xFFFF  }
0x150: {  	p0 =	sne.s32 s0, $0x0;
	s0 =	rddreg [dreg:$0x3]  }
0x151: {  	s0 =	sadd.s32 @!p0 $0x100000, s0  }
0x152: {  	[sflag:s0] =	ssyncadd.tile.s32 @!p0 $0x1;
	_ =	shalt  }
.Lfunc_end2:
_tile_overlayer_lowered:
.L_overlay_start_2:
0x153: {  	(tag) =	ssettag $0x2  }
0x154: {  	s0 =	rddreg [dreg:$0x0];
	s2 =	stileid.u32  }
0x155: {  	s1 =	rddreg [dreg:$0x1];
	p0 =	sne.s32 s2, $0x0  }
0x156: {  	s3 =	rddreg [dreg:$0x2];
	[bflag:$0x3] =	sbarrier.arrive $0xFFFF;
	s2 =	simm.s32 @!p0 $0x1C03  }
0x157: {  	[timem:s3], [sflag:s2] =	dma.local @!p0 [hbm:s0], s1  }
0x158: {  	s0 =	simm.s32 @!p0 $0x3  }
0x159: {  	_ =	swait.ge @!p0 [sflag:s0], s1  }
0x15a: {  	s1 =	ssub.s32 @!p0 $0x0, s1;
	[sflag:s0] =	ssyncset.done @!p0 $0x0  }
0x15b: {  	[sflag:s0] =	ssyncadd.s32 @!p0 s1  }
0x15c: {  	[bflag:$0x3] =	sbarrier.arrive $0xFFFF  }
0x15d: {  	_ =	shalt  }

// kernel: kernel.7.cloned.1.call-start
scs
__scs_entry_jumppad:
0x0: {  	(pc) =	sbr.rel $0x88, $3  }
0x1: {  	(tag) =	ssettag $0x0;
	lr =	simm.s32 $0x1  }
0x2: {  	[smem:$0x3F9A] =	sst lr;
	_ =	strace $0xD0000000  }
0x3: {  	_ = 	snop  }
0x4: {  	_ = 	snop  }
0x5: {  	_ = 	snop  }
0x6: {  	_ = 	snop  }
0x7: {  	_ = 	snop  }
__scs_overlays_trampoline_lowered:
0x8: {  	[smem:$0x3FA9] =	sst s0  }
0x9: {  	[smem:$0x3FAA] =	sst s1  }
0xa: {  	[smem:$0x3FAB] =	sst s2  }
0xb: {  	[smem:$0x3FAC] =	sst s3  }
0xc: {  	[smem:$0x3FAD] =	sst s4  }
0xd: {  	[smem:$0x3FAE] =	sst s5  }
0xe: {  	[smem:$0x3FAF] =	sst s6  }
0xf: {  	[smem:$0x3FB0] =	sst s7  }
0x10: {  	[smem:$0x3FB1] =	sst s8  }
0x11: {  	[smem:$0x3FB2] =	sst s9;
	s0 =	simm.s32 @!p0 $0x0  }
0x12: {  	s1 =	sld [smem:$0x3F98];
	s0 =	simm.s32 @p0 $0x1  }
0x13: {  	[smem:$0x3FB3] =	sst s0;
	s0 =	simm.s32 @!p1 $0x0  }
0x14: {  	s2 =	sld [smem:$0x3F97];
	s0 =	simm.s32 @p1 $0x1  }
0x15: {  	[smem:$0x3FB4] =	sst s0;
	s0 =	simm.s32 @!p2 $0x0  }
0x16: {  	s3 =	sld [smem:$0x3FDB];
	s0 =	simm.s32 @p2 $0x1  }
0x17: {  	s4 =	simm.s32 $0x1BF5;
	[smem:$0x3FB6] =	sst s0  }
0x18: {  	s0 =	sld [smem:$0x3F99];
	_ =	swait.ge [sflag:s4], $0x0  }
0x19: {  	s7 =	sld [smem:$0x3F9A]  }
0x1a: {  	s8 =	sadd.s32 $0xFFFFE003, lr  }
0x1b: {  	s9 =	sadd.s32 $0xFFFFFEF7, lr;
	s5 =	simm.s32 $0xFFFFFFFF;
	p2 =	slt.u32 s8, $0xFFFFF086  }
0x1c: {  	p1 =	slt.u32 s9, $0xF7A;
	s5 =	simm.s32 @!p2 $0x0  }
0x1d: {  	s5 =	simm.s32 @p1 $0x1;
	p0 =	seq.s32 s7, s2  }
0x1e: {  	s7 =	smul.u32 @!p0 $0xF7A, s2;
	p2 =	seq.s32 @!p0 s5, $0x0  }
0x1f: {  	s9 =	smul.u32 $0xF7A, s1;
	s8 =	simm.s32 @!p0 $0x1BF5;
	p2 =	por !p2, p0  }
0x20: {  	[sflag:s8] =	ssyncset.s32 @!p0 $0xFFFFF086;
	s6 =	sadd.s32 @!p0 s3, s7;
	s7 =	simm.s32 @!p0 $0x108  }
0x21: {  	s3 =	sadd.s32 s3, s9;
	s6 =	sadd.s32 @!p0 $0x88, s6;
	s7 =	simm.s32 @p2 $0x1082  }
0x22: {  	[simem:s7], [sflag:s8] =	dma.local @!p0 [hbm:s6], $0xF7A  }
0x23: {  	s9 =	sor.u32 $0xD0000000, s2;
	s6 =	simm.s32 $0x108;
	_ =	swait.ge @!p0 [sflag:s8], $0x0  }
0x24: {  	s3 =	sadd.s32 $0x88, s3;
	s6 =	simm.s32 @!p1 $0x1082;
	[sflag:s4] =	ssyncset.s32 $0xFFFFF086  }
0x25: {  	[simem:s6], [sflag:s4] =	dma.local [hbm:s3], $0xF7A  }
0x26: {  	[smem:$0x3F9A] =	sst s1;
	(tag) =	ssettag s2;
	_ =	strace s9  }
0x27: {  	s1 =	sld [smem:$0x3FAA]  }
0x28: {  	s2 =	sld [smem:$0x3FAB]  }
0x29: {  	s4 =	sld [smem:$0x3FAD]  }
0x2a: {  	p0 =	seq.s32 s5, $0x0;
	s5 =	sld [smem:$0x3FAE]  }
0x2b: {  	s6 =	sld [smem:$0x3FAF]  }
0x2c: {  	s7 =	sld [smem:$0x3FB0]  }
0x2d: {  	s3 =	simm.s32 $0x108;
	s8 =	sld [smem:$0x3FB1]  }
0x2e: {  	s3 =	simm.s32 @!p0 $0x1082;
	s9 =	sld [smem:$0x3FB2]  }
0x2f: {  	lr =	sadd.s32 s0, s3;
	s0 =	sld [smem:$0x3FA9]  }
0x30: {  	s3 =	sld [smem:$0x3FAC]  }
0x31: {  	[smem:$0x3FB5] =	sst s10  }
0x32: {  	s10 =	sld [smem:$0x3FB3];
	_ =	sdelay $0x3  }
0x33: {  	p0 =	seq.s32 s10, $0x1;
	s10 =	sld [smem:$0x3FB5];
	_ =	sdelay $0x3  }
0x34: {  	[smem:$0x3FB5] =	sst s10  }
0x35: {  	s10 =	sld [smem:$0x3FB4];
	_ =	sdelay $0x3  }
0x36: {  	p1 =	seq.s32 s10, $0x1;
	s10 =	sld [smem:$0x3FB5];
	_ =	sdelay $0x3  }
0x37: {  	[smem:$0x3FB5] =	sst s10  }
0x38: {  	s10 =	sld [smem:$0x3FB6]  }
0x39: {  	_ = 	snop;
	(pc) =	sbr.ind lr, $3  }
0x3a: {  	_ = 	snop  }
0x3b: {  	_ = 	snop  }
0x3c: {  	p2 =	seq.s32 s10, $0x1;
	s10 =	sld [smem:$0x3FB5]  }
0x3d: {  	_ =	shalt  }
0x3e: {  	_ =	shalt  }
0x3f: {  	_ =	shalt  }
0x40: {  	_ =	shalt  }
0x41: {  	_ =	shalt  }
0x42: {  	_ =	shalt  }
0x43: {  	_ =	shalt  }
0x44: {  	_ =	shalt  }
0x45: {  	_ =	shalt  }
0x46: {  	_ =	shalt  }
0x47: {  	_ =	shalt  }
0x48: {  	_ =	shalt  }
0x49: {  	_ =	shalt  }
0x4a: {  	_ =	shalt  }
0x4b: {  	_ =	shalt  }
0x4c: {  	_ =	shalt  }
0x4d: {  	_ =	shalt  }
0x4e: {  	_ =	shalt  }
0x4f: {  	_ =	shalt  }
0x50: {  	_ =	shalt  }
0x51: {  	_ =	shalt  }
0x52: {  	_ =	shalt  }
0x53: {  	_ =	shalt  }
0x54: {  	_ =	shalt  }
0x55: {  	_ =	shalt  }
0x56: {  	_ =	shalt  }
0x57: {  	_ =	shalt  }
0x58: {  	_ =	shalt  }
0x59: {  	_ =	shalt  }
0x5a: {  	_ =	shalt  }
0x5b: {  	_ =	shalt  }
0x5c: {  	_ =	shalt  }
0x5d: {  	_ =	shalt  }
0x5e: {  	_ =	shalt  }
0x5f: {  	_ =	shalt  }
0x60: {  	_ =	shalt  }
0x61: {  	_ =	shalt  }
0x62: {  	_ =	shalt  }
0x63: {  	_ =	shalt  }
0x64: {  	_ =	shalt  }
0x65: {  	_ =	shalt  }
0x66: {  	_ =	shalt  }
0x67: {  	_ =	shalt  }
0x68: {  	_ =	shalt  }
0x69: {  	_ =	shalt  }
0x6a: {  	_ =	shalt  }
0x6b: {  	_ =	shalt  }
0x6c: {  	_ =	shalt  }
0x6d: {  	_ =	shalt  }
0x6e: {  	_ =	shalt  }
0x6f: {  	_ =	shalt  }
0x70: {  	_ =	shalt  }
0x71: {  	_ =	shalt  }
0x72: {  	_ =	shalt  }
0x73: {  	_ =	shalt  }
0x74: {  	_ =	shalt  }
0x75: {  	_ =	shalt  }
0x76: {  	_ =	shalt  }
0x77: {  	_ =	shalt  }
0x78: {  	_ =	shalt  }
0x79: {  	_ =	shalt  }
0x7a: {  	_ =	shalt  }
0x7b: {  	_ =	shalt  }
0x7c: {  	_ =	shalt  }
0x7d: {  	_ =	shalt  }
0x7e: {  	_ =	shalt  }
0x7f: {  	_ =	shalt  }
0x80: {  	_ =	shalt  }
0x81: {  	_ =	shalt  }
0x82: {  	_ =	shalt  }
0x83: {  	_ =	shalt  }
0x84: {  	_ =	shalt  }
0x85: {  	_ =	shalt  }
0x86: {  	_ =	shalt  }
0x87: {  	_ =	shalt  }
.Lfunc_end0:
.L_simem_size_0:
called_computation_lowered:
.L_overlay_start_0:
0x88: {  	s2 =	sld [smem:$0x3FD9]  }
0x89: {  	s3 =	sld [smem:$0x3FFE];
	_ =	sdelay $0x1  }
0x8a: {  	s1 =	srdreg.scid  }
0x8b: {  	s0 =	sand.u32 $0x1, s1  }
0x8c: {  	s16 =	sshll.u32 s0, $0xA;
	s2 =	sadd.s32 s3, s2  }
0x8d: {  	s2 =	sadd.s32 s2, s16  }
0x8e: {  	[smem:$0x3FC1] =	sst s2  }
0x8f: {  	_ = 	snop  }
0x90: {  	(tm) =	ssettm $0x1  }
0x91: {  	s17 =	sld [smem:$0x3FFB];
	_ =	sdelay $0x3  }
0x92: {  	_ =	strace s17  }
0x93: {  	s2 =	sld [smem:$0x3FFC];
	_ =	sdelay $0x3  }
0x94: {  	_ =	strace s2  }
0x95: {  	s2 =	sld [smem:$0x3FFD];
	_ =	sdelay $0x3  }
0x96: {  	_ =	strace s2  }
0x97: {  	_ =	strace $0x8FFFFFFF  }
0x98: {  	s18 =	sld [smem:$0x3FDB];
	_ =	sdelay $0x1  }
0x99: {  	s19 =	simm.s32 $_scs_section_size  }
0x9a: {  	s4 =	simm.s32 $_size__tile_overlayer_lowered;
	s5 =	simm.s32 $_tile_overlayer_lowered  }
0x9b: {  	s22 =	simm.s32 $0x1BFF;
	s21 =	sshll.u32 s5, $0x1;
	s2 =	sadd.s32 s19, s18  }
0x9c: {  	s6 =	simm.s32 $0x0;
	s20 =	sshll.u32 s4, $0x1;
	s4 =	sadd.s32 s21, s2  }
0x9d: {  	[timem:s6], [sflag:s22] =	dma.local [hbm:s4], s20  }
0x9e: {  	_ =	swait.ge [sflag:s22], s20  }
0x9f: {  	s3 =	ssub.s32 $0x0, s20;
	[sflag:s22] =	ssyncset.done $0x0  }
0xa0: {  	[sflag:s22] =	ssyncadd.s32 s3;
	_ =	sdelay $0x1  }
0xa1: {  	s23 =	simm.s32 $0x1B8B  }
0xa2: {  	_ =	swait.ge [sflag:s23], $0x1  }
0xa3: {  	[sflag:s23] =	ssyncset.done $0x0  }
0xa4: {  	s25 =	simm.s32 $0x1B8E;
	s24 =	sld [smem:$0x3FFE];
	[sflag:s23] =	ssyncadd.s32 $0xFFFFFFFF  }
0xa5: {  	s26 =	simm.s32 $execute0_lowered;
	[smem:$0x3FD2] =	sst s25  }
0xa6: {  	s4 =	sshll.u32 s26, $0x1;
	_ =	strace $0x80000046;
	[dreg:$0x1] =	wrdreg $0xFFFFFFFF  }
0xa7: {  	s28 =	simm.s32 $_size_execute0_lowered;
	s2 =	sadd.s32 s2, s4;
	[dreg:$0x0] =	wrdreg $0x0  }
0xa8: {  	s4 =	sshll.u32 s28, $0x1;
	[dreg:$0x2] =	wrdreg s2  }
0xa9: {  	[dreg:$0x3] =	wrdreg s4  }
0xaa: {  	[dreg:$0x4] =	wrdreg $0xC0  }
0xab: {  	_ =	task [dreg:s6], $0x5FFFF  }
0xac: {  	[dreg:$0x1] =	wrdreg $0xFFFFFFFF  }
0xad: {  	[dreg:$0x0] =	wrdreg $0x60  }
0xae: {  	[dreg:$0x2] =	wrdreg s24  }
0xaf: {  	[dreg:$0x3] =	wrdreg $0xA9800  }
0xb0: {  	[dreg:$0x4] =	wrdreg $0x9  }
0xb1: {  	_ =	task.clear_ibuf [dreg:s6], $0x5FFFF;
	_ =	strace $0x90000046  }
0xb2: {  	s29 =	simm.s32 $0x9;
	_ =	strace $0x80000048  }
0xb3: {  	_ =	swait.ge [sflag:s29], $0x1  }
0xb4: {  	[sflag:s29] =	ssyncadd.s32 $0xFFFFFFFF  }
0xb5: {  	_ =	strace $0x90000048  }
0xb6: {  	_ =	sfence  }
0xb7: {  	s30 =	sld [smem:$0x0];
	_ =	sdelay $0x2  }
0xb8: {  	s31 =	sshll.u32 s1, $0xD;
	s1 =	sshrl.u32 s1, $0x2  }
0xb9: {  	s3 =	sand.u32 $0x4000, s31;
	s1 =	sadd.s32 s1, s30  }
0xba: {  	s0 =	sor.u32 s3, s0;
	s1 =	sshll.u32 s1, $0x11  }
0xbb: {  	s0 =	sor.u32 s1, s0  }
0xbc: {  	s0 =	sadd.s32 $0x8F2B, s0  }
0xbd: {  	[sflag:s0] =	ssyncadd.remote.s32 $0x1  }
0xbe: {  	_ =	sfence.sel $0xFFFF  }
0xbf: {  	[dreg:$0x0] =	wrdreg $0xFFFFFFFF;
	(pc) =	sbr.abs _section_cstart, $3  }
0xc0: {  	[dreg:$0x1] =	wrdreg $0xFFFFFFFF  }
0xc1: {  	_ =	task.clear_ibuf [dreg:s6], $0x2FFFF;
	_ =	strace $0x9FFFFFFF  }
0xc2: {  	(tm) =	ssettm $0x7FFFFFFF  }
0xc3: {  	_ =	shalt  }
tec
execute0_lowered:
.L_overlay_start_1:
0x0: {  	(tag) =	ssettag $0x1  }
0x1: {  	s0 =	rddreg [dreg:$0x0]  }
0x2: {  	s2 =	rddreg [dreg:$0x1];
	s3 =	simm.s32 $0x0;
	s1 =	srdreg.scid  }
0x3: {  	s22 =	stileid.u32;
	s28 =	simm.s32 $0x8080;
	s29 =	simm.s32 $0x8180  }
0x4: {  	s30 =	simm.s32 $0x80;
	s31 =	simm.s32 $0x3;
	[smem:$0x7FF] =	sst s3  }
0x5: {  	s1 =	sand.u32 $0x1, s1;
	s4 =	sshll.u32 s22, $0x1;
	s20 =	sshrl.u32 s22, $0x2  }
0x6: {  	s16 =	sadd.s32 $0xC800, s0;
	s17 =	sadd.s32 $0x7800, s0;
	s7 =	smul.u32 $0x4E000, s22  }
0x7: {  	s13 =	sadd.s32 $0x296600, s0;
	s9 =	sadd.s32 $0x138000, s2;
	s15 =	smul.u32 $0x13800, s22  }
0x8: {  	s19 =	smul.u32 $0x2800, s22;
	p0 =	sne.s32 s22, $0xF;
	_ =	strace $0x80000047  }
0x9: {  	s5 =	sor.u32 s1, s4;
	s4 =	smul.u32 $0x13C00, s20;
	s20 =	sadd.s32 $0x2800, s0  }
0xa: {  	s21 =	ssub.s32 $0x2, s1;
	s14 =	smul.u32 $0x138800, s1;
	s6 =	sshll.u32 s5, $0x7  }
0xb: {  	s7 =	sshrl.u32 s7, $0x2;
	s8 =	sshrl.u32 s21, $0x1;
	s11 =	smul.u32 $0x1400, s5  }
0xc: {  	s5 =	smul.u32 $0x14000, s5;
	s6 =	sand.u32 $0x380, s6;
	s18 =	ssub.s32 s21, s8  }
0xd: {  	s15 =	sadd.s32 s15, s14;
	s14 =	sshrl.u32 s14, $0x3;
	s21 =	smul.u32 $0x1400, s1  }
0xe: {  	s1 =	smul.u32 $0x14000, s1;
	s4 =	sor.u32 s4, s6;
	s10 =	sadd.s32 s16, s5  }
0xf: {  	s6 =	sshrl.u32 s11, $0x3;
	s15 =	sshrl.u32 s15, $0x3;
	s14 =	sadd.s32 s13, s14  }
0x10: {  	s4 =	sshrl.u32 s4, $0x3;
	s11 =	sadd.s32 s17, s6;
	s12 =	sadd.s32 s20, s6  }
0x11: {  	s13 =	sadd.s32 s13, s15;
	s0 =	sadd.s32 s4, s0;
	s4 =	sadd.s32 s7, s2  }
0x12: {  	s14 =	sadd.s32 $0x27000, s14;
	s19 =	sadd.s32 s21, s19;
	s23 =	sadd.s32 $0x4000, s4  }
0x13: {  	s7 =	smul.u32 $0x28000, s22;
	s24 =	sadd.s32 $0x8000, s4;
	[dreg:$0x3] =	wrdreg s23  }
0x14: {  	s22 =	simm.s32 $0x4000;
	s25 =	sadd.s32 $0xC000, s4;
	[dreg:$0x4] =	wrdreg s24  }
0x15: {  	s26 =	sadd.s32 $0x10000, s4;
	s15 =	sadd.s32 $0x28C800, s0;
	[dreg:$0x5] =	wrdreg s25  }
0x16: {  	[dreg:$0x6] =	wrdreg s26;
	s8 =	sadd.s32 s7, s16;
	s16 =	smax.u32 s18, $0x1  }
0x17: {  	s23 =	sor.u32 $0x100, s19;
	s25 =	sor.u32 $0x80, s19;
	s0 =	sadd.s32 s1, s8  }
0x18: {  	s24 =	sshrl.u32 s23, $0x3;
	s26 =	sshrl.u32 s25, $0x3;
	s23 =	simm.s32 $0x1  }
0x19: {  	s25 =	simm.s32 $0x8000;
	s5 =	sadd.s32 $0x1000, s0;
	s18 =	sadd.s32 s24, s20  }
0x1a: {  	s19 =	sadd.s32 s24, s17;
	s20 =	sadd.s32 s26, s20;
	s21 =	sadd.s32 s26, s17  }
0x1b: {  	v0 =	vimm.f32 $0.0e+00;
	s24 =	simm.s32 $0x2;
	s0 =	simm.s32 $0x8200;
	s26 =	simm.s32 $0x0  }
.LBB2_1:
0x1c: {  	s1 =	simm.s32 $0x0;
	s17 =	simm.s32 $0x200  }
.LBB2_2:
0x1d: {  	p1 =	sne.s32 s17, $0xFE00;
	[tilespmem:s1+$0x4070] =	vst v0  }
0x1e: {  	[tilespmem:s1+$0x0] =	vst v0  }
0x1f: {  	[tilespmem:s1+$0x4000] =	vst v0  }
0x20: {  	[tilespmem:s1+$0x10] =	vst v0  }
0x21: {  	[tilespmem:s1+$0x4010] =	vst v0  }
0x22: {  	[tilespmem:s1+$0x20] =	vst v0  }
0x23: {  	[tilespmem:s1+$0x4020] =	vst v0  }
0x24: {  	[tilespmem:s1+$0x30] =	vst v0  }
0x25: {  	[tilespmem:s1+$0x4030] =	vst v0  }
0x26: {  	[tilespmem:s1+$0x40] =	vst v0  }
0x27: {  	[tilespmem:s1+$0x4040] =	vst v0  }
.Ltmp0:
0x28: {  	[tilespmem:s1+$0x50] =	vst v0;
	(pc) =	sbr.rel @p1 .LBB2_2-.Ltmp0, $4  }
0x29: {  	[tilespmem:s1+$0x4050] =	vst v0  }
0x2a: {  	[tilespmem:s1+$0x60] =	vst v0  }
0x2b: {  	[tilespmem:s1+$0x4060] =	vst v0  }
0x2c: {  	[tilespmem:s1+$0x70] =	vst v0;
	s1 =	sshra.s32 s17, $0x2;
	s17 =	sadd.s32 $0x200, s17  }
0x2d: {  	[tilespmem:s1+$0x4070] =	vst v0  }
0x2e: {  	[tilespmem:s1+$0x0] =	vst v0  }
0x2f: {  	[tilespmem:s1+$0x4000] =	vst v0  }
0x30: {  	[tilespmem:s1+$0x10] =	vst v0  }
0x31: {  	[tilespmem:s1+$0x4010] =	vst v0  }
0x32: {  	[tilespmem:s1+$0x20] =	vst v0  }
0x33: {  	[tilespmem:s1+$0x4020] =	vst v0  }
0x34: {  	[tilespmem:s1+$0x30] =	vst v0  }
0x35: {  	[tilespmem:s1+$0x4030] =	vst v0  }
0x36: {  	[tilespmem:s1+$0x40] =	vst v0  }
0x37: {  	[tilespmem:s1+$0x4040] =	vst v0  }
0x38: {  	[tilespmem:s1+$0x50] =	vst v0  }
0x39: {  	[tilespmem:s1+$0x4050] =	vst v0  }
0x3a: {  	[tilespmem:s1+$0x60] =	vst v0  }
0x3b: {  	[tilespmem:s1+$0x4060] =	vst v0  }
0x3c: {  	[tilespmem:s1+$0x70] =	vst v0  }
0x3d: {  	[spmem:s4] =	stream.linear.scatter [tilespmem:s3], [sflag:$0x1], $0x4000, $0x38;
	[tilespmem:$0x1E280] =	vst v63  }
0x3e: {  	s6 =	rddreg [dreg:$0x3]  }
0x3f: {  	[spmem:s6] =	stream.linear.scatter [tilespmem:s22], [sflag:$0x2], $0x4000, $0x38;
	[tilespmem:$0x1E280] =	vst v63  }
0x40: {  	s7 =	rddreg [dreg:$0x4]  }
0x41: {  	[spmem:s7] =	stream.linear.scatter [tilespmem:s3], [sflag:$0x1], $0x4000, $0x38;
	[tilespmem:$0x1E280] =	vst v63  }
0x42: {  	s8 =	rddreg [dreg:$0x5]  }
0x43: {  	[spmem:s8] =	stream.linear.scatter [tilespmem:s22], [sflag:$0x2], $0x4000, $0x38;
	[tilespmem:$0x1E280] =	vst v63  }
0x44: {  	s17 =	rddreg [dreg:$0x6]  }
0x45: {  	[spmem:s17] =	stream.linear.scatter [tilespmem:s3], [sflag:$0x1], $0x3800, $0x38;
	[tilespmem:$0x1E280] =	vst v63  }
0x46: {  	s1 =	simm.s32 @!p0 $0x4000  }
0x47: {  	[spmem:s9] =	stream.linear.scatter @!p0 [tilespmem:s1], [sflag:$0x2], $0x1000, $0x38;
	[tilespmem:$0x1E280] =	vst v63  }
0x48: {  	s17 =	simm.s32 $0x200;
	s1 =	simm.s32 $0x0  }
.LBB2_4:
0x49: {  	p1 =	sne.s32 s17, $0x9A00;
	[tilespmem:s1+$0x8270] =	vst v0  }
0x4a: {  	[tilespmem:s1+$0x8200] =	vst v0  }
0x4b: {  	[tilespmem:s1+$0x8210] =	vst v0  }
.Ltmp1:
0x4c: {  	[tilespmem:s1+$0x8220] =	vst v0;
	(pc) =	sbr.rel @p1 .LBB2_4-.Ltmp1, $4  }
0x4d: {  	[tilespmem:s1+$0x8230] =	vst v0  }
0x4e: {  	[tilespmem:s1+$0x8240] =	vst v0  }
0x4f: {  	[tilespmem:s1+$0x8250] =	vst v0  }
0x50: {  	[tilespmem:s1+$0x8260] =	vst v0;
	s1 =	sshra.s32 s17, $0x2;
	s17 =	sadd.s32 $0x200, s17  }
0x51: {  	[tilespmem:s1+$0x8270] =	vst v0  }
0x52: {  	[tilespmem:s1+$0x8200] =	vst v0  }
0x53: {  	[tilespmem:s1+$0x8210] =	vst v0  }
0x54: {  	[tilespmem:s1+$0x8220] =	vst v0  }
0x55: {  	[tilespmem:s1+$0x8230] =	vst v0  }
0x56: {  	[tilespmem:s1+$0x8240] =	vst v0  }
0x57: {  	[tilespmem:s1+$0x8250] =	vst v0  }
0x58: {  	[tilespmem:s1+$0x8260] =	vst v0  }
0x59: {  	[tilespmem:$0xA900] =	vst v0  }
0x5a: {  	[tilespmem:$0xA910] =	vst v0  }
0x5b: {  	_ =	swait.ge [sflag:s23], $0x4000  }
0x5c: {  	[sflag:s23] =	ssyncset.done $0x0  }
0x5d: {  	[sflag:s23] =	ssyncadd.s32 $0xFFFFC000  }
0x5e: {  	_ =	swait.ge [sflag:s23], $0x4000  }
0x5f: {  	[sflag:s23] =	ssyncset.done $0x0  }
0x60: {  	[sflag:s23] =	ssyncadd.s32 $0xFFFFC000  }
0x61: {  	_ =	swait.ge [sflag:s23], $0x3800  }
0x62: {  	[sflag:s23] =	ssyncset.done $0x0  }
0x63: {  	[sflag:s23] =	ssyncadd.s32 $0xFFFFC800  }
0x64: {  	_ =	swait.ge [sflag:s24], $0x4000  }
0x65: {  	[sflag:s24] =	ssyncset.done $0x0  }
0x66: {  	[sflag:s24] =	ssyncadd.s32 $0xFFFFC000  }
0x67: {  	_ =	swait.ge [sflag:s24], $0x4000  }
0x68: {  	[sflag:s24] =	ssyncset.done $0x0  }
0x69: {  	s1 =	simm.s32 @!p0 $0x2;
	[sflag:s24] =	ssyncadd.s32 $0xFFFFC000  }
0x6a: {  	_ =	swait.ge @!p0 [sflag:s1], $0x1000  }
0x6b: {  	[sflag:s1] =	ssyncset.done @!p0 $0x0  }
0x6c: {  	[sflag:s1] =	ssyncadd.s32 @!p0 $0xFFFFF000;
	s1 =	simm.s32 $0x0  }
0x6d: {  	[tilespmem:s1], [sflag:$0x1] =	stream.linear.gather [hbm4b:s10+s1], $0x4000, $0x38;
	[tilespmem:$0x1E280] =	vst v63  }
0x6e: {  	_ = 	snop  }
0x6f: {  	[tilespmem:s25], [sflag:$0x1] =	stream.linear.gather [hbm4b:s11+s1], $0x80, $0x38;
	[tilespmem:$0x1E280] =	vst v63  }
0x70: {  	s6 =	simm.s32 $0x8100;
	s17 =	smov.u32 s5  }
0x71: {  	[tilespmem:s6], [sflag:$0x1] =	stream.linear.gather [hbm4b:s12+s1], $0x80, $0x38;
	[tilespmem:$0x1E280] =	vst v63  }
.LBB2_6:
0x72: {  	s6 =	sadd.s32 $0xFFFFF800, s17  }
0x73: {  	[tilespmem:s22], [sflag:$0x2] =	stream.linear.gather [hbm4b:s6+s3], $0x4000, $0x38;
	[tilespmem:$0x1E280] =	vst v63  }
0x74: {  	s7 =	sadd.s32 s1, s21  }
0x75: {  	[tilespmem:s28], [sflag:$0x2] =	stream.linear.gather [hbm4b:s7+s3], $0x80, $0x38;
	[tilespmem:$0x1E280] =	vst v63  }
0x76: {  	s8 =	sadd.s32 s1, s20  }
0x77: {  	[tilespmem:s29], [sflag:$0x2] =	stream.linear.gather [hbm4b:s8+s3], $0x80, $0x38;
	[tilespmem:$0x1E280] =	vst v63  }
0x78: {  	_ =	swait.ge [sflag:s23], $0x4000  }
0x79: {  	[sflag:s23] =	ssyncset.done $0x0  }
0x7a: {  	[sflag:s23] =	ssyncadd.s32 $0xFFFFC000  }
0x7b: {  	_ =	swait.ge [sflag:s23], $0x80  }
0x7c: {  	[sflag:s23] =	ssyncset.done $0x0  }
0x7d: {  	[sflag:s23] =	ssyncadd.s32 $0xFFFFFF80  }
0x7e: {  	_ =	swait.ge [sflag:s23], $0x80  }
0x7f: {  	[sflag:s23] =	ssyncset.done $0x0  }
0x80: {  	[sflag:s23] =	ssyncadd.s32 $0xFFFFFF80  }
0x81: {  	[spmem:s2] =	stream.indirect.scatter.add.f32 [tilespmem:s3], [sflag:$0x3], $0x80, s25, s30, $0xb8;
	[tilespmem:$0x1E280] =	vst v63  }
0x82: {  	_ =	swait.ge [sflag:s31], $0x4000  }
0x83: {  	[sflag:s31] =	ssyncset.done $0x0  }
0x84: {  	[sflag:s31] =	ssyncadd.s32 $0xFFFFC000  }
0x85: {  	v1 =	vld [tilespmem:$0x8100];
	_ =	sdelay $0x4  }
0x86: {  	v1 =	vsub.f32 $0.0e+00, v1;
	_ =	sdelay $0x1  }
0x87: {  	v1 =	vmul.f32 $1.442695020e+00, v1;
	_ =	sdelay $0x1  }
0x88: {  	(erf) = vpow2.f32 v1;
	_ =	sdelay $0x8  }
0x89: {  	v1 =	vpop (erf)  }
0x8a: {  	v1 =	vadd.f32 $1.000000000e+00, v1;
	_ =	sdelay $0x1  }
0x8b: {  	(erf) = vrcp.f32 v1;
	_ =	sdelay $0x1  }
0x8c: {  	v1 =	vld [tilespmem:$0x8000];
	_ =	sdelay $0x6  }
0x8d: {  	v2 =	vpop (erf)  }
0x8e: {  	[tilespmem:v1+s0+$0x0] =	vst.idx.add.f32.msk $0xffff, v2  }
0x8f: {  	v1 =	vld [tilespmem:$0x8110];
	_ =	sdelay $0x4  }
0x90: {  	v1 =	vsub.f32 $0.0e+00, v1;
	_ =	sdelay $0x1  }
0x91: {  	v1 =	vmul.f32 $1.442695020e+00, v1;
	_ =	sdelay $0x1  }
0x92: {  	(erf) = vpow2.f32 v1;
	_ =	sdelay $0x8  }
0x93: {  	v1 =	vpop (erf)  }
0x94: {  	v1 =	vadd.f32 $1.000000000e+00, v1;
	_ =	sdelay $0x1  }
0x95: {  	(erf) = vrcp.f32 v1;
	_ =	sdelay $0x1  }
0x96: {  	v1 =	vld [tilespmem:$0x8010];
	_ =	sdelay $0x6  }
0x97: {  	v2 =	vpop (erf)  }
0x98: {  	[tilespmem:v1+s0+$0x0] =	vst.idx.add.f32.msk $0xffff, v2  }
0x99: {  	v1 =	vld [tilespmem:$0x8120];
	_ =	sdelay $0x4  }
0x9a: {  	v1 =	vsub.f32 $0.0e+00, v1;
	_ =	sdelay $0x1  }
0x9b: {  	v1 =	vmul.f32 $1.442695020e+00, v1;
	_ =	sdelay $0x1  }
0x9c: {  	(erf) = vpow2.f32 v1;
	_ =	sdelay $0x8  }
0x9d: {  	v1 =	vpop (erf)  }
0x9e: {  	v1 =	vadd.f32 $1.000000000e+00, v1;
	_ =	sdelay $0x1  }
0x9f: {  	(erf) = vrcp.f32 v1;
	_ =	sdelay $0x1  }
0xa0: {  	v1 =	vld [tilespmem:$0x8020];
	_ =	sdelay $0x6  }
0xa1: {  	v2 =	vpop (erf)  }
0xa2: {  	[tilespmem:v1+s0+$0x0] =	vst.idx.add.f32.msk $0xffff, v2  }
0xa3: {  	v1 =	vld [tilespmem:$0x8130];
	_ =	sdelay $0x4  }
0xa4: {  	v1 =	vsub.f32 $0.0e+00, v1;
	_ =	sdelay $0x1  }
0xa5: {  	v1 =	vmul.f32 $1.442695020e+00, v1;
	_ =	sdelay $0x1  }
0xa6: {  	(erf) = vpow2.f32 v1;
	_ =	sdelay $0x8  }
0xa7: {  	v1 =	vpop (erf)  }
0xa8: {  	v1 =	vadd.f32 $1.000000000e+00, v1;
	_ =	sdelay $0x1  }
0xa9: {  	(erf) = vrcp.f32 v1;
	_ =	sdelay $0x1  }
0xaa: {  	v1 =	vld [tilespmem:$0x8030];
	_ =	sdelay $0x6  }
0xab: {  	v2 =	vpop (erf)  }
0xac: {  	[tilespmem:v1+s0+$0x0] =	vst.idx.add.f32.msk $0xffff, v2  }
0xad: {  	v1 =	vld [tilespmem:$0x8140];
	_ =	sdelay $0x4  }
0xae: {  	v1 =	vsub.f32 $0.0e+00, v1;
	_ =	sdelay $0x1  }
0xaf: {  	v1 =	vmul.f32 $1.442695020e+00, v1;
	_ =	sdelay $0x1  }
0xb0: {  	(erf) = vpow2.f32 v1;
	_ =	sdelay $0x8  }
0xb1: {  	v1 =	vpop (erf)  }
0xb2: {  	v1 =	vadd.f32 $1.000000000e+00, v1;
	_ =	sdelay $0x1  }
0xb3: {  	(erf) = vrcp.f32 v1;
	_ =	sdelay $0x1  }
0xb4: {  	v1 =	vld [tilespmem:$0x8040];
	_ =	sdelay $0x6  }
0xb5: {  	v2 =	vpop (erf)  }
0xb6: {  	[tilespmem:v1+s0+$0x0] =	vst.idx.add.f32.msk $0xffff, v2  }
0xb7: {  	v1 =	vld [tilespmem:$0x8150];
	_ =	sdelay $0x4  }
0xb8: {  	v1 =	vsub.f32 $0.0e+00, v1;
	_ =	sdelay $0x1  }
0xb9: {  	v1 =	vmul.f32 $1.442695020e+00, v1;
	_ =	sdelay $0x1  }
0xba: {  	(erf) = vpow2.f32 v1;
	_ =	sdelay $0x8  }
0xbb: {  	v1 =	vpop (erf)  }
0xbc: {  	v1 =	vadd.f32 $1.000000000e+00, v1;
	_ =	sdelay $0x1  }
0xbd: {  	(erf) = vrcp.f32 v1;
	_ =	sdelay $0x1  }
0xbe: {  	v1 =	vld [tilespmem:$0x8050];
	_ =	sdelay $0x6  }
0xbf: {  	v2 =	vpop (erf)  }
0xc0: {  	[tilespmem:v1+s0+$0x0] =	vst.idx.add.f32.msk $0xffff, v2  }
0xc1: {  	v1 =	vld [tilespmem:$0x8160];
	_ =	sdelay $0x4  }
0xc2: {  	v1 =	vsub.f32 $0.0e+00, v1;
	_ =	sdelay $0x1  }
0xc3: {  	v1 =	vmul.f32 $1.442695020e+00, v1;
	_ =	sdelay $0x1  }
0xc4: {  	(erf) = vpow2.f32 v1;
	_ =	sdelay $0x8  }
0xc5: {  	v1 =	vpop (erf)  }
0xc6: {  	v1 =	vadd.f32 $1.000000000e+00, v1;
	_ =	sdelay $0x1  }
0xc7: {  	(erf) = vrcp.f32 v1;
	_ =	sdelay $0x1  }
0xc8: {  	v1 =	vld [tilespmem:$0x8060];
	_ =	sdelay $0x6  }
0xc9: {  	v2 =	vpop (erf)  }
0xca: {  	[tilespmem:v1+s0+$0x0] =	vst.idx.add.f32.msk $0xffff, v2  }
0xcb: {  	v1 =	vld [tilespmem:$0x8170];
	_ =	sdelay $0x4  }
0xcc: {  	v1 =	vsub.f32 $0.0e+00, v1;
	_ =	sdelay $0x1  }
0xcd: {  	v1 =	vmul.f32 $1.442695020e+00, v1;
	_ =	sdelay $0x1  }
0xce: {  	(erf) = vpow2.f32 v1;
	_ =	sdelay $0x8  }
0xcf: {  	v1 =	vpop (erf)  }
0xd0: {  	v1 =	vadd.f32 $1.000000000e+00, v1;
	_ =	sdelay $0x1  }
0xd1: {  	(erf) = vrcp.f32 v1;
	_ =	sdelay $0x1  }
0xd2: {  	v1 =	vld [tilespmem:$0x8070];
	_ =	sdelay $0x6  }
0xd3: {  	p1 =	seq.s32 s1, $0x260;
	v2 =	vpop (erf)  }
0xd4: {  	s6 =	simm.s32 @!p1 $0x0;
	[tilespmem:v1+s0+$0x0] =	vst.idx.add.f32.msk $0xffff, v2  }
0xd5: {  	[tilespmem:s6], [sflag:$0x1] =	stream.linear.gather @!p1 [hbm4b:s17+s6], $0x4000, $0x38;
	[tilespmem:$0x1E280] =	vst v63  }
0xd6: {  	s7 =	sadd.s32 @!p1 s1, s19;
	s8 =	simm.s32 @!p1 $0x8000  }
0xd7: {  	[tilespmem:s8], [sflag:$0x1] =	stream.linear.gather @!p1 [hbm4b:s7+s6], $0x80, $0x38;
	[tilespmem:$0x1E280] =	vst v63  }
0xd8: {  	s7 =	sadd.s32 @!p1 s1, s18;
	s8 =	simm.s32 @!p1 $0x8100  }
0xd9: {  	[tilespmem:s8], [sflag:$0x1] =	stream.linear.gather @!p1 [hbm4b:s7+s6], $0x80, $0x38;
	[tilespmem:$0x1E280] =	vst v63  }
0xda: {  	_ =	swait.ge [sflag:s24], $0x4000  }
0xdb: {  	[sflag:s24] =	ssyncset.done $0x0  }
0xdc: {  	[sflag:s24] =	ssyncadd.s32 $0xFFFFC000  }
0xdd: {  	_ =	swait.ge [sflag:s24], $0x80  }
0xde: {  	[sflag:s24] =	ssyncset.done $0x0  }
0xdf: {  	[sflag:s24] =	ssyncadd.s32 $0xFFFFFF80  }
0xe0: {  	_ =	swait.ge [sflag:s24], $0x80  }
0xe1: {  	[sflag:s24] =	ssyncset.done $0x0  }
0xe2: {  	[sflag:s24] =	ssyncadd.s32 $0xFFFFFF80  }
0xe3: {  	[spmem:s2] =	stream.indirect.scatter.add.f32 [tilespmem:s22], [sflag:$0x3], $0x80, s28, s30, $0xb8;
	[tilespmem:$0x1E280] =	vst v63  }
0xe4: {  	_ =	swait.ge [sflag:s31], $0x4000  }
0xe5: {  	[sflag:s31] =	ssyncset.done $0x0  }
0xe6: {  	[sflag:s31] =	ssyncadd.s32 $0xFFFFC000  }
0xe7: {  	v1 =	vld [tilespmem:$0x8180];
	_ =	sdelay $0x4  }
0xe8: {  	v1 =	vsub.f32 $0.0e+00, v1;
	_ =	sdelay $0x1  }
0xe9: {  	v1 =	vmul.f32 $1.442695020e+00, v1;
	_ =	sdelay $0x1  }
0xea: {  	(erf) = vpow2.f32 v1;
	_ =	sdelay $0x8  }
0xeb: {  	v1 =	vpop (erf)  }
0xec: {  	v1 =	vadd.f32 $1.000000000e+00, v1;
	_ =	sdelay $0x1  }
0xed: {  	(erf) = vrcp.f32 v1;
	_ =	sdelay $0x1  }
0xee: {  	v1 =	vld [tilespmem:$0x8080];
	_ =	sdelay $0x6  }
0xef: {  	v2 =	vpop (erf)  }
0xf0: {  	[tilespmem:v1+s0+$0x0] =	vst.idx.add.f32.msk $0xffff, v2  }
0xf1: {  	v1 =	vld [tilespmem:$0x8190];
	_ =	sdelay $0x4  }
0xf2: {  	v1 =	vsub.f32 $0.0e+00, v1;
	_ =	sdelay $0x1  }
0xf3: {  	v1 =	vmul.f32 $1.442695020e+00, v1;
	_ =	sdelay $0x1  }
0xf4: {  	(erf) = vpow2.f32 v1;
	_ =	sdelay $0x8  }
0xf5: {  	v1 =	vpop (erf)  }
0xf6: {  	v1 =	vadd.f32 $1.000000000e+00, v1;
	_ =	sdelay $0x1  }
0xf7: {  	(erf) = vrcp.f32 v1;
	_ =	sdelay $0x1  }
0xf8: {  	v1 =	vld [tilespmem:$0x8090];
	_ =	sdelay $0x6  }
0xf9: {  	v2 =	vpop (erf)  }
0xfa: {  	[tilespmem:v1+s0+$0x0] =	vst.idx.add.f32.msk $0xffff, v2  }
0xfb: {  	v1 =	vld [tilespmem:$0x81A0];
	_ =	sdelay $0x4  }
0xfc: {  	v1 =	vsub.f32 $0.0e+00, v1;
	_ =	sdelay $0x1  }
0xfd: {  	v1 =	vmul.f32 $1.442695020e+00, v1;
	_ =	sdelay $0x1  }
0xfe: {  	(erf) = vpow2.f32 v1;
	_ =	sdelay $0x8  }
0xff: {  	v1 =	vpop (erf)  }
0x100: {  	v1 =	vadd.f32 $1.000000000e+00, v1;
	_ =	sdelay $0x1  }
0x101: {  	(erf) = vrcp.f32 v1;
	_ =	sdelay $0x1  }
0x102: {  	v1 =	vld [tilespmem:$0x80A0];
	_ =	sdelay $0x6  }
0x103: {  	v2 =	vpop (erf)  }
0x104: {  	[tilespmem:v1+s0+$0x0] =	vst.idx.add.f32.msk $0xffff, v2  }
0x105: {  	v1 =	vld [tilespmem:$0x81B0];
	_ =	sdelay $0x4  }
0x106: {  	v1 =	vsub.f32 $0.0e+00, v1;
	_ =	sdelay $0x1  }
0x107: {  	v1 =	vmul.f32 $1.442695020e+00, v1;
	_ =	sdelay $0x1  }
0x108: {  	(erf) = vpow2.f32 v1;
	_ =	sdelay $0x8  }
0x109: {  	v1 =	vpop (erf)  }
0x10a: {  	v1 =	vadd.f32 $1.000000000e+00, v1;
	_ =	sdelay $0x1  }
0x10b: {  	(erf) = vrcp.f32 v1;
	_ =	sdelay $0x1  }
0x10c: {  	v1 =	vld [tilespmem:$0x80B0];
	_ =	sdelay $0x6  }
0x10d: {  	v2 =	vpop (erf)  }
0x10e: {  	[tilespmem:v1+s0+$0x0] =	vst.idx.add.f32.msk $0xffff, v2  }
0x10f: {  	v1 =	vld [tilespmem:$0x81C0];
	_ =	sdelay $0x4  }
0x110: {  	v1 =	vsub.f32 $0.0e+00, v1;
	_ =	sdelay $0x1  }
0x111: {  	v1 =	vmul.f32 $1.442695020e+00, v1;
	_ =	sdelay $0x1  }
0x112: {  	(erf) = vpow2.f32 v1;
	_ =	sdelay $0x8  }
0x113: {  	v1 =	vpop (erf)  }
0x114: {  	v1 =	vadd.f32 $1.000000000e+00, v1;
	_ =	sdelay $0x1  }
0x115: {  	(erf) = vrcp.f32 v1;
	_ =	sdelay $0x1  }
0x116: {  	v1 =	vld [tilespmem:$0x80C0];
	_ =	sdelay $0x6  }
0x117: {  	v2 =	vpop (erf)  }
0x118: {  	[tilespmem:v1+s0+$0x0] =	vst.idx.add.f32.msk $0xffff, v2  }
0x119: {  	v1 =	vld [tilespmem:$0x81D0];
	_ =	sdelay $0x4  }
0x11a: {  	v1 =	vsub.f32 $0.0e+00, v1;
	_ =	sdelay $0x1  }
0x11b: {  	v1 =	vmul.f32 $1.442695020e+00, v1;
	_ =	sdelay $0x1  }
0x11c: {  	(erf) = vpow2.f32 v1;
	_ =	sdelay $0x8  }
0x11d: {  	v1 =	vpop (erf)  }
0x11e: {  	v1 =	vadd.f32 $1.000000000e+00, v1;
	_ =	sdelay $0x1  }
0x11f: {  	(erf) = vrcp.f32 v1;
	_ =	sdelay $0x1  }
0x120: {  	v1 =	vld [tilespmem:$0x80D0];
	_ =	sdelay $0x6  }
0x121: {  	v2 =	vpop (erf)  }
0x122: {  	[tilespmem:v1+s0+$0x0] =	vst.idx.add.f32.msk $0xffff, v2  }
0x123: {  	v1 =	vld [tilespmem:$0x81E0];
	_ =	sdelay $0x4  }
0x124: {  	v1 =	vsub.f32 $0.0e+00, v1;
	_ =	sdelay $0x1  }
0x125: {  	v1 =	vmul.f32 $1.442695020e+00, v1;
	_ =	sdelay $0x1  }
0x126: {  	(erf) = vpow2.f32 v1;
	_ =	sdelay $0x8  }
0x127: {  	v1 =	vpop (erf)  }
0x128: {  	v1 =	vadd.f32 $1.000000000e+00, v1;
	_ =	sdelay $0x1  }
0x129: {  	(erf) = vrcp.f32 v1;
	_ =	sdelay $0x1  }
0x12a: {  	v1 =	vld [tilespmem:$0x80E0];
	_ =	sdelay $0x6  }
0x12b: {  	v2 =	vpop (erf)  }
0x12c: {  	[tilespmem:v1+s0+$0x0] =	vst.idx.add.f32.msk $0xffff, v2  }
0x12d: {  	v1 =	vld [tilespmem:$0x81F0];
	_ =	sdelay $0x4  }
0x12e: {  	v1 =	vsub.f32 $0.0e+00, v1;
	_ =	sdelay $0x1  }
0x12f: {  	v1 =	vmul.f32 $1.442695020e+00, v1;
	_ =	sdelay $0x1  }
0x130: {  	(erf) = vpow2.f32 v1;
	_ =	sdelay $0x8  }
0x131: {  	v1 =	vpop (erf)  }
0x132: {  	v1 =	vadd.f32 $1.000000000e+00, v1;
	_ =	sdelay $0x1  }
0x133: {  	(erf) = vrcp.f32 v1;
	_ =	sdelay $0x1  }
0x134: {  	v1 =	vld [tilespmem:$0x80F0];
	_ =	sdelay $0x1  }
0x135: {  	s1 =	sadd.s32 $0x20, s1  }
0x136: {  	p1 =	sne.s32 s1, $0x280  }
.Ltmp2:
0x137: {  	_ = 	snop;
	(pc) =	sbr.rel @p1 .LBB2_6-.Ltmp2, $3  }
0x138: {  	_ =	sdelay $0x1  }
0x139: {  	v2 =	vpop (erf)  }
0x13a: {  	s17 =	sadd.s32 $0x1000, s17;
	[tilespmem:v1+s0+$0x0] =	vst.idx.add.f32.msk $0xffff, v2  }
0x13b: {  	s1 =	stileid.u32  }
0x13c: {  	s1 =	sshll.u32 s1, $0x6  }
0x13d: {  	[bflag:$0x0] =	sbarrier.arrive $0xFFFF;
	s6 =	sshrl.u32 s4, $0x3;
	s1 =	sor.u32 $0x1C03, s1  }
0x13e: {  	[hbm:s13], [sflag:s1] =	dma.local [spmem:s6], $0x2700  }
0x13f: {  	_ =	swait.ge [sflag:s31], $0x2700  }
0x140: {  	[sflag:s31] =	ssyncset.done $0x0  }
0x141: {  	s6 =	sshrl.u32 @!p0 s9, $0x3;
	[sflag:s31] =	ssyncadd.s32 $0xFFFFD900  }
0x142: {  	[hbm:s14], [sflag:s1] =	dma.local @!p0 [spmem:s6], $0x100  }
0x143: {  	s1 =	simm.s32 @!p0 $0x3  }
0x144: {  	s26 =	sadd.s32 $0x1, s26;
	_ =	swait.ge @!p0 [sflag:s1], $0x100  }
0x145: {  	p1 =	sne.s32 s26, s16;
	[sflag:s1] =	ssyncset.done @!p0 $0x0  }
.Ltmp3:
0x146: {  	s17 =	simm.s32 $0x400;
	[sflag:s1] =	ssyncadd.s32 @!p0 $0xFFFFFF00;
	(pc) =	sbr.rel @p1 .LBB2_1-.Ltmp3, $4  }
0x147: {  	[hbm4b:s15+s30] =	stream.strided.scatter [tilespmem:s0], [sflag:$0x3], $0x2780, s17, s30, $0x38;
	[tilespmem:$0x1E280] =	vst v63  }
0x148: {  	_ =	swait.ge [sflag:s31], $0x2780  }
0x149: {  	[sflag:s31] =	ssyncset.done $0x0  }
0x14a: {  	[sflag:s31] =	ssyncadd.s32 $0xFFFFD880  }
0x14b: {  	_ =	sfence.sel $0x180000  }
0x14c: {  	[bflag:$0x0] =	sbarrier.arrive $0xFFFF  }
0x14d: {  	_ =	strace $0x90000047  }
0x14e: {  	s0 =	stileid.u32;
	[bflag:$0x2] =	sbarrier.arrive $0xFFFF  }
0x14f: {  	p0 =	sne.s32 s0, $0x0;
	s0 =	rddreg [dreg:$0x2]  }
0x150: {  	s0 =	sadd.s32 @!p0 $0x100000, s0  }
0x151: {  	[sflag:s0] =	ssyncadd.tile.s32 @!p0 $0x1;
	_ =	shalt  }
.Lfunc_end2:
_tile_overlayer_lowered:
.L_overlay_start_2:
0x152: {  	(tag) =	ssettag $0x2  }
0x153: {  	s0 =	rddreg [dreg:$0x0];
	s2 =	stileid.u32  }
0x154: {  	s1 =	rddreg [dreg:$0x1];
	p0 =	sne.s32 s2, $0x0  }
0x155: {  	s3 =	rddreg [dreg:$0x2];
	[bflag:$0x3] =	sbarrier.arrive $0xFFFF;
	s2 =	simm.s32 @!p0 $0x1C03  }
0x156: {  	[timem:s3], [sflag:s2] =	dma.local @!p0 [hbm:s0], s1  }
0x157: {  	s0 =	simm.s32 @!p0 $0x3  }
0x158: {  	_ =	swait.ge @!p0 [sflag:s0], s1  }
0x159: {  	s1 =	ssub.s32 @!p0 $0x0, s1;
	[sflag:s0] =	ssyncset.done @!p0 $0x0  }
0x15a: {  	[sflag:s0] =	ssyncadd.s32 @!p0 s1  }
0x15b: {  	[bflag:$0x3] =	sbarrier.arrive $0xFFFF  }
0x15c: {  	_ =	shalt  }

</sc_bundles>
